<compile_context>
chip_gen: v7x
topology: tpu7x:2x2x1
jax: 0.10.2.dev20260603
libtpu: 0.0.44.dev20260713+nightly
codegen_flags: <defaults>
</compile_context>

<pallas_src>
import functools

import jax
import jax.numpy as jnp
from jax import lax
from jax.experimental import pallas as pl
from jax.experimental.pallas import tpu as pltpu
from jax.experimental.pallas import tpu_sc as plsc

_L = 16
_NC = 2
_NS = 16
_NW = _NC * _NS
_CH = 128
_LAMBDA = 0.01


def _rsqrt(x):
    i = plsc.bitcast(x, jnp.int32)
    i = jnp.int32(0x5F3759DF) - (i >> 1)
    y = plsc.bitcast(i, jnp.float32)
    for _ in range(3):
        y = y * (1.5 - 0.5 * x * y * y)
    return y


@functools.lru_cache(maxsize=None)
def _make_sc_kernel(V, D, C):
    mesh = plsc.VectorSubcoreMesh(core_axis_name="c", subcore_axis_name="s")

    @functools.partial(
        pl.kernel,
        mesh=mesh,
        out_type=[
            jax.ShapeDtypeStruct((_NW, _L), jnp.float32),
            jax.ShapeDtypeStruct((_NW, _L), jnp.float32),
        ],
        scratch_types=[
            pltpu.VMEM((C * _CH,), jnp.int32),
            pltpu.VMEM((C * _CH,), jnp.int32),
            pltpu.VMEM((C * _CH,), jnp.float32),
            pltpu.VMEM((_CH, D), jnp.float32),
            pltpu.VMEM((_CH, D), jnp.float32),
            pltpu.VMEM((_L,), jnp.float32),
            pltpu.VMEM((_L,), jnp.float32),
            pltpu.SemaphoreType.DMA,
            pltpu.SemaphoreType.DMA,
        ],
        compiler_params=pltpu.CompilerParams(
            needs_layout_passes=False, use_tc_tiling_on_sc=False),
    )
    def sc_kernel(idx1_hbm, idx2_hbm, sc_hbm, cb_hbm, out_t, out_c,
                  idx1_v, idx2_v, sc_v, r1, r2, st_t, st_c, sem1, sem2):
        wid = lax.axis_index("s") * _NC + lax.axis_index("c")
        pltpu.sync_copy(idx1_hbm.at[wid], idx1_v)
        pltpu.sync_copy(idx2_hbm.at[wid], idx2_v)
        pltpu.sync_copy(sc_hbm.at[wid], sc_v)

        lane = lax.iota(jnp.int32, _L)
        zeros = jnp.zeros((_L,), jnp.float32)
        ones = jnp.ones((_L,), jnp.float32)

        def chunk_body(c, carry):
            cp1 = pltpu.async_copy(cb_hbm.at[idx1_v.at[pl.ds(c * _CH, _CH)]], r1, sem1)
            cp2 = pltpu.async_copy(cb_hbm.at[idx2_v.at[pl.ds(c * _CH, _CH)]], r2, sem2)
            cp1.wait()
            cp2.wait()

            def group_body(g, carry2):
                acc_t, acc_c = carry2
                pvec = g * _L + lane
                dot = zeros
                n1 = zeros
                n2 = zeros
                for d in range(D):
                    dvec = (d + lane) & (D - 1)
                    a = plsc.load_gather(r1, [pvec, dvec])
                    b = plsc.load_gather(r2, [pvec, dvec])
                    dot = dot + a * b
                    n1 = n1 + a * a
                    n2 = n2 + b * b
                i1 = plsc.load_gather(idx1_v, [c * _CH + pvec])
                i2 = plsc.load_gather(idx2_v, [c * _CH + pvec])
                s = plsc.load_gather(sc_v, [c * _CH + pvec])
                valid = (i1 != i2) & (i1 < V) & (i2 < V)
                validf = jnp.where(valid, ones, zeros)
                inv1 = _rsqrt(jnp.maximum(n1, 1e-24))
                inv2 = _rsqrt(jnp.maximum(n2, 1e-24))
                w = s * validf * dot * inv1 * inv2
                return acc_t + w, acc_c + validf

            return lax.fori_loop(0, _CH // _L, group_body, carry)

        acc_t, acc_c = lax.fori_loop(0, C // 2, chunk_body, (zeros, zeros))
        st_t[...] = acc_t
        st_c[...] = acc_c
        pltpu.sync_copy(st_t, out_t.at[wid])
        pltpu.sync_copy(st_c, out_c.at[wid])

    return sc_kernel


def kernel(codebook, pair_idx1, pair_idx2, pair_scores):
    V, D = codebook.shape
    P = pair_idx1.shape[0]
    C = -(-P // (_NW * _CH))
    P_pad = _NW * C * _CH
    pad = P_pad - P
    idx1 = jnp.pad(pair_idx1, (0, pad)).reshape(_NW, C * _CH)
    idx2 = jnp.pad(pair_idx2, (0, pad)).reshape(_NW, C * _CH)
    sc = jnp.pad(pair_scores, (0, pad)).reshape(_NW, C * _CH)

    out_t, out_c = _make_sc_kernel(V, D, C)(idx1, idx2, sc, codebook)
    total = jnp.sum(out_t)
    n = jnp.sum(out_c)
    avg = jnp.where(n > 0, total / jnp.maximum(n, 1.0), 0.0)
    return jnp.where(n > 0, -_LAMBDA * avg, 0.0)

# --- scband reference (transcript-rebuilt; emitter-appended) ---
"""Pipeline reference for scband-semantic-feedback-loss-17875653886597 (READ-ONLY COPY).

The authoritative reference and input builder live on the scoring server;
editing this copy changes nothing except your own understanding.
"""

import jax, jax.numpy as jnp
import numpy as np

V = 100000
D = 64
P = 100000
LAMBDA_SEMANTIC = 0.01


def setup_inputs(seed: int = 0) -> dict:
    key = jax.random.key(seed)
    k1, k2, k3, k4 = jax.random.split(key, 4)
    codebook = jax.random.normal(k1, (V, D), dtype=jnp.float32)
    pair_idx1 = jax.random.randint(k2, (P,), 0, V, dtype=jnp.int32)
    pair_idx2 = jax.random.randint(k3, (P,), 0, V, dtype=jnp.int32)
    pair_scores = jax.random.uniform(k4, (P,), dtype=jnp.float32)
    return {
        "codebook": codebook,
        "pair_idx1": pair_idx1,
        "pair_idx2": pair_idx2,
        "pair_scores": pair_scores,
    }


def reference(codebook, pair_idx1, pair_idx2, pair_scores):
    # codebook: (V, d) active codebook; pairs: (i1, i2, score) decomposed into arrays.
    Vv = codebook.shape[0]
    # F.normalize(codebook, dim=-1): x / max(||x||_2, eps), eps=1e-12
    norm = jnp.maximum(jnp.linalg.norm(codebook, axis=-1, keepdims=True), 1e-12)
    cb_n = codebook / norm
    # validity mask: i1 < V, i2 < V, i1 != i2
    valid = (pair_idx1 < Vv) & (pair_idx2 < Vv) & (pair_idx1 != pair_idx2)
    e1 = jnp.take(cb_n, pair_idx1, axis=0)
    e2 = jnp.take(cb_n, pair_idx2, axis=0)
    cos_sim = jnp.sum(e1 * e2, axis=-1)
    weighted = cos_sim * pair_scores * valid.astype(cos_sim.dtype)
    total_sem = jnp.sum(weighted)
    n_valid = jnp.sum(valid.astype(jnp.float32))
    avg_sem = jnp.where(n_valid > 0, total_sem / jnp.maximum(n_valid, 1.0), 0.0)
    loss = jnp.where(n_valid > 0, -LAMBDA_SEMANTIC * avg_sem, 0.0)
    return loss

if __name__ == "__main__":
    import jax
    _d = setup_inputs()
    print(jax.jit(kernel)(*tuple(_d.values())))

</pallas_src>

<mosaic_0001>
#map = affine_map<(d0, d1) -> (0, 0)>
module attributes {stable_mosaic.version = 14 : i64} {
  func.func @sc_kernel(%arg0: i32, %arg1: i32, %arg2: memref<32x3200xi32, #tpu.memory_space<hbm>>, %arg3: memref<32x3200xi32, #tpu.memory_space<hbm>>, %arg4: memref<32x3200xf32, #tpu.memory_space<hbm>>, %arg5: memref<100000x64xf32, #tpu.memory_space<hbm>>, %arg6: memref<32x16xf32, #tpu.memory_space<hbm>>, %arg7: memref<32x16xf32, #tpu.memory_space<hbm>>, %arg8: memref<3200xi32, #tpu.memory_space<vmem>>, %arg9: memref<3200xi32, #tpu.memory_space<vmem>>, %arg10: memref<3200xf32, #tpu.memory_space<vmem>>, %arg11: memref<128x64xf32, #tpu.memory_space<vmem>>, %arg12: memref<128x64xf32, #tpu.memory_space<vmem>>, %arg13: memref<16xf32, #tpu.memory_space<vmem>>, %arg14: memref<16xf32, #tpu.memory_space<vmem>>, %arg15: memref<!tpu.dma_semaphore, #tpu.memory_space<semaphore_mem>>, %arg16: memref<!tpu.dma_semaphore, #tpu.memory_space<semaphore_mem>>) attributes {dimension_semantics = [#tpu.dimension_semantics<core_parallel>, #tpu.dimension_semantics<subcore_parallel>], iteration_bounds = array<i64: 2, 16>, scalar_prefetch = 0 : i64, scratch_operands = 9 : i64, tpu.core_type = #tpu.core_type<sc_vector_subcore>, window_params = [{transform_indices = #map}, {transform_indices = #map}, {transform_indices = #map}, {transform_indices = #map}, {transform_indices = #map}, {transform_indices = #map}]} {
    %mul3A = arith.constant 2 : i32
    %mul3A_0 = arith.muli %arg1, %mul3A : i32
    %add3A = arith.addi %mul3A_0, %arg0 : i32
    "tpu.region"() ({
      %run_scoped3A = tpu.sem_alloc : memref<!tpu.dma_semaphore, #tpu.memory_space<semaphore_mem>>
      %dma_start3A = arith.constant 0 : i32
      %dma_start3A_12 = tpu.memref_slice %arg2[%add3A, %dma_start3A] : memref<32x3200xi32, #tpu.memory_space<hbm>> -> memref<1x3200xi32, #tpu.memory_space<hbm>>
      %dma_start3A_13 = tpu.memref_squeeze %dma_start3A_12 : memref<1x3200xi32, #tpu.memory_space<hbm>> -> memref<3200xi32, #tpu.memory_space<hbm>>
      %dma_start3A_14 = arith.constant 0 : i32
      %dma_start3A_15 = tpu.memref_slice %arg2[%add3A, %dma_start3A_14] : memref<32x3200xi32, #tpu.memory_space<hbm>> -> memref<1x3200xi32, #tpu.memory_space<hbm>>
      %dma_start3A_16 = tpu.memref_squeeze %dma_start3A_15 : memref<1x3200xi32, #tpu.memory_space<hbm>> -> memref<3200xi32, #tpu.memory_space<hbm>>
      tpu.enqueue_dma source(%dma_start3A_16 : memref<3200xi32, #tpu.memory_space<hbm>>) target(%arg8 : memref<3200xi32, #tpu.memory_space<vmem>>) target_semaphore(%run_scoped3A : memref<!tpu.dma_semaphore, #tpu.memory_space<semaphore_mem>>)
      %dma_wait3A = arith.constant 0 : i32
      %dma_wait3A_17 = tpu.memref_slice %arg2[%add3A, %dma_wait3A] : memref<32x3200xi32, #tpu.memory_space<hbm>> -> memref<1x3200xi32, #tpu.memory_space<hbm>>
      %dma_wait3A_18 = tpu.memref_squeeze %dma_wait3A_17 : memref<1x3200xi32, #tpu.memory_space<hbm>> -> memref<3200xi32, #tpu.memory_space<hbm>>
      %dma_wait3A_19 = arith.constant 0 : i32
      %dma_wait3A_20 = tpu.memref_slice %arg2[%add3A, %dma_wait3A_19] : memref<32x3200xi32, #tpu.memory_space<hbm>> -> memref<1x3200xi32, #tpu.memory_space<hbm>>
      %dma_wait3A_21 = tpu.memref_squeeze %dma_wait3A_20 : memref<1x3200xi32, #tpu.memory_space<hbm>> -> memref<3200xi32, #tpu.memory_space<hbm>>
      tpu.wait_dma2 semaphore(%run_scoped3A : memref<!tpu.dma_semaphore, #tpu.memory_space<semaphore_mem>>) src(%dma_wait3A_21 : memref<3200xi32, #tpu.memory_space<hbm>>) dst(%arg8 : memref<3200xi32, #tpu.memory_space<vmem>>)
      tpu.yield
    }) : () -> ()
    "tpu.region"() ({
      %run_scoped3A = tpu.sem_alloc : memref<!tpu.dma_semaphore, #tpu.memory_space<semaphore_mem>>
      %dma_start3A = arith.constant 0 : i32
      %dma_start3A_12 = tpu.memref_slice %arg3[%add3A, %dma_start3A] : memref<32x3200xi32, #tpu.memory_space<hbm>> -> memref<1x3200xi32, #tpu.memory_space<hbm>>
      %dma_start3A_13 = tpu.memref_squeeze %dma_start3A_12 : memref<1x3200xi32, #tpu.memory_space<hbm>> -> memref<3200xi32, #tpu.memory_space<hbm>>
      %dma_start3A_14 = arith.constant 0 : i32
      %dma_start3A_15 = tpu.memref_slice %arg3[%add3A, %dma_start3A_14] : memref<32x3200xi32, #tpu.memory_space<hbm>> -> memref<1x3200xi32, #tpu.memory_space<hbm>>
      %dma_start3A_16 = tpu.memref_squeeze %dma_start3A_15 : memref<1x3200xi32, #tpu.memory_space<hbm>> -> memref<3200xi32, #tpu.memory_space<hbm>>
      tpu.enqueue_dma source(%dma_start3A_16 : memref<3200xi32, #tpu.memory_space<hbm>>) target(%arg9 : memref<3200xi32, #tpu.memory_space<vmem>>) target_semaphore(%run_scoped3A : memref<!tpu.dma_semaphore, #tpu.memory_space<semaphore_mem>>)
      %dma_wait3A = arith.constant 0 : i32
      %dma_wait3A_17 = tpu.memref_slice %arg3[%add3A, %dma_wait3A] : memref<32x3200xi32, #tpu.memory_space<hbm>> -> memref<1x3200xi32, #tpu.memory_space<hbm>>
      %dma_wait3A_18 = tpu.memref_squeeze %dma_wait3A_17 : memref<1x3200xi32, #tpu.memory_space<hbm>> -> memref<3200xi32, #tpu.memory_space<hbm>>
      %dma_wait3A_19 = arith.constant 0 : i32
      %dma_wait3A_20 = tpu.memref_slice %arg3[%add3A, %dma_wait3A_19] : memref<32x3200xi32, #tpu.memory_space<hbm>> -> memref<1x3200xi32, #tpu.memory_space<hbm>>
      %dma_wait3A_21 = tpu.memref_squeeze %dma_wait3A_20 : memref<1x3200xi32, #tpu.memory_space<hbm>> -> memref<3200xi32, #tpu.memory_space<hbm>>
      tpu.wait_dma2 semaphore(%run_scoped3A : memref<!tpu.dma_semaphore, #tpu.memory_space<semaphore_mem>>) src(%dma_wait3A_21 : memref<3200xi32, #tpu.memory_space<hbm>>) dst(%arg9 : memref<3200xi32, #tpu.memory_space<vmem>>)
      tpu.yield
    }) : () -> ()
    "tpu.region"() ({
      %run_scoped3A = tpu.sem_alloc : memref<!tpu.dma_semaphore, #tpu.memory_space<semaphore_mem>>
      %dma_start3A = arith.constant 0 : i32
      %dma_start3A_12 = tpu.memref_slice %arg4[%add3A, %dma_start3A] : memref<32x3200xf32, #tpu.memory_space<hbm>> -> memref<1x3200xf32, #tpu.memory_space<hbm>>
      %dma_start3A_13 = tpu.memref_squeeze %dma_start3A_12 : memref<1x3200xf32, #tpu.memory_space<hbm>> -> memref<3200xf32, #tpu.memory_space<hbm>>
      %dma_start3A_14 = arith.constant 0 : i32
      %dma_start3A_15 = tpu.memref_slice %arg4[%add3A, %dma_start3A_14] : memref<32x3200xf32, #tpu.memory_space<hbm>> -> memref<1x3200xf32, #tpu.memory_space<hbm>>
      %dma_start3A_16 = tpu.memref_squeeze %dma_start3A_15 : memref<1x3200xf32, #tpu.memory_space<hbm>> -> memref<3200xf32, #tpu.memory_space<hbm>>
      tpu.enqueue_dma source(%dma_start3A_16 : memref<3200xf32, #tpu.memory_space<hbm>>) target(%arg10 : memref<3200xf32, #tpu.memory_space<vmem>>) target_semaphore(%run_scoped3A : memref<!tpu.dma_semaphore, #tpu.memory_space<semaphore_mem>>)
      %dma_wait3A = arith.constant 0 : i32
      %dma_wait3A_17 = tpu.memref_slice %arg4[%add3A, %dma_wait3A] : memref<32x3200xf32, #tpu.memory_space<hbm>> -> memref<1x3200xf32, #tpu.memory_space<hbm>>
      %dma_wait3A_18 = tpu.memref_squeeze %dma_wait3A_17 : memref<1x3200xf32, #tpu.memory_space<hbm>> -> memref<3200xf32, #tpu.memory_space<hbm>>
      %dma_wait3A_19 = arith.constant 0 : i32
      %dma_wait3A_20 = tpu.memref_slice %arg4[%add3A, %dma_wait3A_19] : memref<32x3200xf32, #tpu.memory_space<hbm>> -> memref<1x3200xf32, #tpu.memory_space<hbm>>
      %dma_wait3A_21 = tpu.memref_squeeze %dma_wait3A_20 : memref<1x3200xf32, #tpu.memory_space<hbm>> -> memref<3200xf32, #tpu.memory_space<hbm>>
      tpu.wait_dma2 semaphore(%run_scoped3A : memref<!tpu.dma_semaphore, #tpu.memory_space<semaphore_mem>>) src(%dma_wait3A_21 : memref<3200xf32, #tpu.memory_space<hbm>>) dst(%arg10 : memref<3200xf32, #tpu.memory_space<vmem>>)
      tpu.yield
    }) : () -> ()
    %iota3A = tpu.iota {dimensions = array<i32: 0>} : vector<16xi32>
    %broadcast_in_dim3A = arith.constant 0.000000e+00 : f32
    %broadcast_in_dim3A_1 = vector.broadcast %broadcast_in_dim3A : f32 to vector<16xf32>
    %broadcast_in_dim3A_2 = arith.constant 1.000000e+00 : f32
    %broadcast_in_dim3A_3 = vector.broadcast %broadcast_in_dim3A_2 : f32 to vector<16xf32>
    %scan3A = arith.constant 0 : i32
    %scan3A_4 = arith.constant 12 : i32
    %scan3A_5 = arith.addi %scan3A, %scan3A_4 : i32
    %scan3A_6 = arith.constant 1 : i32
    %scan3A_7:2 = scf.for %scan3A_12 = %scan3A to %scan3A_5 step %scan3A_6 iter_args(%scan3A_13 = %broadcast_in_dim3A_1, %scan3A_14 = %broadcast_in_dim3A_1) -> (vector<16xf32>, vector<16xf32>)  : i32 {
      %mul3A_15 = arith.constant 128 : i32
      %mul3A_16 = arith.muli %scan3A_12, %mul3A_15 : i32
      %dma_start3A = tpu.memref_slice %arg8[%mul3A_16] : memref<3200xi32, #tpu.memory_space<vmem>> -> memref<128xi32, #tpu.memory_space<vmem>>
      %dma_start3A_17 = arith.constant 0 : i32
      %dma_start3A_18 = arith.constant 0 : i32
      %dma_start3A_19 = tpu.memref_slice %arg5[%dma_start3A_17, %dma_start3A_18] : memref<100000x64xf32, #tpu.memory_space<hbm>> -> memref<100000x64xf32, #tpu.memory_space<hbm>>
      tpu.enqueue_indirect_dma source(%dma_start3A_19 : memref<100000x64xf32, #tpu.memory_space<hbm>>) target(%arg11 : memref<128x64xf32, #tpu.memory_space<vmem>>) offsets(%dma_start3A : memref<128xi32, #tpu.memory_space<vmem>>) semaphore(%arg15 : memref<!tpu.dma_semaphore, #tpu.memory_space<semaphore_mem>>)
      %mul3A_20 = arith.constant 128 : i32
      %mul3A_21 = arith.muli %scan3A_12, %mul3A_20 : i32
      %dma_start3A_22 = tpu.memref_slice %arg9[%mul3A_21] : memref<3200xi32, #tpu.memory_space<vmem>> -> memref<128xi32, #tpu.memory_space<vmem>>
      %dma_start3A_23 = arith.constant 0 : i32
      %dma_start3A_24 = arith.constant 0 : i32
      %dma_start3A_25 = tpu.memref_slice %arg5[%dma_start3A_23, %dma_start3A_24] : memref<100000x64xf32, #tpu.memory_space<hbm>> -> memref<100000x64xf32, #tpu.memory_space<hbm>>
      tpu.enqueue_indirect_dma source(%dma_start3A_25 : memref<100000x64xf32, #tpu.memory_space<hbm>>) target(%arg12 : memref<128x64xf32, #tpu.memory_space<vmem>>) offsets(%dma_start3A_22 : memref<128xi32, #tpu.memory_space<vmem>>) semaphore(%arg16 : memref<!tpu.dma_semaphore, #tpu.memory_space<semaphore_mem>>)
      %dma_wait3A = tpu.memref_slice %arg8[%mul3A_16] : memref<3200xi32, #tpu.memory_space<vmem>> -> memref<128xi32, #tpu.memory_space<vmem>>
      %dma_wait3A_26 = arith.constant 0 : i32
      %dma_wait3A_27 = arith.constant 0 : i32
      %dma_wait3A_28 = tpu.memref_slice %arg5[%dma_wait3A_26, %dma_wait3A_27] : memref<100000x64xf32, #tpu.memory_space<hbm>> -> memref<100000x64xf32, #tpu.memory_space<hbm>>
      tpu.wait_indirect_dma semaphore(%arg15 : memref<!tpu.dma_semaphore, #tpu.memory_space<semaphore_mem>>) src(%dma_wait3A_28 : memref<100000x64xf32, #tpu.memory_space<hbm>>) dst(%arg11 : memref<128x64xf32, #tpu.memory_space<vmem>>)
      %dma_wait3A_29 = tpu.memref_slice %arg9[%mul3A_21] : memref<3200xi32, #tpu.memory_space<vmem>> -> memref<128xi32, #tpu.memory_space<vmem>>
      %dma_wait3A_30 = arith.constant 0 : i32
      %dma_wait3A_31 = arith.constant 0 : i32
      %dma_wait3A_32 = tpu.memref_slice %arg5[%dma_wait3A_30, %dma_wait3A_31] : memref<100000x64xf32, #tpu.memory_space<hbm>> -> memref<100000x64xf32, #tpu.memory_space<hbm>>
      tpu.wait_indirect_dma semaphore(%arg16 : memref<!tpu.dma_semaphore, #tpu.memory_space<semaphore_mem>>) src(%dma_wait3A_32 : memref<100000x64xf32, #tpu.memory_space<hbm>>) dst(%arg12 : memref<128x64xf32, #tpu.memory_space<vmem>>)
      %scan3A_33 = arith.constant 0 : i32
      %scan3A_34 = arith.constant 8 : i32
      %scan3A_35 = arith.addi %scan3A_33, %scan3A_34 : i32
      %scan3A_36 = arith.constant 1 : i32
      %scan3A_37:2 = scf.for %scan3A_39 = %scan3A_33 to %scan3A_35 step %scan3A_36 iter_args(%scan3A_40 = %scan3A_13, %scan3A_41 = %scan3A_14) -> (vector<16xf32>, vector<16xf32>)  : i32 {
        %mul3A_42 = arith.constant 16 : i32
        %mul3A_43 = arith.muli %scan3A_39, %mul3A_42 : i32
        %add3A_44 = vector.broadcast %mul3A_43 : i32 to vector<16xi32>
        %add3A_45 = arith.addi %add3A_44, %iota3A : vector<16xi32>
        %add3A_46 = arith.constant 0 : i32
        %add3A_47 = vector.broadcast %add3A_46 : i32 to vector<16xi32>
        %add3A_48 = arith.addi %add3A_47, %iota3A : vector<16xi32>
        %and3A = arith.constant 63 : i32
        %and3A_49 = vector.broadcast %and3A : i32 to vector<16xi32>
        %and3A_50 = arith.andi %add3A_48, %and3A_49 : vector<16xi32>
        %gather3A = tpu.vector_load_idx %arg11[%add3A_45, %and3A_50] : memref<128x64xf32, #tpu.memory_space<vmem>>[vector<16xi32>, vector<16xi32>], vector<16xf32>,
        %gather3A_51 = tpu.vector_load_idx %arg12[%add3A_45, %and3A_50] : memref<128x64xf32, #tpu.memory_space<vmem>>[vector<16xi32>, vector<16xi32>], vector<16xf32>,
        %mul3A_52 = arith.mulf %gather3A, %gather3A_51 : vector<16xf32>
        %add3A_53 = arith.addf %broadcast_in_dim3A_1, %mul3A_52 : vector<16xf32>
        %mul3A_54 = arith.mulf %gather3A, %gather3A : vector<16xf32>
        %add3A_55 = arith.addf %broadcast_in_dim3A_1, %mul3A_54 : vector<16xf32>
        %mul3A_56 = arith.mulf %gather3A_51, %gather3A_51 : vector<16xf32>
        %add3A_57 = arith.addf %broadcast_in_dim3A_1, %mul3A_56 : vector<16xf32>
        %add3A_58 = arith.constant 1 : i32
        %add3A_59 = vector.broadcast %add3A_58 : i32 to vector<16xi32>
        %add3A_60 = arith.addi %add3A_59, %iota3A : vector<16xi32>
        %and3A_61 = arith.constant 63 : i32
        %and3A_62 = vector.broadcast %and3A_61 : i32 to vector<16xi32>
        %and3A_63 = arith.andi %add3A_60, %and3A_62 : vector<16xi32>
        %gather3A_64 = tpu.vector_load_idx %arg11[%add3A_45, %and3A_63] : memref<128x64xf32, #tpu.memory_space<vmem>>[vector<16xi32>, vector<16xi32>], vector<16xf32>,
        %gather3A_65 = tpu.vector_load_idx %arg12[%add3A_45, %and3A_63] : memref<128x64xf32, #tpu.memory_space<vmem>>[vector<16xi32>, vector<16xi32>], vector<16xf32>,
        %mul3A_66 = arith.mulf %gather3A_64, %gather3A_65 : vector<16xf32>
        %add3A_67 = arith.addf %add3A_53, %mul3A_66 : vector<16xf32>
        %mul3A_68 = arith.mulf %gather3A_64, %gather3A_64 : vector<16xf32>
        %add3A_69 = arith.addf %add3A_55, %mul3A_68 : vector<16xf32>
        %mul3A_70 = arith.mulf %gather3A_65, %gather3A_65 : vector<16xf32>
        %add3A_71 = arith.addf %add3A_57, %mul3A_70 : vector<16xf32>
        %add3A_72 = arith.constant 2 : i32
        %add3A_73 = vector.broadcast %add3A_72 : i32 to vector<16xi32>
        %add3A_74 = arith.addi %add3A_73, %iota3A : vector<16xi32>
        %and3A_75 = arith.constant 63 : i32
        %and3A_76 = vector.broadcast %and3A_75 : i32 to vector<16xi32>
        %and3A_77 = arith.andi %add3A_74, %and3A_76 : vector<16xi32>
        %gather3A_78 = tpu.vector_load_idx %arg11[%add3A_45, %and3A_77] : memref<128x64xf32, #tpu.memory_space<vmem>>[vector<16xi32>, vector<16xi32>], vector<16xf32>,
        %gather3A_79 = tpu.vector_load_idx %arg12[%add3A_45, %and3A_77] : memref<128x64xf32, #tpu.memory_space<vmem>>[vector<16xi32>, vector<16xi32>], vector<16xf32>,
        %mul3A_80 = arith.mulf %gather3A_78, %gather3A_79 : vector<16xf32>
        %add3A_81 = arith.addf %add3A_67, %mul3A_80 : vector<16xf32>
        %mul3A_82 = arith.mulf %gather3A_78, %gather3A_78 : vector<16xf32>
        %add3A_83 = arith.addf %add3A_69, %mul3A_82 : vector<16xf32>
        %mul3A_84 = arith.mulf %gather3A_79, %gather3A_79 : vector<16xf32>
        %add3A_85 = arith.addf %add3A_71, %mul3A_84 : vector<16xf32>
        %add3A_86 = arith.constant 3 : i32
        %add3A_87 = vector.broadcast %add3A_86 : i32 to vector<16xi32>
        %add3A_88 = arith.addi %add3A_87, %iota3A : vector<16xi32>
        %and3A_89 = arith.constant 63 : i32
        %and3A_90 = vector.broadcast %and3A_89 : i32 to vector<16xi32>
        %and3A_91 = arith.andi %add3A_88, %and3A_90 : vector<16xi32>
        %gather3A_92 = tpu.vector_load_idx %arg11[%add3A_45, %and3A_91] : memref<128x64xf32, #tpu.memory_space<vmem>>[vector<16xi32>, vector<16xi32>], vector<16xf32>,
        %gather3A_93 = tpu.vector_load_idx %arg12[%add3A_45, %and3A_91] : memref<128x64xf32, #tpu.memory_space<vmem>>[vector<16xi32>, vector<16xi32>], vector<16xf32>,
        %mul3A_94 = arith.mulf %gather3A_92, %gather3A_93 : vector<16xf32>
        %add3A_95 = arith.addf %add3A_81, %mul3A_94 : vector<16xf32>
        %mul3A_96 = arith.mulf %gather3A_92, %gather3A_92 : vector<16xf32>
        %add3A_97 = arith.addf %add3A_83, %mul3A_96 : vector<16xf32>
        %mul3A_98 = arith.mulf %gather3A_93, %gather3A_93 : vector<16xf32>
        %add3A_99 = arith.addf %add3A_85, %mul3A_98 : vector<16xf32>
        %add3A_100 = arith.constant 4 : i32
        %add3A_101 = vector.broadcast %add3A_100 : i32 to vector<16xi32>
        %add3A_102 = arith.addi %add3A_101, %iota3A : vector<16xi32>
        %and3A_103 = arith.constant 63 : i32
        %and3A_104 = vector.broadcast %and3A_103 : i32 to vector<16xi32>
        %and3A_105 = arith.andi %add3A_102, %and3A_104 : vector<16xi32>
        %gather3A_106 = tpu.vector_load_idx %arg11[%add3A_45, %and3A_105] : memref<128x64xf32, #tpu.memory_space<vmem>>[vector<16xi32>, vector<16xi32>], vector<16xf32>,
        %gather3A_107 = tpu.vector_load_idx %arg12[%add3A_45, %and3A_105] : memref<128x64xf32, #tpu.memory_space<vmem>>[vector<16xi32>, vector<16xi32>], vector<16xf32>,
        %mul3A_108 = arith.mulf %gather3A_106, %gather3A_107 : vector<16xf32>
        %add3A_109 = arith.addf %add3A_95, %mul3A_108 : vector<16xf32>
        %mul3A_110 = arith.mulf %gather3A_106, %gather3A_106 : vector<16xf32>
        %add3A_111 = arith.addf %add3A_97, %mul3A_110 : vector<16xf32>
        %mul3A_112 = arith.mulf %gather3A_107, %gather3A_107 : vector<16xf32>
        %add3A_113 = arith.addf %add3A_99, %mul3A_112 : vector<16xf32>
        %add3A_114 = arith.constant 5 : i32
        %add3A_115 = vector.broadcast %add3A_114 : i32 to vector<16xi32>
        %add3A_116 = arith.addi %add3A_115, %iota3A : vector<16xi32>
        %and3A_117 = arith.constant 63 : i32
        %and3A_118 = vector.broadcast %and3A_117 : i32 to vector<16xi32>
        %and3A_119 = arith.andi %add3A_116, %and3A_118 : vector<16xi32>
        %gather3A_120 = tpu.vector_load_idx %arg11[%add3A_45, %and3A_119] : memref<128x64xf32, #tpu.memory_space<vmem>>[vector<16xi32>, vector<16xi32>], vector<16xf32>,
        %gather3A_121 = tpu.vector_load_idx %arg12[%add3A_45, %and3A_119] : memref<128x64xf32, #tpu.memory_space<vmem>>[vector<16xi32>, vector<16xi32>], vector<16xf32>,
        %mul3A_122 = arith.mulf %gather3A_120, %gather3A_121 : vector<16xf32>
        %add3A_123 = arith.addf %add3A_109, %mul3A_122 : vector<16xf32>
        %mul3A_124 = arith.mulf %gather3A_120, %gather3A_120 : vector<16xf32>
        %add3A_125 = arith.addf %add3A_111, %mul3A_124 : vector<16xf32>
        %mul3A_126 = arith.mulf %gather3A_121, %gather3A_121 : vector<16xf32>
        %add3A_127 = arith.addf %add3A_113, %mul3A_126 : vector<16xf32>
        %add3A_128 = arith.constant 6 : i32
        %add3A_129 = vector.broadcast %add3A_128 : i32 to vector<16xi32>
        %add3A_130 = arith.addi %add3A_129, %iota3A : vector<16xi32>
        %and3A_131 = arith.constant 63 : i32
        %and3A_132 = vector.broadcast %and3A_131 : i32 to vector<16xi32>
        %and3A_133 = arith.andi %add3A_130, %and3A_132 : vector<16xi32>
        %gather3A_134 = tpu.vector_load_idx %arg11[%add3A_45, %and3A_133] : memref<128x64xf32, #tpu.memory_space<vmem>>[vector<16xi32>, vector<16xi32>], vector<16xf32>,
        %gather3A_135 = tpu.vector_load_idx %arg12[%add3A_45, %and3A_133] : memref<128x64xf32, #tpu.memory_space<vmem>>[vector<16xi32>, vector<16xi32>], vector<16xf32>,
        %mul3A_136 = arith.mulf %gather3A_134, %gather3A_135 : vector<16xf32>
        %add3A_137 = arith.addf %add3A_123, %mul3A_136 : vector<16xf32>
        %mul3A_138 = arith.mulf %gather3A_134, %gather3A_134 : vector<16xf32>
        %add3A_139 = arith.addf %add3A_125, %mul3A_138 : vector<16xf32>
        %mul3A_140 = arith.mulf %gather3A_135, %gather3A_135 : vector<16xf32>
        %add3A_141 = arith.addf %add3A_127, %mul3A_140 : vector<16xf32>
        %add3A_142 = arith.constant 7 : i32
        %add3A_143 = vector.broadcast %add3A_142 : i32 to vector<16xi32>
        %add3A_144 = arith.addi %add3A_143, %iota3A : vector<16xi32>
        %and3A_145 = arith.constant 63 : i32
        %and3A_146 = vector.broadcast %and3A_145 : i32 to vector<16xi32>
        %and3A_147 = arith.andi %add3A_144, %and3A_146 : vector<16xi32>
        %gather3A_148 = tpu.vector_load_idx %arg11[%add3A_45, %and3A_147] : memref<128x64xf32, #tpu.memory_space<vmem>>[vector<16xi32>, vector<16xi32>], vector<16xf32>,
        %gather3A_149 = tpu.vector_load_idx %arg12[%add3A_45, %and3A_147] : memref<128x64xf32, #tpu.memory_space<vmem>>[vector<16xi32>, vector<16xi32>], vector<16xf32>,
        %mul3A_150 = arith.mulf %gather3A_148, %gather3A_149 : vector<16xf32>
        %add3A_151 = arith.addf %add3A_137, %mul3A_150 : vector<16xf32>
        %mul3A_152 = arith.mulf %gather3A_148, %gather3A_148 : vector<16xf32>
        %add3A_153 = arith.addf %add3A_139, %mul3A_152 : vector<16xf32>
        %mul3A_154 = arith.mulf %gather3A_149, %gather3A_149 : vector<16xf32>
        %add3A_155 = arith.addf %add3A_141, %mul3A_154 : vector<16xf32>
        %add3A_156 = arith.constant 8 : i32
        %add3A_157 = vector.broadcast %add3A_156 : i32 to vector<16xi32>
        %add3A_158 = arith.addi %add3A_157, %iota3A : vector<16xi32>
        %and3A_159 = arith.constant 63 : i32
        %and3A_160 = vector.broadcast %and3A_159 : i32 to vector<16xi32>
        %and3A_161 = arith.andi %add3A_158, %and3A_160 : vector<16xi32>
        %gather3A_162 = tpu.vector_load_idx %arg11[%add3A_45, %and3A_161] : memref<128x64xf32, #tpu.memory_space<vmem>>[vector<16xi32>, vector<16xi32>], vector<16xf32>,
        %gather3A_163 = tpu.vector_load_idx %arg12[%add3A_45, %and3A_161] : memref<128x64xf32, #tpu.memory_space<vmem>>[vector<16xi32>, vector<16xi32>], vector<16xf32>,
        %mul3A_164 = arith.mulf %gather3A_162, %gather3A_163 : vector<16xf32>
        %add3A_165 = arith.addf %add3A_151, %mul3A_164 : vector<16xf32>
        %mul3A_166 = arith.mulf %gather3A_162, %gather3A_162 : vector<16xf32>
        %add3A_167 = arith.addf %add3A_153, %mul3A_166 : vector<16xf32>
        %mul3A_168 = arith.mulf %gather3A_163, %gather3A_163 : vector<16xf32>
        %add3A_169 = arith.addf %add3A_155, %mul3A_168 : vector<16xf32>
        %add3A_170 = arith.constant 9 : i32
        %add3A_171 = vector.broadcast %add3A_170 : i32 to vector<16xi32>
        %add3A_172 = arith.addi %add3A_171, %iota3A : vector<16xi32>
        %and3A_173 = arith.constant 63 : i32
        %and3A_174 = vector.broadcast %and3A_173 : i32 to vector<16xi32>
        %and3A_175 = arith.andi %add3A_172, %and3A_174 : vector<16xi32>
        %gather3A_176 = tpu.vector_load_idx %arg11[%add3A_45, %and3A_175] : memref<128x64xf32, #tpu.memory_space<vmem>>[vector<16xi32>, vector<16xi32>], vector<16xf32>,
        %gather3A_177 = tpu.vector_load_idx %arg12[%add3A_45, %and3A_175] : memref<128x64xf32, #tpu.memory_space<vmem>>[vector<16xi32>, vector<16xi32>], vector<16xf32>,
        %mul3A_178 = arith.mulf %gather3A_176, %gather3A_177 : vector<16xf32>
        %add3A_179 = arith.addf %add3A_165, %mul3A_178 : vector<16xf32>
        %mul3A_180 = arith.mulf %gather3A_176, %gather3A_176 : vector<16xf32>
        %add3A_181 = arith.addf %add3A_167, %mul3A_180 : vector<16xf32>
        %mul3A_182 = arith.mulf %gather3A_177, %gather3A_177 : vector<16xf32>
        %add3A_183 = arith.addf %add3A_169, %mul3A_182 : vector<16xf32>
        %add3A_184 = arith.constant 10 : i32
        %add3A_185 = vector.broadcast %add3A_184 : i32 to vector<16xi32>
        %add3A_186 = arith.addi %add3A_185, %iota3A : vector<16xi32>
        %and3A_187 = arith.constant 63 : i32
        %and3A_188 = vector.broadcast %and3A_187 : i32 to vector<16xi32>
        %and3A_189 = arith.andi %add3A_186, %and3A_188 : vector<16xi32>
        %gather3A_190 = tpu.vector_load_idx %arg11[%add3A_45, %and3A_189] : memref<128x64xf32, #tpu.memory_space<vmem>>[vector<16xi32>, vector<16xi32>], vector<16xf32>,
        %gather3A_191 = tpu.vector_load_idx %arg12[%add3A_45, %and3A_189] : memref<128x64xf32, #tpu.memory_space<vmem>>[vector<16xi32>, vector<16xi32>], vector<16xf32>,
        %mul3A_192 = arith.mulf %gather3A_190, %gather3A_191 : vector<16xf32>
        %add3A_193 = arith.addf %add3A_179, %mul3A_192 : vector<16xf32>
        %mul3A_194 = arith.mulf %gather3A_190, %gather3A_190 : vector<16xf32>
        %add3A_195 = arith.addf %add3A_181, %mul3A_194 : vector<16xf32>
        %mul3A_196 = arith.mulf %gather3A_191, %gather3A_191 : vector<16xf32>
        %add3A_197 = arith.addf %add3A_183, %mul3A_196 : vector<16xf32>
        %add3A_198 = arith.constant 11 : i32
        %add3A_199 = vector.broadcast %add3A_198 : i32 to vector<16xi32>
        %add3A_200 = arith.addi %add3A_199, %iota3A : vector<16xi32>
        %and3A_201 = arith.constant 63 : i32
        %and3A_202 = vector.broadcast %and3A_201 : i32 to vector<16xi32>
        %and3A_203 = arith.andi %add3A_200, %and3A_202 : vector<16xi32>
        %gather3A_204 = tpu.vector_load_idx %arg11[%add3A_45, %and3A_203] : memref<128x64xf32, #tpu.memory_space<vmem>>[vector<16xi32>, vector<16xi32>], vector<16xf32>,
        %gather3A_205 = tpu.vector_load_idx %arg12[%add3A_45, %and3A_203] : memref<128x64xf32, #tpu.memory_space<vmem>>[vector<16xi32>, vector<16xi32>], vector<16xf32>,
        %mul3A_206 = arith.mulf %gather3A_204, %gather3A_205 : vector<16xf32>
        %add3A_207 = arith.addf %add3A_193, %mul3A_206 : vector<16xf32>
        %mul3A_208 = arith.mulf %gather3A_204, %gather3A_204 : vector<16xf32>
        %add3A_209 = arith.addf %add3A_195, %mul3A_208 : vector<16xf32>
        %mul3A_210 = arith.mulf %gather3A_205, %gather3A_205 : vector<16xf32>
        %add3A_211 = arith.addf %add3A_197, %mul3A_210 : vector<16xf32>
        %add3A_212 = arith.constant 12 : i32
        %add3A_213 = vector.broadcast %add3A_212 : i32 to vector<16xi32>
        %add3A_214 = arith.addi %add3A_213, %iota3A : vector<16xi32>
        %and3A_215 = arith.constant 63 : i32
        %and3A_216 = vector.broadcast %and3A_215 : i32 to vector<16xi32>
        %and3A_217 = arith.andi %add3A_214, %and3A_216 : vector<16xi32>
        %gather3A_218 = tpu.vector_load_idx %arg11[%add3A_45, %and3A_217] : memref<128x64xf32, #tpu.memory_space<vmem>>[vector<16xi32>, vector<16xi32>], vector<16xf32>,
        %gather3A_219 = tpu.vector_load_idx %arg12[%add3A_45, %and3A_217] : memref<128x64xf32, #tpu.memory_space<vmem>>[vector<16xi32>, vector<16xi32>], vector<16xf32>,
        %mul3A_220 = arith.mulf %gather3A_218, %gather3A_219 : vector<16xf32>
        %add3A_221 = arith.addf %add3A_207, %mul3A_220 : vector<16xf32>
        %mul3A_222 = arith.mulf %gather3A_218, %gather3A_218 : vector<16xf32>
        %add3A_223 = arith.addf %add3A_209, %mul3A_222 : vector<16xf32>
        %mul3A_224 = arith.mulf %gather3A_219, %gather3A_219 : vector<16xf32>
        %add3A_225 = arith.addf %add3A_211, %mul3A_224 : vector<16xf32>
        %add3A_226 = arith.constant 13 : i32
        %add3A_227 = vector.broadcast %add3A_226 : i32 to vector<16xi32>
        %add3A_228 = arith.addi %add3A_227, %iota3A : vector<16xi32>
        %and3A_229 = arith.constant 63 : i32
        %and3A_230 = vector.broadcast %and3A_229 : i32 to vector<16xi32>
        %and3A_231 = arith.andi %add3A_228, %and3A_230 : vector<16xi32>
        %gather3A_232 = tpu.vector_load_idx %arg11[%add3A_45, %and3A_231] : memref<128x64xf32, #tpu.memory_space<vmem>>[vector<16xi32>, vector<16xi32>], vector<16xf32>,
        %gather3A_233 = tpu.vector_load_idx %arg12[%add3A_45, %and3A_231] : memref<128x64xf32, #tpu.memory_space<vmem>>[vector<16xi32>, vector<16xi32>], vector<16xf32>,
        %mul3A_234 = arith.mulf %gather3A_232, %gather3A_233 : vector<16xf32>
        %add3A_235 = arith.addf %add3A_221, %mul3A_234 : vector<16xf32>
        %mul3A_236 = arith.mulf %gather3A_232, %gather3A_232 : vector<16xf32>
        %add3A_237 = arith.addf %add3A_223, %mul3A_236 : vector<16xf32>
        %mul3A_238 = arith.mulf %gather3A_233, %gather3A_233 : vector<16xf32>
        %add3A_239 = arith.addf %add3A_225, %mul3A_238 : vector<16xf32>
        %add3A_240 = arith.constant 14 : i32
        %add3A_241 = vector.broadcast %add3A_240 : i32 to vector<16xi32>
        %add3A_242 = arith.addi %add3A_241, %iota3A : vector<16xi32>
        %and3A_243 = arith.constant 63 : i32
        %and3A_244 = vector.broadcast %and3A_243 : i32 to vector<16xi32>
        %and3A_245 = arith.andi %add3A_242, %and3A_244 : vector<16xi32>
        %gather3A_246 = tpu.vector_load_idx %arg11[%add3A_45, %and3A_245] : memref<128x64xf32, #tpu.memory_space<vmem>>[vector<16xi32>, vector<16xi32>], vector<16xf32>,
        %gather3A_247 = tpu.vector_load_idx %arg12[%add3A_45, %and3A_245] : memref<128x64xf32, #tpu.memory_space<vmem>>[vector<16xi32>, vector<16xi32>], vector<16xf32>,
        %mul3A_248 = arith.mulf %gather3A_246, %gather3A_247 : vector<16xf32>
        %add3A_249 = arith.addf %add3A_235, %mul3A_248 : vector<16xf32>
        %mul3A_250 = arith.mulf %gather3A_246, %gather3A_246 : vector<16xf32>
        %add3A_251 = arith.addf %add3A_237, %mul3A_250 : vector<16xf32>
        %mul3A_252 = arith.mulf %gather3A_247, %gather3A_247 : vector<16xf32>
        %add3A_253 = arith.addf %add3A_239, %mul3A_252 : vector<16xf32>
        %add3A_254 = arith.constant 15 : i32
        %add3A_255 = vector.broadcast %add3A_254 : i32 to vector<16xi32>
        %add3A_256 = arith.addi %add3A_255, %iota3A : vector<16xi32>
        %and3A_257 = arith.constant 63 : i32
        %and3A_258 = vector.broadcast %and3A_257 : i32 to vector<16xi32>
        %and3A_259 = arith.andi %add3A_256, %and3A_258 : vector<16xi32>
        %gather3A_260 = tpu.vector_load_idx %arg11[%add3A_45, %and3A_259] : memref<128x64xf32, #tpu.memory_space<vmem>>[vector<16xi32>, vector<16xi32>], vector<16xf32>,
        %gather3A_261 = tpu.vector_load_idx %arg12[%add3A_45, %and3A_259] : memref<128x64xf32, #tpu.memory_space<vmem>>[vector<16xi32>, vector<16xi32>], vector<16xf32>,
        %mul3A_262 = arith.mulf %gather3A_260, %gather3A_261 : vector<16xf32>
        %add3A_263 = arith.addf %add3A_249, %mul3A_262 : vector<16xf32>
        %mul3A_264 = arith.mulf %gather3A_260, %gather3A_260 : vector<16xf32>
        %add3A_265 = arith.addf %add3A_251, %mul3A_264 : vector<16xf32>
        %mul3A_266 = arith.mulf %gather3A_261, %gather3A_261 : vector<16xf32>
        %add3A_267 = arith.addf %add3A_253, %mul3A_266 : vector<16xf32>
        %add3A_268 = arith.constant 16 : i32
        %add3A_269 = vector.broadcast %add3A_268 : i32 to vector<16xi32>
        %add3A_270 = arith.addi %add3A_269, %iota3A : vector<16xi32>
        %and3A_271 = arith.constant 63 : i32
        %and3A_272 = vector.broadcast %and3A_271 : i32 to vector<16xi32>
        %and3A_273 = arith.andi %add3A_270, %and3A_272 : vector<16xi32>
        %gather3A_274 = tpu.vector_load_idx %arg11[%add3A_45, %and3A_273] : memref<128x64xf32, #tpu.memory_space<vmem>>[vector<16xi32>, vector<16xi32>], vector<16xf32>,
        %gather3A_275 = tpu.vector_load_idx %arg12[%add3A_45, %and3A_273] : memref<128x64xf32, #tpu.memory_space<vmem>>[vector<16xi32>, vector<16xi32>], vector<16xf32>,
        %mul3A_276 = arith.mulf %gather3A_274, %gather3A_275 : vector<16xf32>
        %add3A_277 = arith.addf %add3A_263, %mul3A_276 : vector<16xf32>
        %mul3A_278 = arith.mulf %gather3A_274, %gather3A_274 : vector<16xf32>
        %add3A_279 = arith.addf %add3A_265, %mul3A_278 : vector<16xf32>
        %mul3A_280 = arith.mulf %gather3A_275, %gather3A_275 : vector<16xf32>
        %add3A_281 = arith.addf %add3A_267, %mul3A_280 : vector<16xf32>
        %add3A_282 = arith.constant 17 : i32
        %add3A_283 = vector.broadcast %add3A_282 : i32 to vector<16xi32>
        %add3A_284 = arith.addi %add3A_283, %iota3A : vector<16xi32>
        %and3A_285 = arith.constant 63 : i32
        %and3A_286 = vector.broadcast %and3A_285 : i32 to vector<16xi32>
        %and3A_287 = arith.andi %add3A_284, %and3A_286 : vector<16xi32>
        %gather3A_288 = tpu.vector_load_idx %arg11[%add3A_45, %and3A_287] : memref<128x64xf32, #tpu.memory_space<vmem>>[vector<16xi32>, vector<16xi32>], vector<16xf32>,
        %gather3A_289 = tpu.vector_load_idx %arg12[%add3A_45, %and3A_287] : memref<128x64xf32, #tpu.memory_space<vmem>>[vector<16xi32>, vector<16xi32>], vector<16xf32>,
        %mul3A_290 = arith.mulf %gather3A_288, %gather3A_289 : vector<16xf32>
        %add3A_291 = arith.addf %add3A_277, %mul3A_290 : vector<16xf32>
        %mul3A_292 = arith.mulf %gather3A_288, %gather3A_288 : vector<16xf32>
        %add3A_293 = arith.addf %add3A_279, %mul3A_292 : vector<16xf32>
        %mul3A_294 = arith.mulf %gather3A_289, %gather3A_289 : vector<16xf32>
        %add3A_295 = arith.addf %add3A_281, %mul3A_294 : vector<16xf32>
        %add3A_296 = arith.constant 18 : i32
        %add3A_297 = vector.broadcast %add3A_296 : i32 to vector<16xi32>
        %add3A_298 = arith.addi %add3A_297, %iota3A : vector<16xi32>
        %and3A_299 = arith.constant 63 : i32
        %and3A_300 = vector.broadcast %and3A_299 : i32 to vector<16xi32>
        %and3A_301 = arith.andi %add3A_298, %and3A_300 : vector<16xi32>
        %gather3A_302 = tpu.vector_load_idx %arg11[%add3A_45, %and3A_301] : memref<128x64xf32, #tpu.memory_space<vmem>>[vector<16xi32>, vector<16xi32>], vector<16xf32>,
        %gather3A_303 = tpu.vector_load_idx %arg12[%add3A_45, %and3A_301] : memref<128x64xf32, #tpu.memory_space<vmem>>[vector<16xi32>, vector<16xi32>], vector<16xf32>,
        %mul3A_304 = arith.mulf %gather3A_302, %gather3A_303 : vector<16xf32>
        %add3A_305 = arith.addf %add3A_291, %mul3A_304 : vector<16xf32>
        %mul3A_306 = arith.mulf %gather3A_302, %gather3A_302 : vector<16xf32>
        %add3A_307 = arith.addf %add3A_293, %mul3A_306 : vector<16xf32>
        %mul3A_308 = arith.mulf %gather3A_303, %gather3A_303 : vector<16xf32>
        %add3A_309 = arith.addf %add3A_295, %mul3A_308 : vector<16xf32>
        %add3A_310 = arith.constant 19 : i32
        %add3A_311 = vector.broadcast %add3A_310 : i32 to vector<16xi32>
        %add3A_312 = arith.addi %add3A_311, %iota3A : vector<16xi32>
        %and3A_313 = arith.constant 63 : i32
        %and3A_314 = vector.broadcast %and3A_313 : i32 to vector<16xi32>
        %and3A_315 = arith.andi %add3A_312, %and3A_314 : vector<16xi32>
        %gather3A_316 = tpu.vector_load_idx %arg11[%add3A_45, %and3A_315] : memref<128x64xf32, #tpu.memory_space<vmem>>[vector<16xi32>, vector<16xi32>], vector<16xf32>,
        %gather3A_317 = tpu.vector_load_idx %arg12[%add3A_45, %and3A_315] : memref<128x64xf32, #tpu.memory_space<vmem>>[vector<16xi32>, vector<16xi32>], vector<16xf32>,
        %mul3A_318 = arith.mulf %gather3A_316, %gather3A_317 : vector<16xf32>
        %add3A_319 = arith.addf %add3A_305, %mul3A_318 : vector<16xf32>
        %mul3A_320 = arith.mulf %gather3A_316, %gather3A_316 : vector<16xf32>
        %add3A_321 = arith.addf %add3A_307, %mul3A_320 : vector<16xf32>
        %mul3A_322 = arith.mulf %gather3A_317, %gather3A_317 : vector<16xf32>
        %add3A_323 = arith.addf %add3A_309, %mul3A_322 : vector<16xf32>
        %add3A_324 = arith.constant 20 : i32
        %add3A_325 = vector.broadcast %add3A_324 : i32 to vector<16xi32>
        %add3A_326 = arith.addi %add3A_325, %iota3A : vector<16xi32>
        %and3A_327 = arith.constant 63 : i32
        %and3A_328 = vector.broadcast %and3A_327 : i32 to vector<16xi32>
        %and3A_329 = arith.andi %add3A_326, %and3A_328 : vector<16xi32>
        %gather3A_330 = tpu.vector_load_idx %arg11[%add3A_45, %and3A_329] : memref<128x64xf32, #tpu.memory_space<vmem>>[vector<16xi32>, vector<16xi32>], vector<16xf32>,
        %gather3A_331 = tpu.vector_load_idx %arg12[%add3A_45, %and3A_329] : memref<128x64xf32, #tpu.memory_space<vmem>>[vector<16xi32>, vector<16xi32>], vector<16xf32>,
        %mul3A_332 = arith.mulf %gather3A_330, %gather3A_331 : vector<16xf32>
        %add3A_333 = arith.addf %add3A_319, %mul3A_332 : vector<16xf32>
        %mul3A_334 = arith.mulf %gather3A_330, %gather3A_330 : vector<16xf32>
        %add3A_335 = arith.addf %add3A_321, %mul3A_334 : vector<16xf32>
        %mul3A_336 = arith.mulf %gather3A_331, %gather3A_331 : vector<16xf32>
        %add3A_337 = arith.addf %add3A_323, %mul3A_336 : vector<16xf32>
        %add3A_338 = arith.constant 21 : i32
        %add3A_339 = vector.broadcast %add3A_338 : i32 to vector<16xi32>
        %add3A_340 = arith.addi %add3A_339, %iota3A : vector<16xi32>
        %and3A_341 = arith.constant 63 : i32
        %and3A_342 = vector.broadcast %and3A_341 : i32 to vector<16xi32>
        %and3A_343 = arith.andi %add3A_340, %and3A_342 : vector<16xi32>
        %gather3A_344 = tpu.vector_load_idx %arg11[%add3A_45, %and3A_343] : memref<128x64xf32, #tpu.memory_space<vmem>>[vector<16xi32>, vector<16xi32>], vector<16xf32>,
        %gather3A_345 = tpu.vector_load_idx %arg12[%add3A_45, %and3A_343] : memref<128x64xf32, #tpu.memory_space<vmem>>[vector<16xi32>, vector<16xi32>], vector<16xf32>,
        %mul3A_346 = arith.mulf %gather3A_344, %gather3A_345 : vector<16xf32>
        %add3A_347 = arith.addf %add3A_333, %mul3A_346 : vector<16xf32>
        %mul3A_348 = arith.mulf %gather3A_344, %gather3A_344 : vector<16xf32>
        %add3A_349 = arith.addf %add3A_335, %mul3A_348 : vector<16xf32>
        %mul3A_350 = arith.mulf %gather3A_345, %gather3A_345 : vector<16xf32>
        %add3A_351 = arith.addf %add3A_337, %mul3A_350 : vector<16xf32>
        %add3A_352 = arith.constant 22 : i32
        %add3A_353 = vector.broadcast %add3A_352 : i32 to vector<16xi32>
        %add3A_354 = arith.addi %add3A_353, %iota3A : vector<16xi32>
        %and3A_355 = arith.constant 63 : i32
        %and3A_356 = vector.broadcast %and3A_355 : i32 to vector<16xi32>
        %and3A_357 = arith.andi %add3A_354, %and3A_356 : vector<16xi32>
        %gather3A_358 = tpu.vector_load_idx %arg11[%add3A_45, %and3A_357] : memref<128x64xf32, #tpu.memory_space<vmem>>[vector<16xi32>, vector<16xi32>], vector<16xf32>,
        %gather3A_359 = tpu.vector_load_idx %arg12[%add3A_45, %and3A_357] : memref<128x64xf32, #tpu.memory_space<vmem>>[vector<16xi32>, vector<16xi32>], vector<16xf32>,
        %mul3A_360 = arith.mulf %gather3A_358, %gather3A_359 : vector<16xf32>
        %add3A_361 = arith.addf %add3A_347, %mul3A_360 : vector<16xf32>
        %mul3A_362 = arith.mulf %gather3A_358, %gather3A_358 : vector<16xf32>
        %add3A_363 = arith.addf %add3A_349, %mul3A_362 : vector<16xf32>
        %mul3A_364 = arith.mulf %gather3A_359, %gather3A_359 : vector<16xf32>
        %add3A_365 = arith.addf %add3A_351, %mul3A_364 : vector<16xf32>
        %add3A_366 = arith.constant 23 : i32
        %add3A_367 = vector.broadcast %add3A_366 : i32 to vector<16xi32>
        %add3A_368 = arith.addi %add3A_367, %iota3A : vector<16xi32>
        %and3A_369 = arith.constant 63 : i32
        %and3A_370 = vector.broadcast %and3A_369 : i32 to vector<16xi32>
        %and3A_371 = arith.andi %add3A_368, %and3A_370 : vector<16xi32>
        %gather3A_372 = tpu.vector_load_idx %arg11[%add3A_45, %and3A_371] : memref<128x64xf32, #tpu.memory_space<vmem>>[vector<16xi32>, vector<16xi32>], vector<16xf32>,
        %gather3A_373 = tpu.vector_load_idx %arg12[%add3A_45, %and3A_371] : memref<128x64xf32, #tpu.memory_space<vmem>>[vector<16xi32>, vector<16xi32>], vector<16xf32>,
        %mul3A_374 = arith.mulf %gather3A_372, %gather3A_373 : vector<16xf32>
        %add3A_375 = arith.addf %add3A_361, %mul3A_374 : vector<16xf32>
        %mul3A_376 = arith.mulf %gather3A_372, %gather3A_372 : vector<16xf32>
        %add3A_377 = arith.addf %add3A_363, %mul3A_376 : vector<16xf32>
        %mul3A_378 = arith.mulf %gather3A_373, %gather3A_373 : vector<16xf32>
        %add3A_379 = arith.addf %add3A_365, %mul3A_378 : vector<16xf32>
        %add3A_380 = arith.constant 24 : i32
        %add3A_381 = vector.broadcast %add3A_380 : i32 to vector<16xi32>
        %add3A_382 = arith.addi %add3A_381, %iota3A : vector<16xi32>
        %and3A_383 = arith.constant 63 : i32
        %and3A_384 = vector.broadcast %and3A_383 : i32 to vector<16xi32>
        %and3A_385 = arith.andi %add3A_382, %and3A_384 : vector<16xi32>
        %gather3A_386 = tpu.vector_load_idx %arg11[%add3A_45, %and3A_385] : memref<128x64xf32, #tpu.memory_space<vmem>>[vector<16xi32>, vector<16xi32>], vector<16xf32>,
        %gather3A_387 = tpu.vector_load_idx %arg12[%add3A_45, %and3A_385] : memref<128x64xf32, #tpu.memory_space<vmem>>[vector<16xi32>, vector<16xi32>], vector<16xf32>,
        %mul3A_388 = arith.mulf %gather3A_386, %gather3A_387 : vector<16xf32>
        %add3A_389 = arith.addf %add3A_375, %mul3A_388 : vector<16xf32>
        %mul3A_390 = arith.mulf %gather3A_386, %gather3A_386 : vector<16xf32>
        %add3A_391 = arith.addf %add3A_377, %mul3A_390 : vector<16xf32>
        %mul3A_392 = arith.mulf %gather3A_387, %gather3A_387 : vector<16xf32>
        %add3A_393 = arith.addf %add3A_379, %mul3A_392 : vector<16xf32>
        %add3A_394 = arith.constant 25 : i32
        %add3A_395 = vector.broadcast %add3A_394 : i32 to vector<16xi32>
        %add3A_396 = arith.addi %add3A_395, %iota3A : vector<16xi32>
        %and3A_397 = arith.constant 63 : i32
        %and3A_398 = vector.broadcast %and3A_397 : i32 to vector<16xi32>
        %and3A_399 = arith.andi %add3A_396, %and3A_398 : vector<16xi32>
        %gather3A_400 = tpu.vector_load_idx %arg11[%add3A_45, %and3A_399] : memref<128x64xf32, #tpu.memory_space<vmem>>[vector<16xi32>, vector<16xi32>], vector<16xf32>,
        %gather3A_401 = tpu.vector_load_idx %arg12[%add3A_45, %and3A_399] : memref<128x64xf32, #tpu.memory_space<vmem>>[vector<16xi32>, vector<16xi32>], vector<16xf32>,
        %mul3A_402 = arith.mulf %gather3A_400, %gather3A_401 : vector<16xf32>
        %add3A_403 = arith.addf %add3A_389, %mul3A_402 : vector<16xf32>
        %mul3A_404 = arith.mulf %gather3A_400, %gather3A_400 : vector<16xf32>
        %add3A_405 = arith.addf %add3A_391, %mul3A_404 : vector<16xf32>
        %mul3A_406 = arith.mulf %gather3A_401, %gather3A_401 : vector<16xf32>
        %add3A_407 = arith.addf %add3A_393, %mul3A_406 : vector<16xf32>
        %add3A_408 = arith.constant 26 : i32
        %add3A_409 = vector.broadcast %add3A_408 : i32 to vector<16xi32>
        %add3A_410 = arith.addi %add3A_409, %iota3A : vector<16xi32>
        %and3A_411 = arith.constant 63 : i32
        %and3A_412 = vector.broadcast %and3A_411 : i32 to vector<16xi32>
        %and3A_413 = arith.andi %add3A_410, %and3A_412 : vector<16xi32>
        %gather3A_414 = tpu.vector_load_idx %arg11[%add3A_45, %and3A_413] : memref<128x64xf32, #tpu.memory_space<vmem>>[vector<16xi32>, vector<16xi32>], vector<16xf32>,
        %gather3A_415 = tpu.vector_load_idx %arg12[%add3A_45, %and3A_413] : memref<128x64xf32, #tpu.memory_space<vmem>>[vector<16xi32>, vector<16xi32>], vector<16xf32>,
        %mul3A_416 = arith.mulf %gather3A_414, %gather3A_415 : vector<16xf32>
        %add3A_417 = arith.addf %add3A_403, %mul3A_416 : vector<16xf32>
        %mul3A_418 = arith.mulf %gather3A_414, %gather3A_414 : vector<16xf32>
        %add3A_419 = arith.addf %add3A_405, %mul3A_418 : vector<16xf32>
        %mul3A_420 = arith.mulf %gather3A_415, %gather3A_415 : vector<16xf32>
        %add3A_421 = arith.addf %add3A_407, %mul3A_420 : vector<16xf32>
        %add3A_422 = arith.constant 27 : i32
        %add3A_423 = vector.broadcast %add3A_422 : i32 to vector<16xi32>
        %add3A_424 = arith.addi %add3A_423, %iota3A : vector<16xi32>
        %and3A_425 = arith.constant 63 : i32
        %and3A_426 = vector.broadcast %and3A_425 : i32 to vector<16xi32>
        %and3A_427 = arith.andi %add3A_424, %and3A_426 : vector<16xi32>
        %gather3A_428 = tpu.vector_load_idx %arg11[%add3A_45, %and3A_427] : memref<128x64xf32, #tpu.memory_space<vmem>>[vector<16xi32>, vector<16xi32>], vector<16xf32>,
        %gather3A_429 = tpu.vector_load_idx %arg12[%add3A_45, %and3A_427] : memref<128x64xf32, #tpu.memory_space<vmem>>[vector<16xi32>, vector<16xi32>], vector<16xf32>,
        %mul3A_430 = arith.mulf %gather3A_428, %gather3A_429 : vector<16xf32>
        %add3A_431 = arith.addf %add3A_417, %mul3A_430 : vector<16xf32>
        %mul3A_432 = arith.mulf %gather3A_428, %gather3A_428 : vector<16xf32>
        %add3A_433 = arith.addf %add3A_419, %mul3A_432 : vector<16xf32>
        %mul3A_434 = arith.mulf %gather3A_429, %gather3A_429 : vector<16xf32>
        %add3A_435 = arith.addf %add3A_421, %mul3A_434 : vector<16xf32>
        %add3A_436 = arith.constant 28 : i32
        %add3A_437 = vector.broadcast %add3A_436 : i32 to vector<16xi32>
        %add3A_438 = arith.addi %add3A_437, %iota3A : vector<16xi32>
        %and3A_439 = arith.constant 63 : i32
        %and3A_440 = vector.broadcast %and3A_439 : i32 to vector<16xi32>
        %and3A_441 = arith.andi %add3A_438, %and3A_440 : vector<16xi32>
        %gather3A_442 = tpu.vector_load_idx %arg11[%add3A_45, %and3A_441] : memref<128x64xf32, #tpu.memory_space<vmem>>[vector<16xi32>, vector<16xi32>], vector<16xf32>,
        %gather3A_443 = tpu.vector_load_idx %arg12[%add3A_45, %and3A_441] : memref<128x64xf32, #tpu.memory_space<vmem>>[vector<16xi32>, vector<16xi32>], vector<16xf32>,
        %mul3A_444 = arith.mulf %gather3A_442, %gather3A_443 : vector<16xf32>
        %add3A_445 = arith.addf %add3A_431, %mul3A_444 : vector<16xf32>
        %mul3A_446 = arith.mulf %gather3A_442, %gather3A_442 : vector<16xf32>
        %add3A_447 = arith.addf %add3A_433, %mul3A_446 : vector<16xf32>
        %mul3A_448 = arith.mulf %gather3A_443, %gather3A_443 : vector<16xf32>
        %add3A_449 = arith.addf %add3A_435, %mul3A_448 : vector<16xf32>
        %add3A_450 = arith.constant 29 : i32
        %add3A_451 = vector.broadcast %add3A_450 : i32 to vector<16xi32>
        %add3A_452 = arith.addi %add3A_451, %iota3A : vector<16xi32>
        %and3A_453 = arith.constant 63 : i32
        %and3A_454 = vector.broadcast %and3A_453 : i32 to vector<16xi32>
        %and3A_455 = arith.andi %add3A_452, %and3A_454 : vector<16xi32>
        %gather3A_456 = tpu.vector_load_idx %arg11[%add3A_45, %and3A_455] : memref<128x64xf32, #tpu.memory_space<vmem>>[vector<16xi32>, vector<16xi32>], vector<16xf32>,
        %gather3A_457 = tpu.vector_load_idx %arg12[%add3A_45, %and3A_455] : memref<128x64xf32, #tpu.memory_space<vmem>>[vector<16xi32>, vector<16xi32>], vector<16xf32>,
        %mul3A_458 = arith.mulf %gather3A_456, %gather3A_457 : vector<16xf32>
        %add3A_459 = arith.addf %add3A_445, %mul3A_458 : vector<16xf32>
        %mul3A_460 = arith.mulf %gather3A_456, %gather3A_456 : vector<16xf32>
        %add3A_461 = arith.addf %add3A_447, %mul3A_460 : vector<16xf32>
        %mul3A_462 = arith.mulf %gather3A_457, %gather3A_457 : vector<16xf32>
        %add3A_463 = arith.addf %add3A_449, %mul3A_462 : vector<16xf32>
        %add3A_464 = arith.constant 30 : i32
        %add3A_465 = vector.broadcast %add3A_464 : i32 to vector<16xi32>
        %add3A_466 = arith.addi %add3A_465, %iota3A : vector<16xi32>
        %and3A_467 = arith.constant 63 : i32
        %and3A_468 = vector.broadcast %and3A_467 : i32 to vector<16xi32>
        %and3A_469 = arith.andi %add3A_466, %and3A_468 : vector<16xi32>
        %gather3A_470 = tpu.vector_load_idx %arg11[%add3A_45, %and3A_469] : memref<128x64xf32, #tpu.memory_space<vmem>>[vector<16xi32>, vector<16xi32>], vector<16xf32>,
        %gather3A_471 = tpu.vector_load_idx %arg12[%add3A_45, %and3A_469] : memref<128x64xf32, #tpu.memory_space<vmem>>[vector<16xi32>, vector<16xi32>], vector<16xf32>,
        %mul3A_472 = arith.mulf %gather3A_470, %gather3A_471 : vector<16xf32>
        %add3A_473 = arith.addf %add3A_459, %mul3A_472 : vector<16xf32>
        %mul3A_474 = arith.mulf %gather3A_470, %gather3A_470 : vector<16xf32>
        %add3A_475 = arith.addf %add3A_461, %mul3A_474 : vector<16xf32>
        %mul3A_476 = arith.mulf %gather3A_471, %gather3A_471 : vector<16xf32>
        %add3A_477 = arith.addf %add3A_463, %mul3A_476 : vector<16xf32>
        %add3A_478 = arith.constant 31 : i32
        %add3A_479 = vector.broadcast %add3A_478 : i32 to vector<16xi32>
        %add3A_480 = arith.addi %add3A_479, %iota3A : vector<16xi32>
        %and3A_481 = arith.constant 63 : i32
        %and3A_482 = vector.broadcast %and3A_481 : i32 to vector<16xi32>
        %and3A_483 = arith.andi %add3A_480, %and3A_482 : vector<16xi32>
        %gather3A_484 = tpu.vector_load_idx %arg11[%add3A_45, %and3A_483] : memref<128x64xf32, #tpu.memory_space<vmem>>[vector<16xi32>, vector<16xi32>], vector<16xf32>,
        %gather3A_485 = tpu.vector_load_idx %arg12[%add3A_45, %and3A_483] : memref<128x64xf32, #tpu.memory_space<vmem>>[vector<16xi32>, vector<16xi32>], vector<16xf32>,
        %mul3A_486 = arith.mulf %gather3A_484, %gather3A_485 : vector<16xf32>
        %add3A_487 = arith.addf %add3A_473, %mul3A_486 : vector<16xf32>
        %mul3A_488 = arith.mulf %gather3A_484, %gather3A_484 : vector<16xf32>
        %add3A_489 = arith.addf %add3A_475, %mul3A_488 : vector<16xf32>
        %mul3A_490 = arith.mulf %gather3A_485, %gather3A_485 : vector<16xf32>
        %add3A_491 = arith.addf %add3A_477, %mul3A_490 : vector<16xf32>
        %add3A_492 = arith.constant 32 : i32
        %add3A_493 = vector.broadcast %add3A_492 : i32 to vector<16xi32>
        %add3A_494 = arith.addi %add3A_493, %iota3A : vector<16xi32>
        %and3A_495 = arith.constant 63 : i32
        %and3A_496 = vector.broadcast %and3A_495 : i32 to vector<16xi32>
        %and3A_497 = arith.andi %add3A_494, %and3A_496 : vector<16xi32>
        %gather3A_498 = tpu.vector_load_idx %arg11[%add3A_45, %and3A_497] : memref<128x64xf32, #tpu.memory_space<vmem>>[vector<16xi32>, vector<16xi32>], vector<16xf32>,
        %gather3A_499 = tpu.vector_load_idx %arg12[%add3A_45, %and3A_497] : memref<128x64xf32, #tpu.memory_space<vmem>>[vector<16xi32>, vector<16xi32>], vector<16xf32>,
        %mul3A_500 = arith.mulf %gather3A_498, %gather3A_499 : vector<16xf32>
        %add3A_501 = arith.addf %add3A_487, %mul3A_500 : vector<16xf32>
        %mul3A_502 = arith.mulf %gather3A_498, %gather3A_498 : vector<16xf32>
        %add3A_503 = arith.addf %add3A_489, %mul3A_502 : vector<16xf32>
        %mul3A_504 = arith.mulf %gather3A_499, %gather3A_499 : vector<16xf32>
        %add3A_505 = arith.addf %add3A_491, %mul3A_504 : vector<16xf32>
        %add3A_506 = arith.constant 33 : i32
        %add3A_507 = vector.broadcast %add3A_506 : i32 to vector<16xi32>
        %add3A_508 = arith.addi %add3A_507, %iota3A : vector<16xi32>
        %and3A_509 = arith.constant 63 : i32
        %and3A_510 = vector.broadcast %and3A_509 : i32 to vector<16xi32>
        %and3A_511 = arith.andi %add3A_508, %and3A_510 : vector<16xi32>
        %gather3A_512 = tpu.vector_load_idx %arg11[%add3A_45, %and3A_511] : memref<128x64xf32, #tpu.memory_space<vmem>>[vector<16xi32>, vector<16xi32>], vector<16xf32>,
        %gather3A_513 = tpu.vector_load_idx %arg12[%add3A_45, %and3A_511] : memref<128x64xf32, #tpu.memory_space<vmem>>[vector<16xi32>, vector<16xi32>], vector<16xf32>,
        %mul3A_514 = arith.mulf %gather3A_512, %gather3A_513 : vector<16xf32>
        %add3A_515 = arith.addf %add3A_501, %mul3A_514 : vector<16xf32>
        %mul3A_516 = arith.mulf %gather3A_512, %gather3A_512 : vector<16xf32>
        %add3A_517 = arith.addf %add3A_503, %mul3A_516 : vector<16xf32>
        %mul3A_518 = arith.mulf %gather3A_513, %gather3A_513 : vector<16xf32>
        %add3A_519 = arith.addf %add3A_505, %mul3A_518 : vector<16xf32>
        %add3A_520 = arith.constant 34 : i32
        %add3A_521 = vector.broadcast %add3A_520 : i32 to vector<16xi32>
        %add3A_522 = arith.addi %add3A_521, %iota3A : vector<16xi32>
        %and3A_523 = arith.constant 63 : i32
        %and3A_524 = vector.broadcast %and3A_523 : i32 to vector<16xi32>
        %and3A_525 = arith.andi %add3A_522, %and3A_524 : vector<16xi32>
        %gather3A_526 = tpu.vector_load_idx %arg11[%add3A_45, %and3A_525] : memref<128x64xf32, #tpu.memory_space<vmem>>[vector<16xi32>, vector<16xi32>], vector<16xf32>,
        %gather3A_527 = tpu.vector_load_idx %arg12[%add3A_45, %and3A_525] : memref<128x64xf32, #tpu.memory_space<vmem>>[vector<16xi32>, vector<16xi32>], vector<16xf32>,
        %mul3A_528 = arith.mulf %gather3A_526, %gather3A_527 : vector<16xf32>
        %add3A_529 = arith.addf %add3A_515, %mul3A_528 : vector<16xf32>
        %mul3A_530 = arith.mulf %gather3A_526, %gather3A_526 : vector<16xf32>
        %add3A_531 = arith.addf %add3A_517, %mul3A_530 : vector<16xf32>
        %mul3A_532 = arith.mulf %gather3A_527, %gather3A_527 : vector<16xf32>
        %add3A_533 = arith.addf %add3A_519, %mul3A_532 : vector<16xf32>
        %add3A_534 = arith.constant 35 : i32
        %add3A_535 = vector.broadcast %add3A_534 : i32 to vector<16xi32>
        %add3A_536 = arith.addi %add3A_535, %iota3A : vector<16xi32>
        %and3A_537 = arith.constant 63 : i32
        %and3A_538 = vector.broadcast %and3A_537 : i32 to vector<16xi32>
        %and3A_539 = arith.andi %add3A_536, %and3A_538 : vector<16xi32>
        %gather3A_540 = tpu.vector_load_idx %arg11[%add3A_45, %and3A_539] : memref<128x64xf32, #tpu.memory_space<vmem>>[vector<16xi32>, vector<16xi32>], vector<16xf32>,
        %gather3A_541 = tpu.vector_load_idx %arg12[%add3A_45, %and3A_539] : memref<128x64xf32, #tpu.memory_space<vmem>>[vector<16xi32>, vector<16xi32>], vector<16xf32>,
        %mul3A_542 = arith.mulf %gather3A_540, %gather3A_541 : vector<16xf32>
        %add3A_543 = arith.addf %add3A_529, %mul3A_542 : vector<16xf32>
        %mul3A_544 = arith.mulf %gather3A_540, %gather3A_540 : vector<16xf32>
        %add3A_545 = arith.addf %add3A_531, %mul3A_544 : vector<16xf32>
        %mul3A_546 = arith.mulf %gather3A_541, %gather3A_541 : vector<16xf32>
        %add3A_547 = arith.addf %add3A_533, %mul3A_546 : vector<16xf32>
        %add3A_548 = arith.constant 36 : i32
        %add3A_549 = vector.broadcast %add3A_548 : i32 to vector<16xi32>
        %add3A_550 = arith.addi %add3A_549, %iota3A : vector<16xi32>
        %and3A_551 = arith.constant 63 : i32
        %and3A_552 = vector.broadcast %and3A_551 : i32 to vector<16xi32>
        %and3A_553 = arith.andi %add3A_550, %and3A_552 : vector<16xi32>
        %gather3A_554 = tpu.vector_load_idx %arg11[%add3A_45, %and3A_553] : memref<128x64xf32, #tpu.memory_space<vmem>>[vector<16xi32>, vector<16xi32>], vector<16xf32>,
        %gather3A_555 = tpu.vector_load_idx %arg12[%add3A_45, %and3A_553] : memref<128x64xf32, #tpu.memory_space<vmem>>[vector<16xi32>, vector<16xi32>], vector<16xf32>,
        %mul3A_556 = arith.mulf %gather3A_554, %gather3A_555 : vector<16xf32>
        %add3A_557 = arith.addf %add3A_543, %mul3A_556 : vector<16xf32>
        %mul3A_558 = arith.mulf %gather3A_554, %gather3A_554 : vector<16xf32>
        %add3A_559 = arith.addf %add3A_545, %mul3A_558 : vector<16xf32>
        %mul3A_560 = arith.mulf %gather3A_555, %gather3A_555 : vector<16xf32>
        %add3A_561 = arith.addf %add3A_547, %mul3A_560 : vector<16xf32>
        %add3A_562 = arith.constant 37 : i32
        %add3A_563 = vector.broadcast %add3A_562 : i32 to vector<16xi32>
        %add3A_564 = arith.addi %add3A_563, %iota3A : vector<16xi32>
        %and3A_565 = arith.constant 63 : i32
        %and3A_566 = vector.broadcast %and3A_565 : i32 to vector<16xi32>
        %and3A_567 = arith.andi %add3A_564, %and3A_566 : vector<16xi32>
        %gather3A_568 = tpu.vector_load_idx %arg11[%add3A_45, %and3A_567] : memref<128x64xf32, #tpu.memory_space<vmem>>[vector<16xi32>, vector<16xi32>], vector<16xf32>,
        %gather3A_569 = tpu.vector_load_idx %arg12[%add3A_45, %and3A_567] : memref<128x64xf32, #tpu.memory_space<vmem>>[vector<16xi32>, vector<16xi32>], vector<16xf32>,
        %mul3A_570 = arith.mulf %gather3A_568, %gather3A_569 : vector<16xf32>
        %add3A_571 = arith.addf %add3A_557, %mul3A_570 : vector<16xf32>
        %mul3A_572 = arith.mulf %gather3A_568, %gather3A_568 : vector<16xf32>
        %add3A_573 = arith.addf %add3A_559, %mul3A_572 : vector<16xf32>
        %mul3A_574 = arith.mulf %gather3A_569, %gather3A_569 : vector<16xf32>
        %add3A_575 = arith.addf %add3A_561, %mul3A_574 : vector<16xf32>
        %add3A_576 = arith.constant 38 : i32
        %add3A_577 = vector.broadcast %add3A_576 : i32 to vector<16xi32>
        %add3A_578 = arith.addi %add3A_577, %iota3A : vector<16xi32>
        %and3A_579 = arith.constant 63 : i32
        %and3A_580 = vector.broadcast %and3A_579 : i32 to vector<16xi32>
        %and3A_581 = arith.andi %add3A_578, %and3A_580 : vector<16xi32>
        %gather3A_582 = tpu.vector_load_idx %arg11[%add3A_45, %and3A_581] : memref<128x64xf32, #tpu.memory_space<vmem>>[vector<16xi32>, vector<16xi32>], vector<16xf32>,
        %gather3A_583 = tpu.vector_load_idx %arg12[%add3A_45, %and3A_581] : memref<128x64xf32, #tpu.memory_space<vmem>>[vector<16xi32>, vector<16xi32>], vector<16xf32>,
        %mul3A_584 = arith.mulf %gather3A_582, %gather3A_583 : vector<16xf32>
        %add3A_585 = arith.addf %add3A_571, %mul3A_584 : vector<16xf32>
        %mul3A_586 = arith.mulf %gather3A_582, %gather3A_582 : vector<16xf32>
        %add3A_587 = arith.addf %add3A_573, %mul3A_586 : vector<16xf32>
        %mul3A_588 = arith.mulf %gather3A_583, %gather3A_583 : vector<16xf32>
        %add3A_589 = arith.addf %add3A_575, %mul3A_588 : vector<16xf32>
        %add3A_590 = arith.constant 39 : i32
        %add3A_591 = vector.broadcast %add3A_590 : i32 to vector<16xi32>
        %add3A_592 = arith.addi %add3A_591, %iota3A : vector<16xi32>
        %and3A_593 = arith.constant 63 : i32
        %and3A_594 = vector.broadcast %and3A_593 : i32 to vector<16xi32>
        %and3A_595 = arith.andi %add3A_592, %and3A_594 : vector<16xi32>
        %gather3A_596 = tpu.vector_load_idx %arg11[%add3A_45, %and3A_595] : memref<128x64xf32, #tpu.memory_space<vmem>>[vector<16xi32>, vector<16xi32>], vector<16xf32>,
        %gather3A_597 = tpu.vector_load_idx %arg12[%add3A_45, %and3A_595] : memref<128x64xf32, #tpu.memory_space<vmem>>[vector<16xi32>, vector<16xi32>], vector<16xf32>,
        %mul3A_598 = arith.mulf %gather3A_596, %gather3A_597 : vector<16xf32>
        %add3A_599 = arith.addf %add3A_585, %mul3A_598 : vector<16xf32>
        %mul3A_600 = arith.mulf %gather3A_596, %gather3A_596 : vector<16xf32>
        %add3A_601 = arith.addf %add3A_587, %mul3A_600 : vector<16xf32>
        %mul3A_602 = arith.mulf %gather3A_597, %gather3A_597 : vector<16xf32>
        %add3A_603 = arith.addf %add3A_589, %mul3A_602 : vector<16xf32>
        %add3A_604 = arith.constant 40 : i32
        %add3A_605 = vector.broadcast %add3A_604 : i32 to vector<16xi32>
        %add3A_606 = arith.addi %add3A_605, %iota3A : vector<16xi32>
        %and3A_607 = arith.constant 63 : i32
        %and3A_608 = vector.broadcast %and3A_607 : i32 to vector<16xi32>
        %and3A_609 = arith.andi %add3A_606, %and3A_608 : vector<16xi32>
        %gather3A_610 = tpu.vector_load_idx %arg11[%add3A_45, %and3A_609] : memref<128x64xf32, #tpu.memory_space<vmem>>[vector<16xi32>, vector<16xi32>], vector<16xf32>,
        %gather3A_611 = tpu.vector_load_idx %arg12[%add3A_45, %and3A_609] : memref<128x64xf32, #tpu.memory_space<vmem>>[vector<16xi32>, vector<16xi32>], vector<16xf32>,
        %mul3A_612 = arith.mulf %gather3A_610, %gather3A_611 : vector<16xf32>
        %add3A_613 = arith.addf %add3A_599, %mul3A_612 : vector<16xf32>
        %mul3A_614 = arith.mulf %gather3A_610, %gather3A_610 : vector<16xf32>
        %add3A_615 = arith.addf %add3A_601, %mul3A_614 : vector<16xf32>
        %mul3A_616 = arith.mulf %gather3A_611, %gather3A_611 : vector<16xf32>
        %add3A_617 = arith.addf %add3A_603, %mul3A_616 : vector<16xf32>
        %add3A_618 = arith.constant 41 : i32
        %add3A_619 = vector.broadcast %add3A_618 : i32 to vector<16xi32>
        %add3A_620 = arith.addi %add3A_619, %iota3A : vector<16xi32>
        %and3A_621 = arith.constant 63 : i32
        %and3A_622 = vector.broadcast %and3A_621 : i32 to vector<16xi32>
        %and3A_623 = arith.andi %add3A_620, %and3A_622 : vector<16xi32>
        %gather3A_624 = tpu.vector_load_idx %arg11[%add3A_45, %and3A_623] : memref<128x64xf32, #tpu.memory_space<vmem>>[vector<16xi32>, vector<16xi32>], vector<16xf32>,
        %gather3A_625 = tpu.vector_load_idx %arg12[%add3A_45, %and3A_623] : memref<128x64xf32, #tpu.memory_space<vmem>>[vector<16xi32>, vector<16xi32>], vector<16xf32>,
        %mul3A_626 = arith.mulf %gather3A_624, %gather3A_625 : vector<16xf32>
        %add3A_627 = arith.addf %add3A_613, %mul3A_626 : vector<16xf32>
        %mul3A_628 = arith.mulf %gather3A_624, %gather3A_624 : vector<16xf32>
        %add3A_629 = arith.addf %add3A_615, %mul3A_628 : vector<16xf32>
        %mul3A_630 = arith.mulf %gather3A_625, %gather3A_625 : vector<16xf32>
        %add3A_631 = arith.addf %add3A_617, %mul3A_630 : vector<16xf32>
        %add3A_632 = arith.constant 42 : i32
        %add3A_633 = vector.broadcast %add3A_632 : i32 to vector<16xi32>
        %add3A_634 = arith.addi %add3A_633, %iota3A : vector<16xi32>
        %and3A_635 = arith.constant 63 : i32
        %and3A_636 = vector.broadcast %and3A_635 : i32 to vector<16xi32>
        %and3A_637 = arith.andi %add3A_634, %and3A_636 : vector<16xi32>
        %gather3A_638 = tpu.vector_load_idx %arg11[%add3A_45, %and3A_637] : memref<128x64xf32, #tpu.memory_space<vmem>>[vector<16xi32>, vector<16xi32>], vector<16xf32>,
        %gather3A_639 = tpu.vector_load_idx %arg12[%add3A_45, %and3A_637] : memref<128x64xf32, #tpu.memory_space<vmem>>[vector<16xi32>, vector<16xi32>], vector<16xf32>,
        %mul3A_640 = arith.mulf %gather3A_638, %gather3A_639 : vector<16xf32>
        %add3A_641 = arith.addf %add3A_627, %mul3A_640 : vector<16xf32>
        %mul3A_642 = arith.mulf %gather3A_638, %gather3A_638 : vector<16xf32>
        %add3A_643 = arith.addf %add3A_629, %mul3A_642 : vector<16xf32>
        %mul3A_644 = arith.mulf %gather3A_639, %gather3A_639 : vector<16xf32>
        %add3A_645 = arith.addf %add3A_631, %mul3A_644 : vector<16xf32>
        %add3A_646 = arith.constant 43 : i32
        %add3A_647 = vector.broadcast %add3A_646 : i32 to vector<16xi32>
        %add3A_648 = arith.addi %add3A_647, %iota3A : vector<16xi32>
        %and3A_649 = arith.constant 63 : i32
        %and3A_650 = vector.broadcast %and3A_649 : i32 to vector<16xi32>
        %and3A_651 = arith.andi %add3A_648, %and3A_650 : vector<16xi32>
        %gather3A_652 = tpu.vector_load_idx %arg11[%add3A_45, %and3A_651] : memref<128x64xf32, #tpu.memory_space<vmem>>[vector<16xi32>, vector<16xi32>], vector<16xf32>,
        %gather3A_653 = tpu.vector_load_idx %arg12[%add3A_45, %and3A_651] : memref<128x64xf32, #tpu.memory_space<vmem>>[vector<16xi32>, vector<16xi32>], vector<16xf32>,
        %mul3A_654 = arith.mulf %gather3A_652, %gather3A_653 : vector<16xf32>
        %add3A_655 = arith.addf %add3A_641, %mul3A_654 : vector<16xf32>
        %mul3A_656 = arith.mulf %gather3A_652, %gather3A_652 : vector<16xf32>
        %add3A_657 = arith.addf %add3A_643, %mul3A_656 : vector<16xf32>
        %mul3A_658 = arith.mulf %gather3A_653, %gather3A_653 : vector<16xf32>
        %add3A_659 = arith.addf %add3A_645, %mul3A_658 : vector<16xf32>
        %add3A_660 = arith.constant 44 : i32
        %add3A_661 = vector.broadcast %add3A_660 : i32 to vector<16xi32>
        %add3A_662 = arith.addi %add3A_661, %iota3A : vector<16xi32>
        %and3A_663 = arith.constant 63 : i32
        %and3A_664 = vector.broadcast %and3A_663 : i32 to vector<16xi32>
        %and3A_665 = arith.andi %add3A_662, %and3A_664 : vector<16xi32>
        %gather3A_666 = tpu.vector_load_idx %arg11[%add3A_45, %and3A_665] : memref<128x64xf32, #tpu.memory_space<vmem>>[vector<16xi32>, vector<16xi32>], vector<16xf32>,
        %gather3A_667 = tpu.vector_load_idx %arg12[%add3A_45, %and3A_665] : memref<128x64xf32, #tpu.memory_space<vmem>>[vector<16xi32>, vector<16xi32>], vector<16xf32>,
        %mul3A_668 = arith.mulf %gather3A_666, %gather3A_667 : vector<16xf32>
        %add3A_669 = arith.addf %add3A_655, %mul3A_668 : vector<16xf32>
        %mul3A_670 = arith.mulf %gather3A_666, %gather3A_666 : vector<16xf32>
        %add3A_671 = arith.addf %add3A_657, %mul3A_670 : vector<16xf32>
        %mul3A_672 = arith.mulf %gather3A_667, %gather3A_667 : vector<16xf32>
        %add3A_673 = arith.addf %add3A_659, %mul3A_672 : vector<16xf32>
        %add3A_674 = arith.constant 45 : i32
        %add3A_675 = vector.broadcast %add3A_674 : i32 to vector<16xi32>
        %add3A_676 = arith.addi %add3A_675, %iota3A : vector<16xi32>
        %and3A_677 = arith.constant 63 : i32
        %and3A_678 = vector.broadcast %and3A_677 : i32 to vector<16xi32>
        %and3A_679 = arith.andi %add3A_676, %and3A_678 : vector<16xi32>
        %gather3A_680 = tpu.vector_load_idx %arg11[%add3A_45, %and3A_679] : memref<128x64xf32, #tpu.memory_space<vmem>>[vector<16xi32>, vector<16xi32>], vector<16xf32>,
        %gather3A_681 = tpu.vector_load_idx %arg12[%add3A_45, %and3A_679] : memref<128x64xf32, #tpu.memory_space<vmem>>[vector<16xi32>, vector<16xi32>], vector<16xf32>,
        %mul3A_682 = arith.mulf %gather3A_680, %gather3A_681 : vector<16xf32>
        %add3A_683 = arith.addf %add3A_669, %mul3A_682 : vector<16xf32>
        %mul3A_684 = arith.mulf %gather3A_680, %gather3A_680 : vector<16xf32>
        %add3A_685 = arith.addf %add3A_671, %mul3A_684 : vector<16xf32>
        %mul3A_686 = arith.mulf %gather3A_681, %gather3A_681 : vector<16xf32>
        %add3A_687 = arith.addf %add3A_673, %mul3A_686 : vector<16xf32>
        %add3A_688 = arith.constant 46 : i32
        %add3A_689 = vector.broadcast %add3A_688 : i32 to vector<16xi32>
        %add3A_690 = arith.addi %add3A_689, %iota3A : vector<16xi32>
        %and3A_691 = arith.constant 63 : i32
        %and3A_692 = vector.broadcast %and3A_691 : i32 to vector<16xi32>
        %and3A_693 = arith.andi %add3A_690, %and3A_692 : vector<16xi32>
        %gather3A_694 = tpu.vector_load_idx %arg11[%add3A_45, %and3A_693] : memref<128x64xf32, #tpu.memory_space<vmem>>[vector<16xi32>, vector<16xi32>], vector<16xf32>,
        %gather3A_695 = tpu.vector_load_idx %arg12[%add3A_45, %and3A_693] : memref<128x64xf32, #tpu.memory_space<vmem>>[vector<16xi32>, vector<16xi32>], vector<16xf32>,
        %mul3A_696 = arith.mulf %gather3A_694, %gather3A_695 : vector<16xf32>
        %add3A_697 = arith.addf %add3A_683, %mul3A_696 : vector<16xf32>
        %mul3A_698 = arith.mulf %gather3A_694, %gather3A_694 : vector<16xf32>
        %add3A_699 = arith.addf %add3A_685, %mul3A_698 : vector<16xf32>
        %mul3A_700 = arith.mulf %gather3A_695, %gather3A_695 : vector<16xf32>
        %add3A_701 = arith.addf %add3A_687, %mul3A_700 : vector<16xf32>
        %add3A_702 = arith.constant 47 : i32
        %add3A_703 = vector.broadcast %add3A_702 : i32 to vector<16xi32>
        %add3A_704 = arith.addi %add3A_703, %iota3A : vector<16xi32>
        %and3A_705 = arith.constant 63 : i32
        %and3A_706 = vector.broadcast %and3A_705 : i32 to vector<16xi32>
        %and3A_707 = arith.andi %add3A_704, %and3A_706 : vector<16xi32>
        %gather3A_708 = tpu.vector_load_idx %arg11[%add3A_45, %and3A_707] : memref<128x64xf32, #tpu.memory_space<vmem>>[vector<16xi32>, vector<16xi32>], vector<16xf32>,
        %gather3A_709 = tpu.vector_load_idx %arg12[%add3A_45, %and3A_707] : memref<128x64xf32, #tpu.memory_space<vmem>>[vector<16xi32>, vector<16xi32>], vector<16xf32>,
        %mul3A_710 = arith.mulf %gather3A_708, %gather3A_709 : vector<16xf32>
        %add3A_711 = arith.addf %add3A_697, %mul3A_710 : vector<16xf32>
        %mul3A_712 = arith.mulf %gather3A_708, %gather3A_708 : vector<16xf32>
        %add3A_713 = arith.addf %add3A_699, %mul3A_712 : vector<16xf32>
        %mul3A_714 = arith.mulf %gather3A_709, %gather3A_709 : vector<16xf32>
        %add3A_715 = arith.addf %add3A_701, %mul3A_714 : vector<16xf32>
        %add3A_716 = arith.constant 48 : i32
        %add3A_717 = vector.broadcast %add3A_716 : i32 to vector<16xi32>
        %add3A_718 = arith.addi %add3A_717, %iota3A : vector<16xi32>
        %and3A_719 = arith.constant 63 : i32
        %and3A_720 = vector.broadcast %and3A_719 : i32 to vector<16xi32>
        %and3A_721 = arith.andi %add3A_718, %and3A_720 : vector<16xi32>
        %gather3A_722 = tpu.vector_load_idx %arg11[%add3A_45, %and3A_721] : memref<128x64xf32, #tpu.memory_space<vmem>>[vector<16xi32>, vector<16xi32>], vector<16xf32>,
        %gather3A_723 = tpu.vector_load_idx %arg12[%add3A_45, %and3A_721] : memref<128x64xf32, #tpu.memory_space<vmem>>[vector<16xi32>, vector<16xi32>], vector<16xf32>,
        %mul3A_724 = arith.mulf %gather3A_722, %gather3A_723 : vector<16xf32>
        %add3A_725 = arith.addf %add3A_711, %mul3A_724 : vector<16xf32>
        %mul3A_726 = arith.mulf %gather3A_722, %gather3A_722 : vector<16xf32>
        %add3A_727 = arith.addf %add3A_713, %mul3A_726 : vector<16xf32>
        %mul3A_728 = arith.mulf %gather3A_723, %gather3A_723 : vector<16xf32>
        %add3A_729 = arith.addf %add3A_715, %mul3A_728 : vector<16xf32>
        %add3A_730 = arith.constant 49 : i32
        %add3A_731 = vector.broadcast %add3A_730 : i32 to vector<16xi32>
        %add3A_732 = arith.addi %add3A_731, %iota3A : vector<16xi32>
        %and3A_733 = arith.constant 63 : i32
        %and3A_734 = vector.broadcast %and3A_733 : i32 to vector<16xi32>
        %and3A_735 = arith.andi %add3A_732, %and3A_734 : vector<16xi32>
        %gather3A_736 = tpu.vector_load_idx %arg11[%add3A_45, %and3A_735] : memref<128x64xf32, #tpu.memory_space<vmem>>[vector<16xi32>, vector<16xi32>], vector<16xf32>,
        %gather3A_737 = tpu.vector_load_idx %arg12[%add3A_45, %and3A_735] : memref<128x64xf32, #tpu.memory_space<vmem>>[vector<16xi32>, vector<16xi32>], vector<16xf32>,
        %mul3A_738 = arith.mulf %gather3A_736, %gather3A_737 : vector<16xf32>
        %add3A_739 = arith.addf %add3A_725, %mul3A_738 : vector<16xf32>
        %mul3A_740 = arith.mulf %gather3A_736, %gather3A_736 : vector<16xf32>
        %add3A_741 = arith.addf %add3A_727, %mul3A_740 : vector<16xf32>
        %mul3A_742 = arith.mulf %gather3A_737, %gather3A_737 : vector<16xf32>
        %add3A_743 = arith.addf %add3A_729, %mul3A_742 : vector<16xf32>
        %add3A_744 = arith.constant 50 : i32
        %add3A_745 = vector.broadcast %add3A_744 : i32 to vector<16xi32>
        %add3A_746 = arith.addi %add3A_745, %iota3A : vector<16xi32>
        %and3A_747 = arith.constant 63 : i32
        %and3A_748 = vector.broadcast %and3A_747 : i32 to vector<16xi32>
        %and3A_749 = arith.andi %add3A_746, %and3A_748 : vector<16xi32>
        %gather3A_750 = tpu.vector_load_idx %arg11[%add3A_45, %and3A_749] : memref<128x64xf32, #tpu.memory_space<vmem>>[vector<16xi32>, vector<16xi32>], vector<16xf32>,
        %gather3A_751 = tpu.vector_load_idx %arg12[%add3A_45, %and3A_749] : memref<128x64xf32, #tpu.memory_space<vmem>>[vector<16xi32>, vector<16xi32>], vector<16xf32>,
        %mul3A_752 = arith.mulf %gather3A_750, %gather3A_751 : vector<16xf32>
        %add3A_753 = arith.addf %add3A_739, %mul3A_752 : vector<16xf32>
        %mul3A_754 = arith.mulf %gather3A_750, %gather3A_750 : vector<16xf32>
        %add3A_755 = arith.addf %add3A_741, %mul3A_754 : vector<16xf32>
        %mul3A_756 = arith.mulf %gather3A_751, %gather3A_751 : vector<16xf32>
        %add3A_757 = arith.addf %add3A_743, %mul3A_756 : vector<16xf32>
        %add3A_758 = arith.constant 51 : i32
        %add3A_759 = vector.broadcast %add3A_758 : i32 to vector<16xi32>
        %add3A_760 = arith.addi %add3A_759, %iota3A : vector<16xi32>
        %and3A_761 = arith.constant 63 : i32
        %and3A_762 = vector.broadcast %and3A_761 : i32 to vector<16xi32>
        %and3A_763 = arith.andi %add3A_760, %and3A_762 : vector<16xi32>
        %gather3A_764 = tpu.vector_load_idx %arg11[%add3A_45, %and3A_763] : memref<128x64xf32, #tpu.memory_space<vmem>>[vector<16xi32>, vector<16xi32>], vector<16xf32>,
        %gather3A_765 = tpu.vector_load_idx %arg12[%add3A_45, %and3A_763] : memref<128x64xf32, #tpu.memory_space<vmem>>[vector<16xi32>, vector<16xi32>], vector<16xf32>,
        %mul3A_766 = arith.mulf %gather3A_764, %gather3A_765 : vector<16xf32>
        %add3A_767 = arith.addf %add3A_753, %mul3A_766 : vector<16xf32>
        %mul3A_768 = arith.mulf %gather3A_764, %gather3A_764 : vector<16xf32>
        %add3A_769 = arith.addf %add3A_755, %mul3A_768 : vector<16xf32>
        %mul3A_770 = arith.mulf %gather3A_765, %gather3A_765 : vector<16xf32>
        %add3A_771 = arith.addf %add3A_757, %mul3A_770 : vector<16xf32>
        %add3A_772 = arith.constant 52 : i32
        %add3A_773 = vector.broadcast %add3A_772 : i32 to vector<16xi32>
        %add3A_774 = arith.addi %add3A_773, %iota3A : vector<16xi32>
        %and3A_775 = arith.constant 63 : i32
        %and3A_776 = vector.broadcast %and3A_775 : i32 to vector<16xi32>
        %and3A_777 = arith.andi %add3A_774, %and3A_776 : vector<16xi32>
        %gather3A_778 = tpu.vector_load_idx %arg11[%add3A_45, %and3A_777] : memref<128x64xf32, #tpu.memory_space<vmem>>[vector<16xi32>, vector<16xi32>], vector<16xf32>,
        %gather3A_779 = tpu.vector_load_idx %arg12[%add3A_45, %and3A_777] : memref<128x64xf32, #tpu.memory_space<vmem>>[vector<16xi32>, vector<16xi32>], vector<16xf32>,
        %mul3A_780 = arith.mulf %gather3A_778, %gather3A_779 : vector<16xf32>
        %add3A_781 = arith.addf %add3A_767, %mul3A_780 : vector<16xf32>
        %mul3A_782 = arith.mulf %gather3A_778, %gather3A_778 : vector<16xf32>
        %add3A_783 = arith.addf %add3A_769, %mul3A_782 : vector<16xf32>
        %mul3A_784 = arith.mulf %gather3A_779, %gather3A_779 : vector<16xf32>
        %add3A_785 = arith.addf %add3A_771, %mul3A_784 : vector<16xf32>
        %add3A_786 = arith.constant 53 : i32
        %add3A_787 = vector.broadcast %add3A_786 : i32 to vector<16xi32>
        %add3A_788 = arith.addi %add3A_787, %iota3A : vector<16xi32>
        %and3A_789 = arith.constant 63 : i32
        %and3A_790 = vector.broadcast %and3A_789 : i32 to vector<16xi32>
        %and3A_791 = arith.andi %add3A_788, %and3A_790 : vector<16xi32>
        %gather3A_792 = tpu.vector_load_idx %arg11[%add3A_45, %and3A_791] : memref<128x64xf32, #tpu.memory_space<vmem>>[vector<16xi32>, vector<16xi32>], vector<16xf32>,
        %gather3A_793 = tpu.vector_load_idx %arg12[%add3A_45, %and3A_791] : memref<128x64xf32, #tpu.memory_space<vmem>>[vector<16xi32>, vector<16xi32>], vector<16xf32>,
        %mul3A_794 = arith.mulf %gather3A_792, %gather3A_793 : vector<16xf32>
        %add3A_795 = arith.addf %add3A_781, %mul3A_794 : vector<16xf32>
        %mul3A_796 = arith.mulf %gather3A_792, %gather3A_792 : vector<16xf32>
        %add3A_797 = arith.addf %add3A_783, %mul3A_796 : vector<16xf32>
        %mul3A_798 = arith.mulf %gather3A_793, %gather3A_793 : vector<16xf32>
        %add3A_799 = arith.addf %add3A_785, %mul3A_798 : vector<16xf32>
        %add3A_800 = arith.constant 54 : i32
        %add3A_801 = vector.broadcast %add3A_800 : i32 to vector<16xi32>
        %add3A_802 = arith.addi %add3A_801, %iota3A : vector<16xi32>
        %and3A_803 = arith.constant 63 : i32
        %and3A_804 = vector.broadcast %and3A_803 : i32 to vector<16xi32>
        %and3A_805 = arith.andi %add3A_802, %and3A_804 : vector<16xi32>
        %gather3A_806 = tpu.vector_load_idx %arg11[%add3A_45, %and3A_805] : memref<128x64xf32, #tpu.memory_space<vmem>>[vector<16xi32>, vector<16xi32>], vector<16xf32>,
        %gather3A_807 = tpu.vector_load_idx %arg12[%add3A_45, %and3A_805] : memref<128x64xf32, #tpu.memory_space<vmem>>[vector<16xi32>, vector<16xi32>], vector<16xf32>,
        %mul3A_808 = arith.mulf %gather3A_806, %gather3A_807 : vector<16xf32>
        %add3A_809 = arith.addf %add3A_795, %mul3A_808 : vector<16xf32>
        %mul3A_810 = arith.mulf %gather3A_806, %gather3A_806 : vector<16xf32>
        %add3A_811 = arith.addf %add3A_797, %mul3A_810 : vector<16xf32>
        %mul3A_812 = arith.mulf %gather3A_807, %gather3A_807 : vector<16xf32>
        %add3A_813 = arith.addf %add3A_799, %mul3A_812 : vector<16xf32>
        %add3A_814 = arith.constant 55 : i32
        %add3A_815 = vector.broadcast %add3A_814 : i32 to vector<16xi32>
        %add3A_816 = arith.addi %add3A_815, %iota3A : vector<16xi32>
        %and3A_817 = arith.constant 63 : i32
        %and3A_818 = vector.broadcast %and3A_817 : i32 to vector<16xi32>
        %and3A_819 = arith.andi %add3A_816, %and3A_818 : vector<16xi32>
        %gather3A_820 = tpu.vector_load_idx %arg11[%add3A_45, %and3A_819] : memref<128x64xf32, #tpu.memory_space<vmem>>[vector<16xi32>, vector<16xi32>], vector<16xf32>,
        %gather3A_821 = tpu.vector_load_idx %arg12[%add3A_45, %and3A_819] : memref<128x64xf32, #tpu.memory_space<vmem>>[vector<16xi32>, vector<16xi32>], vector<16xf32>,
        %mul3A_822 = arith.mulf %gather3A_820, %gather3A_821 : vector<16xf32>
        %add3A_823 = arith.addf %add3A_809, %mul3A_822 : vector<16xf32>
        %mul3A_824 = arith.mulf %gather3A_820, %gather3A_820 : vector<16xf32>
        %add3A_825 = arith.addf %add3A_811, %mul3A_824 : vector<16xf32>
        %mul3A_826 = arith.mulf %gather3A_821, %gather3A_821 : vector<16xf32>
        %add3A_827 = arith.addf %add3A_813, %mul3A_826 : vector<16xf32>
        %add3A_828 = arith.constant 56 : i32
        %add3A_829 = vector.broadcast %add3A_828 : i32 to vector<16xi32>
        %add3A_830 = arith.addi %add3A_829, %iota3A : vector<16xi32>
        %and3A_831 = arith.constant 63 : i32
        %and3A_832 = vector.broadcast %and3A_831 : i32 to vector<16xi32>
        %and3A_833 = arith.andi %add3A_830, %and3A_832 : vector<16xi32>
        %gather3A_834 = tpu.vector_load_idx %arg11[%add3A_45, %and3A_833] : memref<128x64xf32, #tpu.memory_space<vmem>>[vector<16xi32>, vector<16xi32>], vector<16xf32>,
        %gather3A_835 = tpu.vector_load_idx %arg12[%add3A_45, %and3A_833] : memref<128x64xf32, #tpu.memory_space<vmem>>[vector<16xi32>, vector<16xi32>], vector<16xf32>,
        %mul3A_836 = arith.mulf %gather3A_834, %gather3A_835 : vector<16xf32>
        %add3A_837 = arith.addf %add3A_823, %mul3A_836 : vector<16xf32>
        %mul3A_838 = arith.mulf %gather3A_834, %gather3A_834 : vector<16xf32>
        %add3A_839 = arith.addf %add3A_825, %mul3A_838 : vector<16xf32>
        %mul3A_840 = arith.mulf %gather3A_835, %gather3A_835 : vector<16xf32>
        %add3A_841 = arith.addf %add3A_827, %mul3A_840 : vector<16xf32>
        %add3A_842 = arith.constant 57 : i32
        %add3A_843 = vector.broadcast %add3A_842 : i32 to vector<16xi32>
        %add3A_844 = arith.addi %add3A_843, %iota3A : vector<16xi32>
        %and3A_845 = arith.constant 63 : i32
        %and3A_846 = vector.broadcast %and3A_845 : i32 to vector<16xi32>
        %and3A_847 = arith.andi %add3A_844, %and3A_846 : vector<16xi32>
        %gather3A_848 = tpu.vector_load_idx %arg11[%add3A_45, %and3A_847] : memref<128x64xf32, #tpu.memory_space<vmem>>[vector<16xi32>, vector<16xi32>], vector<16xf32>,
        %gather3A_849 = tpu.vector_load_idx %arg12[%add3A_45, %and3A_847] : memref<128x64xf32, #tpu.memory_space<vmem>>[vector<16xi32>, vector<16xi32>], vector<16xf32>,
        %mul3A_850 = arith.mulf %gather3A_848, %gather3A_849 : vector<16xf32>
        %add3A_851 = arith.addf %add3A_837, %mul3A_850 : vector<16xf32>
        %mul3A_852 = arith.mulf %gather3A_848, %gather3A_848 : vector<16xf32>
        %add3A_853 = arith.addf %add3A_839, %mul3A_852 : vector<16xf32>
        %mul3A_854 = arith.mulf %gather3A_849, %gather3A_849 : vector<16xf32>
        %add3A_855 = arith.addf %add3A_841, %mul3A_854 : vector<16xf32>
        %add3A_856 = arith.constant 58 : i32
        %add3A_857 = vector.broadcast %add3A_856 : i32 to vector<16xi32>
        %add3A_858 = arith.addi %add3A_857, %iota3A : vector<16xi32>
        %and3A_859 = arith.constant 63 : i32
        %and3A_860 = vector.broadcast %and3A_859 : i32 to vector<16xi32>
        %and3A_861 = arith.andi %add3A_858, %and3A_860 : vector<16xi32>
        %gather3A_862 = tpu.vector_load_idx %arg11[%add3A_45, %and3A_861] : memref<128x64xf32, #tpu.memory_space<vmem>>[vector<16xi32>, vector<16xi32>], vector<16xf32>,
        %gather3A_863 = tpu.vector_load_idx %arg12[%add3A_45, %and3A_861] : memref<128x64xf32, #tpu.memory_space<vmem>>[vector<16xi32>, vector<16xi32>], vector<16xf32>,
        %mul3A_864 = arith.mulf %gather3A_862, %gather3A_863 : vector<16xf32>
        %add3A_865 = arith.addf %add3A_851, %mul3A_864 : vector<16xf32>
        %mul3A_866 = arith.mulf %gather3A_862, %gather3A_862 : vector<16xf32>
        %add3A_867 = arith.addf %add3A_853, %mul3A_866 : vector<16xf32>
        %mul3A_868 = arith.mulf %gather3A_863, %gather3A_863 : vector<16xf32>
        %add3A_869 = arith.addf %add3A_855, %mul3A_868 : vector<16xf32>
        %add3A_870 = arith.constant 59 : i32
        %add3A_871 = vector.broadcast %add3A_870 : i32 to vector<16xi32>
        %add3A_872 = arith.addi %add3A_871, %iota3A : vector<16xi32>
        %and3A_873 = arith.constant 63 : i32
        %and3A_874 = vector.broadcast %and3A_873 : i32 to vector<16xi32>
        %and3A_875 = arith.andi %add3A_872, %and3A_874 : vector<16xi32>
        %gather3A_876 = tpu.vector_load_idx %arg11[%add3A_45, %and3A_875] : memref<128x64xf32, #tpu.memory_space<vmem>>[vector<16xi32>, vector<16xi32>], vector<16xf32>,
        %gather3A_877 = tpu.vector_load_idx %arg12[%add3A_45, %and3A_875] : memref<128x64xf32, #tpu.memory_space<vmem>>[vector<16xi32>, vector<16xi32>], vector<16xf32>,
        %mul3A_878 = arith.mulf %gather3A_876, %gather3A_877 : vector<16xf32>
        %add3A_879 = arith.addf %add3A_865, %mul3A_878 : vector<16xf32>
        %mul3A_880 = arith.mulf %gather3A_876, %gather3A_876 : vector<16xf32>
        %add3A_881 = arith.addf %add3A_867, %mul3A_880 : vector<16xf32>
        %mul3A_882 = arith.mulf %gather3A_877, %gather3A_877 : vector<16xf32>
        %add3A_883 = arith.addf %add3A_869, %mul3A_882 : vector<16xf32>
        %add3A_884 = arith.constant 60 : i32
        %add3A_885 = vector.broadcast %add3A_884 : i32 to vector<16xi32>
        %add3A_886 = arith.addi %add3A_885, %iota3A : vector<16xi32>
        %and3A_887 = arith.constant 63 : i32
        %and3A_888 = vector.broadcast %and3A_887 : i32 to vector<16xi32>
        %and3A_889 = arith.andi %add3A_886, %and3A_888 : vector<16xi32>
        %gather3A_890 = tpu.vector_load_idx %arg11[%add3A_45, %and3A_889] : memref<128x64xf32, #tpu.memory_space<vmem>>[vector<16xi32>, vector<16xi32>], vector<16xf32>,
        %gather3A_891 = tpu.vector_load_idx %arg12[%add3A_45, %and3A_889] : memref<128x64xf32, #tpu.memory_space<vmem>>[vector<16xi32>, vector<16xi32>], vector<16xf32>,
        %mul3A_892 = arith.mulf %gather3A_890, %gather3A_891 : vector<16xf32>
        %add3A_893 = arith.addf %add3A_879, %mul3A_892 : vector<16xf32>
        %mul3A_894 = arith.mulf %gather3A_890, %gather3A_890 : vector<16xf32>
        %add3A_895 = arith.addf %add3A_881, %mul3A_894 : vector<16xf32>
        %mul3A_896 = arith.mulf %gather3A_891, %gather3A_891 : vector<16xf32>
        %add3A_897 = arith.addf %add3A_883, %mul3A_896 : vector<16xf32>
        %add3A_898 = arith.constant 61 : i32
        %add3A_899 = vector.broadcast %add3A_898 : i32 to vector<16xi32>
        %add3A_900 = arith.addi %add3A_899, %iota3A : vector<16xi32>
        %and3A_901 = arith.constant 63 : i32
        %and3A_902 = vector.broadcast %and3A_901 : i32 to vector<16xi32>
        %and3A_903 = arith.andi %add3A_900, %and3A_902 : vector<16xi32>
        %gather3A_904 = tpu.vector_load_idx %arg11[%add3A_45, %and3A_903] : memref<128x64xf32, #tpu.memory_space<vmem>>[vector<16xi32>, vector<16xi32>], vector<16xf32>,
        %gather3A_905 = tpu.vector_load_idx %arg12[%add3A_45, %and3A_903] : memref<128x64xf32, #tpu.memory_space<vmem>>[vector<16xi32>, vector<16xi32>], vector<16xf32>,
        %mul3A_906 = arith.mulf %gather3A_904, %gather3A_905 : vector<16xf32>
        %add3A_907 = arith.addf %add3A_893, %mul3A_906 : vector<16xf32>
        %mul3A_908 = arith.mulf %gather3A_904, %gather3A_904 : vector<16xf32>
        %add3A_909 = arith.addf %add3A_895, %mul3A_908 : vector<16xf32>
        %mul3A_910 = arith.mulf %gather3A_905, %gather3A_905 : vector<16xf32>
        %add3A_911 = arith.addf %add3A_897, %mul3A_910 : vector<16xf32>
        %add3A_912 = arith.constant 62 : i32
        %add3A_913 = vector.broadcast %add3A_912 : i32 to vector<16xi32>
        %add3A_914 = arith.addi %add3A_913, %iota3A : vector<16xi32>
        %and3A_915 = arith.constant 63 : i32
        %and3A_916 = vector.broadcast %and3A_915 : i32 to vector<16xi32>
        %and3A_917 = arith.andi %add3A_914, %and3A_916 : vector<16xi32>
        %gather3A_918 = tpu.vector_load_idx %arg11[%add3A_45, %and3A_917] : memref<128x64xf32, #tpu.memory_space<vmem>>[vector<16xi32>, vector<16xi32>], vector<16xf32>,
        %gather3A_919 = tpu.vector_load_idx %arg12[%add3A_45, %and3A_917] : memref<128x64xf32, #tpu.memory_space<vmem>>[vector<16xi32>, vector<16xi32>], vector<16xf32>,
        %mul3A_920 = arith.mulf %gather3A_918, %gather3A_919 : vector<16xf32>
        %add3A_921 = arith.addf %add3A_907, %mul3A_920 : vector<16xf32>
        %mul3A_922 = arith.mulf %gather3A_918, %gather3A_918 : vector<16xf32>
        %add3A_923 = arith.addf %add3A_909, %mul3A_922 : vector<16xf32>
        %mul3A_924 = arith.mulf %gather3A_919, %gather3A_919 : vector<16xf32>
        %add3A_925 = arith.addf %add3A_911, %mul3A_924 : vector<16xf32>
        %add3A_926 = arith.constant 63 : i32
        %add3A_927 = vector.broadcast %add3A_926 : i32 to vector<16xi32>
        %add3A_928 = arith.addi %add3A_927, %iota3A : vector<16xi32>
        %and3A_929 = arith.constant 63 : i32
        %and3A_930 = vector.broadcast %and3A_929 : i32 to vector<16xi32>
        %and3A_931 = arith.andi %add3A_928, %and3A_930 : vector<16xi32>
        %gather3A_932 = tpu.vector_load_idx %arg11[%add3A_45, %and3A_931] : memref<128x64xf32, #tpu.memory_space<vmem>>[vector<16xi32>, vector<16xi32>], vector<16xf32>,
        %gather3A_933 = tpu.vector_load_idx %arg12[%add3A_45, %and3A_931] : memref<128x64xf32, #tpu.memory_space<vmem>>[vector<16xi32>, vector<16xi32>], vector<16xf32>,
        %mul3A_934 = arith.mulf %gather3A_932, %gather3A_933 : vector<16xf32>
        %add3A_935 = arith.addf %add3A_921, %mul3A_934 : vector<16xf32>
        %mul3A_936 = arith.mulf %gather3A_932, %gather3A_932 : vector<16xf32>
        %add3A_937 = arith.addf %add3A_923, %mul3A_936 : vector<16xf32>
        %mul3A_938 = arith.mulf %gather3A_933, %gather3A_933 : vector<16xf32>
        %add3A_939 = arith.addf %add3A_925, %mul3A_938 : vector<16xf32>
        %mul3A_940 = arith.constant 128 : i32
        %mul3A_941 = arith.muli %scan3A_12, %mul3A_940 : i32
        %add3A_942 = vector.broadcast %mul3A_941 : i32 to vector<16xi32>
        %add3A_943 = arith.addi %add3A_942, %add3A_45 : vector<16xi32>
        %gather3A_944 = tpu.vector_load_idx %arg8[%add3A_943] : memref<3200xi32, #tpu.memory_space<vmem>>[vector<16xi32>], vector<16xi32>,
        %mul3A_945 = arith.constant 128 : i32
        %mul3A_946 = arith.muli %scan3A_12, %mul3A_945 : i32
        %add3A_947 = vector.broadcast %mul3A_946 : i32 to vector<16xi32>
        %add3A_948 = arith.addi %add3A_947, %add3A_45 : vector<16xi32>
        %gather3A_949 = tpu.vector_load_idx %arg9[%add3A_948] : memref<3200xi32, #tpu.memory_space<vmem>>[vector<16xi32>], vector<16xi32>,
        %mul3A_950 = arith.constant 128 : i32
        %mul3A_951 = arith.muli %scan3A_12, %mul3A_950 : i32
        %add3A_952 = vector.broadcast %mul3A_951 : i32 to vector<16xi32>
        %add3A_953 = arith.addi %add3A_952, %add3A_45 : vector<16xi32>
        %gather3A_954 = tpu.vector_load_idx %arg10[%add3A_953] : memref<3200xf32, #tpu.memory_space<vmem>>[vector<16xi32>], vector<16xf32>,
        %ne3A = arith.cmpi ne, %gather3A_944, %gather3A_949 : vector<16xi32>
        %lt3A = arith.constant 100000 : i32
        %lt3A_955 = vector.broadcast %lt3A : i32 to vector<16xi32>
        %lt3A_956 = arith.cmpi slt, %gather3A_944, %lt3A_955 : vector<16xi32>
        %and3A_957 = arith.andi %ne3A, %lt3A_956 : vector<16xi1>
        %lt3A_958 = arith.constant 100000 : i32
        %lt3A_959 = vector.broadcast %lt3A_958 : i32 to vector<16xi32>
        %lt3A_960 = arith.cmpi slt, %gather3A_949, %lt3A_959 : vector<16xi32>
        %and3A_961 = arith.andi %and3A_957, %lt3A_960 : vector<16xi1>
        %select_n3A = arith.select %and3A_961, %broadcast_in_dim3A_3, %broadcast_in_dim3A_1 : vector<16xi1>, vector<16xf32>
        %max3A = arith.constant 1.000000e-24 : f32
        %max3A_962 = vector.broadcast %max3A : f32 to vector<16xf32>
        %max3A_963 = arith.maximumf %add3A_937, %max3A_962 : vector<16xf32>
        %bitcast3A = vector.bitcast %max3A_963 : vector<16xf32> to vector<16xi32>
        %shift_right_arithmetic3A = arith.constant 1 : i32
        %shift_right_arithmetic3A_964 = vector.broadcast %shift_right_arithmetic3A : i32 to vector<16xi32>
        %shift_right_arithmetic3A_965 = arith.shrsi %bitcast3A, %shift_right_arithmetic3A_964 : vector<16xi32>
        %sub3A = arith.constant 1597463007 : i32
        %sub3A_966 = vector.broadcast %sub3A : i32 to vector<16xi32>
        %sub3A_967 = arith.subi %sub3A_966, %shift_right_arithmetic3A_965 : vector<16xi32>
        %bitcast3A_968 = vector.bitcast %sub3A_967 : vector<16xi32> to vector<16xf32>
        %mul3A_969 = arith.constant 5.000000e-01 : f32
        %mul3A_970 = vector.broadcast %mul3A_969 : f32 to vector<16xf32>
        %mul3A_971 = arith.mulf %mul3A_970, %max3A_963 : vector<16xf32>
        %mul3A_972 = arith.mulf %mul3A_971, %bitcast3A_968 : vector<16xf32>
        %mul3A_973 = arith.mulf %mul3A_972, %bitcast3A_968 : vector<16xf32>
        %sub3A_974 = arith.constant 1.500000e+00 : f32
        %sub3A_975 = vector.broadcast %sub3A_974 : f32 to vector<16xf32>
        %sub3A_976 = arith.subf %sub3A_975, %mul3A_973 : vector<16xf32>
        %mul3A_977 = arith.mulf %bitcast3A_968, %sub3A_976 : vector<16xf32>
        %mul3A_978 = arith.constant 5.000000e-01 : f32
        %mul3A_979 = vector.broadcast %mul3A_978 : f32 to vector<16xf32>
        %mul3A_980 = arith.mulf %mul3A_979, %max3A_963 : vector<16xf32>
        %mul3A_981 = arith.mulf %mul3A_980, %mul3A_977 : vector<16xf32>
        %mul3A_982 = arith.mulf %mul3A_981, %mul3A_977 : vector<16xf32>
        %sub3A_983 = arith.constant 1.500000e+00 : f32
        %sub3A_984 = vector.broadcast %sub3A_983 : f32 to vector<16xf32>
        %sub3A_985 = arith.subf %sub3A_984, %mul3A_982 : vector<16xf32>
        %mul3A_986 = arith.mulf %mul3A_977, %sub3A_985 : vector<16xf32>
        %mul3A_987 = arith.constant 5.000000e-01 : f32
        %mul3A_988 = vector.broadcast %mul3A_987 : f32 to vector<16xf32>
        %mul3A_989 = arith.mulf %mul3A_988, %max3A_963 : vector<16xf32>
        %mul3A_990 = arith.mulf %mul3A_989, %mul3A_986 : vector<16xf32>
        %mul3A_991 = arith.mulf %mul3A_990, %mul3A_986 : vector<16xf32>
        %sub3A_992 = arith.constant 1.500000e+00 : f32
        %sub3A_993 = vector.broadcast %sub3A_992 : f32 to vector<16xf32>
        %sub3A_994 = arith.subf %sub3A_993, %mul3A_991 : vector<16xf32>
        %mul3A_995 = arith.mulf %mul3A_986, %sub3A_994 : vector<16xf32>
        %max3A_996 = arith.constant 1.000000e-24 : f32
        %max3A_997 = vector.broadcast %max3A_996 : f32 to vector<16xf32>
        %max3A_998 = arith.maximumf %add3A_939, %max3A_997 : vector<16xf32>
        %bitcast3A_999 = vector.bitcast %max3A_998 : vector<16xf32> to vector<16xi32>
        %shift_right_arithmetic3A_1000 = arith.constant 1 : i32
        %shift_right_arithmetic3A_1001 = vector.broadcast %shift_right_arithmetic3A_1000 : i32 to vector<16xi32>
        %shift_right_arithmetic3A_1002 = arith.shrsi %bitcast3A_999, %shift_right_arithmetic3A_1001 : vector<16xi32>
        %sub3A_1003 = arith.constant 1597463007 : i32
        %sub3A_1004 = vector.broadcast %sub3A_1003 : i32 to vector<16xi32>
        %sub3A_1005 = arith.subi %sub3A_1004, %shift_right_arithmetic3A_1002 : vector<16xi32>
        %bitcast3A_1006 = vector.bitcast %sub3A_1005 : vector<16xi32> to vector<16xf32>
        %mul3A_1007 = arith.constant 5.000000e-01 : f32
        %mul3A_1008 = vector.broadcast %mul3A_1007 : f32 to vector<16xf32>
        %mul3A_1009 = arith.mulf %mul3A_1008, %max3A_998 : vector<16xf32>
        %mul3A_1010 = arith.mulf %mul3A_1009, %bitcast3A_1006 : vector<16xf32>
        %mul3A_1011 = arith.mulf %mul3A_1010, %bitcast3A_1006 : vector<16xf32>
        %sub3A_1012 = arith.constant 1.500000e+00 : f32
        %sub3A_1013 = vector.broadcast %sub3A_1012 : f32 to vector<16xf32>
        %sub3A_1014 = arith.subf %sub3A_1013, %mul3A_1011 : vector<16xf32>
        %mul3A_1015 = arith.mulf %bitcast3A_1006, %sub3A_1014 : vector<16xf32>
        %mul3A_1016 = arith.constant 5.000000e-01 : f32
        %mul3A_1017 = vector.broadcast %mul3A_1016 : f32 to vector<16xf32>
        %mul3A_1018 = arith.mulf %mul3A_1017, %max3A_998 : vector<16xf32>
        %mul3A_1019 = arith.mulf %mul3A_1018, %mul3A_1015 : vector<16xf32>
        %mul3A_1020 = arith.mulf %mul3A_1019, %mul3A_1015 : vector<16xf32>
        %sub3A_1021 = arith.constant 1.500000e+00 : f32
        %sub3A_1022 = vector.broadcast %sub3A_1021 : f32 to vector<16xf32>
        %sub3A_1023 = arith.subf %sub3A_1022, %mul3A_1020 : vector<16xf32>
        %mul3A_1024 = arith.mulf %mul3A_1015, %sub3A_1023 : vector<16xf32>
        %mul3A_1025 = arith.constant 5.000000e-01 : f32
        %mul3A_1026 = vector.broadcast %mul3A_1025 : f32 to vector<16xf32>
        %mul3A_1027 = arith.mulf %mul3A_1026, %max3A_998 : vector<16xf32>
        %mul3A_1028 = arith.mulf %mul3A_1027, %mul3A_1024 : vector<16xf32>
        %mul3A_1029 = arith.mulf %mul3A_1028, %mul3A_1024 : vector<16xf32>
        %sub3A_1030 = arith.constant 1.500000e+00 : f32
        %sub3A_1031 = vector.broadcast %sub3A_1030 : f32 to vector<16xf32>
        %sub3A_1032 = arith.subf %sub3A_1031, %mul3A_1029 : vector<16xf32>
        %mul3A_1033 = arith.mulf %mul3A_1024, %sub3A_1032 : vector<16xf32>
        %mul3A_1034 = arith.mulf %gather3A_954, %select_n3A : vector<16xf32>
        %mul3A_1035 = arith.mulf %mul3A_1034, %add3A_935 : vector<16xf32>
        %mul3A_1036 = arith.mulf %mul3A_1035, %mul3A_995 : vector<16xf32>
        %mul3A_1037 = arith.mulf %mul3A_1036, %mul3A_1033 : vector<16xf32>
        %add3A_1038 = arith.addf %scan3A_40, %mul3A_1037 : vector<16xf32>
        %add3A_1039 = arith.addf %scan3A_41, %select_n3A : vector<16xf32>
        scf.yield %add3A_1038, %add3A_1039 : vector<16xf32>, vector<16xf32>
      }
      %scan3A_38 = arith.constant 8 : i32
      scf.yield %scan3A_37#0, %scan3A_37#1 : vector<16xf32>, vector<16xf32>
    }
    %scan3A_8 = arith.constant 12 : i32
    %swap3A = arith.constant 0 : index
    %swap3A_9 = tpu.vector_load %arg13[%swap3A] {strides = array<i32>} : memref<16xf32, #tpu.memory_space<vmem>>, vector<16xf32>,
    tpu.vector_store %arg13[%swap3A], %scan3A_7#0 {strides = array<i32>} : memref<16xf32, #tpu.memory_space<vmem>>, vector<16xf32>,
    %swap3A_10 = arith.constant 0 : index
    %swap3A_11 = tpu.vector_load %arg14[%swap3A_10] {strides = array<i32>} : memref<16xf32, #tpu.memory_space<vmem>>, vector<16xf32>,
    tpu.vector_store %arg14[%swap3A_10], %scan3A_7#1 {strides = array<i32>} : memref<16xf32, #tpu.memory_space<vmem>>, vector<16xf32>,
    "tpu.region"() ({
      %run_scoped3A = tpu.sem_alloc : memref<!tpu.dma_semaphore, #tpu.memory_space<semaphore_mem>>
      %dma_start3A = arith.constant 0 : i32
      %dma_start3A_12 = tpu.memref_slice %arg6[%add3A, %dma_start3A] : memref<32x16xf32, #tpu.memory_space<hbm>> -> memref<1x16xf32, #tpu.memory_space<hbm>>
      %dma_start3A_13 = tpu.memref_squeeze %dma_start3A_12 : memref<1x16xf32, #tpu.memory_space<hbm>> -> memref<16xf32, #tpu.memory_space<hbm>>
      %dma_start3A_14 = arith.constant 0 : i32
      %dma_start3A_15 = tpu.memref_slice %arg6[%add3A, %dma_start3A_14] : memref<32x16xf32, #tpu.memory_space<hbm>> -> memref<1x16xf32, #tpu.memory_space<hbm>>
      %dma_start3A_16 = tpu.memref_squeeze %dma_start3A_15 : memref<1x16xf32, #tpu.memory_space<hbm>> -> memref<16xf32, #tpu.memory_space<hbm>>
      tpu.enqueue_dma source(%arg13 : memref<16xf32, #tpu.memory_space<vmem>>) target(%dma_start3A_16 : memref<16xf32, #tpu.memory_space<hbm>>) target_semaphore(%run_scoped3A : memref<!tpu.dma_semaphore, #tpu.memory_space<semaphore_mem>>)
      %dma_wait3A = arith.constant 0 : i32
      %dma_wait3A_17 = tpu.memref_slice %arg6[%add3A, %dma_wait3A] : memref<32x16xf32, #tpu.memory_space<hbm>> -> memref<1x16xf32, #tpu.memory_space<hbm>>
      %dma_wait3A_18 = tpu.memref_squeeze %dma_wait3A_17 : memref<1x16xf32, #tpu.memory_space<hbm>> -> memref<16xf32, #tpu.memory_space<hbm>>
      %dma_wait3A_19 = arith.constant 0 : i32
      %dma_wait3A_20 = tpu.memref_slice %arg6[%add3A, %dma_wait3A_19] : memref<32x16xf32, #tpu.memory_space<hbm>> -> memref<1x16xf32, #tpu.memory_space<hbm>>
      %dma_wait3A_21 = tpu.memref_squeeze %dma_wait3A_20 : memref<1x16xf32, #tpu.memory_space<hbm>> -> memref<16xf32, #tpu.memory_space<hbm>>
      tpu.wait_dma2 semaphore(%run_scoped3A : memref<!tpu.dma_semaphore, #tpu.memory_space<semaphore_mem>>) src(%arg13 : memref<16xf32, #tpu.memory_space<vmem>>) dst(%dma_wait3A_21 : memref<16xf32, #tpu.memory_space<hbm>>)
      tpu.yield
    }) : () -> ()
    "tpu.region"() ({
      %run_scoped3A = tpu.sem_alloc : memref<!tpu.dma_semaphore, #tpu.memory_space<semaphore_mem>>
      %dma_start3A = arith.constant 0 : i32
      %dma_start3A_12 = tpu.memref_slice %arg7[%add3A, %dma_start3A] : memref<32x16xf32, #tpu.memory_space<hbm>> -> memref<1x16xf32, #tpu.memory_space<hbm>>
      %dma_start3A_13 = tpu.memref_squeeze %dma_start3A_12 : memref<1x16xf32, #tpu.memory_space<hbm>> -> memref<16xf32, #tpu.memory_space<hbm>>
      %dma_start3A_14 = arith.constant 0 : i32
      %dma_start3A_15 = tpu.memref_slice %arg7[%add3A, %dma_start3A_14] : memref<32x16xf32, #tpu.memory_space<hbm>> -> memref<1x16xf32, #tpu.memory_space<hbm>>
      %dma_start3A_16 = tpu.memref_squeeze %dma_start3A_15 : memref<1x16xf32, #tpu.memory_space<hbm>> -> memref<16xf32, #tpu.memory_space<hbm>>
      tpu.enqueue_dma source(%arg14 : memref<16xf32, #tpu.memory_space<vmem>>) target(%dma_start3A_16 : memref<16xf32, #tpu.memory_space<hbm>>) target_semaphore(%run_scoped3A : memref<!tpu.dma_semaphore, #tpu.memory_space<semaphore_mem>>)
      %dma_wait3A = arith.constant 0 : i32
      %dma_wait3A_17 = tpu.memref_slice %arg7[%add3A, %dma_wait3A] : memref<32x16xf32, #tpu.memory_space<hbm>> -> memref<1x16xf32, #tpu.memory_space<hbm>>
      %dma_wait3A_18 = tpu.memref_squeeze %dma_wait3A_17 : memref<1x16xf32, #tpu.memory_space<hbm>> -> memref<16xf32, #tpu.memory_space<hbm>>
      %dma_wait3A_19 = arith.constant 0 : i32
      %dma_wait3A_20 = tpu.memref_slice %arg7[%add3A, %dma_wait3A_19] : memref<32x16xf32, #tpu.memory_space<hbm>> -> memref<1x16xf32, #tpu.memory_space<hbm>>
      %dma_wait3A_21 = tpu.memref_squeeze %dma_wait3A_20 : memref<1x16xf32, #tpu.memory_space<hbm>> -> memref<16xf32, #tpu.memory_space<hbm>>
      tpu.wait_dma2 semaphore(%run_scoped3A : memref<!tpu.dma_semaphore, #tpu.memory_space<semaphore_mem>>) src(%arg14 : memref<16xf32, #tpu.memory_space<vmem>>) dst(%dma_wait3A_21 : memref<16xf32, #tpu.memory_space<hbm>>)
      tpu.yield
    }) : () -> ()
    return
  }
}

</mosaic_0001>

<sc_bundles>
// kernel: kernel.3.cloned.1.call-start
scs
__scs_entry_jumppad:
0x0: {  	(pc) =	sbr.rel $0x88, $3  }
0x1: {  	(tag) =	ssettag $0x0;
	lr =	simm.s32 $0x1  }
0x2: {  	[smem:$0x3F9D] =	sst lr;
	_ =	strace $0xD0000000  }
0x3: {  	_ = 	snop  }
0x4: {  	_ = 	snop  }
0x5: {  	_ = 	snop  }
0x6: {  	_ = 	snop  }
0x7: {  	_ = 	snop  }
__scs_overlays_trampoline_lowered:
0x8: {  	[smem:$0x3FAC] =	sst s0  }
0x9: {  	[smem:$0x3FAD] =	sst s1  }
0xa: {  	[smem:$0x3FAE] =	sst s2  }
0xb: {  	[smem:$0x3FAF] =	sst s3  }
0xc: {  	[smem:$0x3FB0] =	sst s4  }
0xd: {  	[smem:$0x3FB1] =	sst s5  }
0xe: {  	[smem:$0x3FB2] =	sst s6  }
0xf: {  	[smem:$0x3FB3] =	sst s7  }
0x10: {  	[smem:$0x3FB4] =	sst s8  }
0x11: {  	[smem:$0x3FB5] =	sst s9;
	s0 =	simm.s32 @!p0 $0x0  }
0x12: {  	s1 =	sld [smem:$0x3F9B];
	s0 =	simm.s32 @p0 $0x1  }
0x13: {  	[smem:$0x3FB6] =	sst s0;
	s0 =	simm.s32 @!p1 $0x0  }
0x14: {  	s2 =	sld [smem:$0x3F9A];
	s0 =	simm.s32 @p1 $0x1  }
0x15: {  	[smem:$0x3FB7] =	sst s0;
	s0 =	simm.s32 @!p2 $0x0  }
0x16: {  	s3 =	sld [smem:$0x3FDB];
	s0 =	simm.s32 @p2 $0x1  }
0x17: {  	s4 =	simm.s32 $0x1BF5;
	[smem:$0x3FB9] =	sst s0  }
0x18: {  	s0 =	sld [smem:$0x3F9C];
	_ =	swait.ge [sflag:s4], $0x0  }
0x19: {  	s7 =	sld [smem:$0x3F9D]  }
0x1a: {  	s8 =	sadd.s32 $0xFFFFE003, lr  }
0x1b: {  	s9 =	sadd.s32 $0xFFFFFEF7, lr;
	s5 =	simm.s32 $0xFFFFFFFF;
	p2 =	slt.u32 s8, $0xFFFFF086  }
0x1c: {  	p1 =	slt.u32 s9, $0xF7A;
	s5 =	simm.s32 @!p2 $0x0  }
0x1d: {  	s5 =	simm.s32 @p1 $0x1;
	p0 =	seq.s32 s7, s2  }
0x1e: {  	s7 =	smul.u32 @!p0 $0xF7A, s2;
	p2 =	seq.s32 @!p0 s5, $0x0  }
0x1f: {  	s9 =	smul.u32 $0xF7A, s1;
	s8 =	simm.s32 @!p0 $0x1BF5;
	p2 =	por !p2, p0  }
0x20: {  	[sflag:s8] =	ssyncset.s32 @!p0 $0xFFFFF086;
	s6 =	sadd.s32 @!p0 s3, s7;
	s7 =	simm.s32 @!p0 $0x108  }
0x21: {  	s3 =	sadd.s32 s3, s9;
	s6 =	sadd.s32 @!p0 $0x88, s6;
	s7 =	simm.s32 @p2 $0x1082  }
0x22: {  	[simem:s7], [sflag:s8] =	dma.local @!p0 [hbm:s6], $0xF7A  }
0x23: {  	s9 =	sor.u32 $0xD0000000, s2;
	s6 =	simm.s32 $0x108;
	_ =	swait.ge @!p0 [sflag:s8], $0x0  }
0x24: {  	s3 =	sadd.s32 $0x88, s3;
	s6 =	simm.s32 @!p1 $0x1082;
	[sflag:s4] =	ssyncset.s32 $0xFFFFF086  }
0x25: {  	[simem:s6], [sflag:s4] =	dma.local [hbm:s3], $0xF7A  }
0x26: {  	[smem:$0x3F9D] =	sst s1;
	(tag) =	ssettag s2;
	_ =	strace s9  }
0x27: {  	s1 =	sld [smem:$0x3FAD]  }
0x28: {  	s2 =	sld [smem:$0x3FAE]  }
0x29: {  	s4 =	sld [smem:$0x3FB0]  }
0x2a: {  	p0 =	seq.s32 s5, $0x0;
	s5 =	sld [smem:$0x3FB1]  }
0x2b: {  	s6 =	sld [smem:$0x3FB2]  }
0x2c: {  	s7 =	sld [smem:$0x3FB3]  }
0x2d: {  	s3 =	simm.s32 $0x108;
	s8 =	sld [smem:$0x3FB4]  }
0x2e: {  	s3 =	simm.s32 @!p0 $0x1082;
	s9 =	sld [smem:$0x3FB5]  }
0x2f: {  	lr =	sadd.s32 s0, s3;
	s0 =	sld [smem:$0x3FAC]  }
0x30: {  	s3 =	sld [smem:$0x3FAF]  }
0x31: {  	[smem:$0x3FB8] =	sst s10  }
0x32: {  	s10 =	sld [smem:$0x3FB6];
	_ =	sdelay $0x3  }
0x33: {  	p0 =	seq.s32 s10, $0x1;
	s10 =	sld [smem:$0x3FB8];
	_ =	sdelay $0x3  }
0x34: {  	[smem:$0x3FB8] =	sst s10  }
0x35: {  	s10 =	sld [smem:$0x3FB7];
	_ =	sdelay $0x3  }
0x36: {  	p1 =	seq.s32 s10, $0x1;
	s10 =	sld [smem:$0x3FB8];
	_ =	sdelay $0x3  }
0x37: {  	[smem:$0x3FB8] =	sst s10  }
0x38: {  	s10 =	sld [smem:$0x3FB9]  }
0x39: {  	_ = 	snop;
	(pc) =	sbr.ind lr, $3  }
0x3a: {  	_ = 	snop  }
0x3b: {  	_ = 	snop  }
0x3c: {  	p2 =	seq.s32 s10, $0x1;
	s10 =	sld [smem:$0x3FB8]  }
0x3d: {  	_ =	shalt  }
0x3e: {  	_ =	shalt  }
0x3f: {  	_ =	shalt  }
0x40: {  	_ =	shalt  }
0x41: {  	_ =	shalt  }
0x42: {  	_ =	shalt  }
0x43: {  	_ =	shalt  }
0x44: {  	_ =	shalt  }
0x45: {  	_ =	shalt  }
0x46: {  	_ =	shalt  }
0x47: {  	_ =	shalt  }
0x48: {  	_ =	shalt  }
0x49: {  	_ =	shalt  }
0x4a: {  	_ =	shalt  }
0x4b: {  	_ =	shalt  }
0x4c: {  	_ =	shalt  }
0x4d: {  	_ =	shalt  }
0x4e: {  	_ =	shalt  }
0x4f: {  	_ =	shalt  }
0x50: {  	_ =	shalt  }
0x51: {  	_ =	shalt  }
0x52: {  	_ =	shalt  }
0x53: {  	_ =	shalt  }
0x54: {  	_ =	shalt  }
0x55: {  	_ =	shalt  }
0x56: {  	_ =	shalt  }
0x57: {  	_ =	shalt  }
0x58: {  	_ =	shalt  }
0x59: {  	_ =	shalt  }
0x5a: {  	_ =	shalt  }
0x5b: {  	_ =	shalt  }
0x5c: {  	_ =	shalt  }
0x5d: {  	_ =	shalt  }
0x5e: {  	_ =	shalt  }
0x5f: {  	_ =	shalt  }
0x60: {  	_ =	shalt  }
0x61: {  	_ =	shalt  }
0x62: {  	_ =	shalt  }
0x63: {  	_ =	shalt  }
0x64: {  	_ =	shalt  }
0x65: {  	_ =	shalt  }
0x66: {  	_ =	shalt  }
0x67: {  	_ =	shalt  }
0x68: {  	_ =	shalt  }
0x69: {  	_ =	shalt  }
0x6a: {  	_ =	shalt  }
0x6b: {  	_ =	shalt  }
0x6c: {  	_ =	shalt  }
0x6d: {  	_ =	shalt  }
0x6e: {  	_ =	shalt  }
0x6f: {  	_ =	shalt  }
0x70: {  	_ =	shalt  }
0x71: {  	_ =	shalt  }
0x72: {  	_ =	shalt  }
0x73: {  	_ =	shalt  }
0x74: {  	_ =	shalt  }
0x75: {  	_ =	shalt  }
0x76: {  	_ =	shalt  }
0x77: {  	_ =	shalt  }
0x78: {  	_ =	shalt  }
0x79: {  	_ =	shalt  }
0x7a: {  	_ =	shalt  }
0x7b: {  	_ =	shalt  }
0x7c: {  	_ =	shalt  }
0x7d: {  	_ =	shalt  }
0x7e: {  	_ =	shalt  }
0x7f: {  	_ =	shalt  }
0x80: {  	_ =	shalt  }
0x81: {  	_ =	shalt  }
0x82: {  	_ =	shalt  }
0x83: {  	_ =	shalt  }
0x84: {  	_ =	shalt  }
0x85: {  	_ =	shalt  }
0x86: {  	_ =	shalt  }
0x87: {  	_ =	shalt  }
.Lfunc_end0:
.L_simem_size_0:
called_computation_lowered:
.L_overlay_start_0:
0x88: {  	s2 =	sld [smem:$0x3FD9]  }
0x89: {  	s3 =	sld [smem:$0x3FFE];
	_ =	sdelay $0x1  }
0x8a: {  	s1 =	srdreg.scid  }
0x8b: {  	s0 =	sand.u32 $0x1, s1  }
0x8c: {  	s16 =	sshll.u32 s0, $0xA;
	s2 =	sadd.s32 s3, s2  }
0x8d: {  	s2 =	sadd.s32 s2, s16  }
0x8e: {  	[smem:$0x3FC4] =	sst s2  }
0x8f: {  	_ = 	snop  }
0x90: {  	(tm) =	ssettm $0x1  }
0x91: {  	s17 =	sld [smem:$0x3FFB];
	_ =	sdelay $0x3  }
0x92: {  	_ =	strace s17  }
0x93: {  	s2 =	sld [smem:$0x3FFC];
	_ =	sdelay $0x3  }
0x94: {  	_ =	strace s2  }
0x95: {  	s2 =	sld [smem:$0x3FFD];
	_ =	sdelay $0x3  }
0x96: {  	_ =	strace s2  }
0x97: {  	_ =	strace $0x8FFFFFFF  }
0x98: {  	s18 =	sld [smem:$0x3FDB];
	_ =	sdelay $0x1  }
0x99: {  	s19 =	simm.s32 $_scs_section_size  }
0x9a: {  	s4 =	simm.s32 $_size__tile_overlayer_lowered;
	s5 =	simm.s32 $_tile_overlayer_lowered  }
0x9b: {  	s22 =	simm.s32 $0x1BFF;
	s21 =	sshll.u32 s5, $0x1;
	s2 =	sadd.s32 s19, s18  }
0x9c: {  	s6 =	simm.s32 $0x0;
	s20 =	sshll.u32 s4, $0x1;
	s4 =	sadd.s32 s21, s2  }
0x9d: {  	[timem:s6], [sflag:s22] =	dma.local [hbm:s4], s20  }
0x9e: {  	_ =	swait.ge [sflag:s22], s20  }
0x9f: {  	s3 =	ssub.s32 $0x0, s20;
	[sflag:s22] =	ssyncset.done $0x0  }
0xa0: {  	[sflag:s22] =	ssyncadd.s32 s3;
	_ =	sdelay $0x1  }
0xa1: {  	s23 =	simm.s32 $0x1B8B  }
0xa2: {  	_ =	swait.ge [sflag:s23], $0x1  }
0xa3: {  	[sflag:s23] =	ssyncset.done $0x0  }
0xa4: {  	s25 =	simm.s32 $0x1B8E;
	s24 =	sld [smem:$0x3FFE];
	[sflag:s23] =	ssyncadd.s32 $0xFFFFFFFF  }
0xa5: {  	s26 =	simm.s32 $execute0_lowered;
	[smem:$0x3FD2] =	sst s25  }
0xa6: {  	s4 =	sshll.u32 s26, $0x1;
	_ =	strace $0x80000046;
	[dreg:$0x1] =	wrdreg $0xFFFFFFFF  }
0xa7: {  	s28 =	simm.s32 $_size_execute0_lowered;
	s2 =	sadd.s32 s2, s4;
	[dreg:$0x0] =	wrdreg $0x0  }
0xa8: {  	s4 =	sshll.u32 s28, $0x1;
	[dreg:$0x2] =	wrdreg s2  }
0xa9: {  	[dreg:$0x3] =	wrdreg s4  }
0xaa: {  	[dreg:$0x4] =	wrdreg $0xC0  }
0xab: {  	_ =	task [dreg:s6], $0x5FFFF  }
0xac: {  	[dreg:$0x1] =	wrdreg $0xFFFFFFFF  }
0xad: {  	[dreg:$0x0] =	wrdreg $0x60  }
0xae: {  	[dreg:$0x2] =	wrdreg s24  }
0xaf: {  	[dreg:$0x3] =	wrdreg $0x9  }
0xb0: {  	_ =	task.clear_ibuf [dreg:s6], $0x4FFFF;
	_ =	strace $0x90000046  }
0xb1: {  	s29 =	simm.s32 $0x9;
	_ =	strace $0x80000048  }
0xb2: {  	_ =	swait.ge [sflag:s29], $0x1  }
0xb3: {  	[sflag:s29] =	ssyncadd.s32 $0xFFFFFFFF  }
0xb4: {  	_ =	strace $0x90000048  }
0xb5: {  	_ =	sfence  }
0xb6: {  	s30 =	sld [smem:$0x0];
	_ =	sdelay $0x2  }
0xb7: {  	s31 =	sshll.u32 s1, $0xD;
	s1 =	sshrl.u32 s1, $0x2  }
0xb8: {  	s3 =	sand.u32 $0x4000, s31;
	s1 =	sadd.s32 s1, s30  }
0xb9: {  	s0 =	sor.u32 s3, s0;
	s1 =	sshll.u32 s1, $0x11  }
0xba: {  	s0 =	sor.u32 s1, s0  }
0xbb: {  	s0 =	sadd.s32 $0x8F2B, s0  }
0xbc: {  	[sflag:s0] =	ssyncadd.remote.s32 $0x1  }
0xbd: {  	_ =	sfence.sel $0xFFFF  }
0xbe: {  	[dreg:$0x0] =	wrdreg $0xFFFFFFFF;
	(pc) =	sbr.abs _section_cstart, $3  }
0xbf: {  	[dreg:$0x1] =	wrdreg $0xFFFFFFFF  }
0xc0: {  	_ =	task.clear_ibuf [dreg:s6], $0x2FFFF;
	_ =	strace $0x9FFFFFFF  }
0xc1: {  	(tm) =	ssettm $0x7FFFFFFF  }
tec
execute0_lowered:
.L_overlay_start_1:
0x0: {  	(tag) =	ssettag $0x1  }
0x1: {  	v39 =	vlaneseq.u32  }
0x2: {  	v28 =	vimm.s32 $0x34333231;
	v0 =	vand.u32 $0x7, v39  }
0x3: {  	v1 =	vimm.s32 $0x38373635;
	vm0 =	vcmask $0x1F10;
	v17 =	vadd.s32 $0x19, v39;
	[tilespmem:$0x1FBC0] =	vst v0  }
0x4: {  	v29 =	vimm.s32 $0x3C3B3A39;
	v2 =	vimm.s32 $0x3F3E3D;
	v18 =	vadd.s32 $0x1A, v39;
	[tilespmem:$0x1FBD0] =	vst v17  }
0x5: {  	v3 =	vimm.s32 $0x35343332;
	v31 =	vimm.s32 $0x39383736;
	v19 =	vadd.s32 $0x1B, v39;
	[tilespmem:$0x1FBE0] =	vst v18  }
0x6: {  	v4 =	vimm.s32 $0x3D3C3B3A;
	v5 =	vimm.s32 $0x1003F3E;
	v20 =	vadd.s32 $0x1C, v39;
	[tilespmem:$0x1FBF0] =	vst v19  }
0x7: {  	v38 =	vimm.s32 $0x36353433;
	v47 =	vimm.s32 $0x3A393837;
	v21 =	vadd.s32 $0x1D, v39;
	[tilespmem:$0x1FC00] =	vst v20  }
0x8: {  	v48 =	vimm.s32 $0x3020100;
	v16 =	vimm.s32 $0x3F3E3D3C;
	v22 =	vadd.s32 $0x1E, v39;
	[tilespmem:$0x1FC10] =	vst v21  }
0x9: {  	v10 =	vimm.s32 $0x3B3A3938;
	vm1 =	vcmask $0x2F10;
	v23 =	vadd.s32 $0x1F, v39;
	[tilespmem:$0x1FC20] =	vst v22  }
0xa: {  	vm2 =	vcmask $0x3F30;
	v24 =	vor.u32 $0x20, v39;
	v25 =	vadd.s32 $0x21, v39;
	[tilespmem:$0x1FC30] =	vst v23  }
0xb: {  	v26 =	vadd.s32 $0x22, v39;
	v27 =	vadd.s32 $0x23, v39;
	v6 =	vunpack.c.0.s8.s32 v1;
	[tilespmem:$0x1FC40] =	vst v24  }
0xc: {  	v7 =	vunpack.c.0.s8.s32 v29;
	v1 =	vunpack.c.0.s8.s32 v2;
	v30 =	vunpack.c.0.s8.s32 v3;
	[tilespmem:$0x1FC50] =	vst v25  }
0xd: {  	v8 =	vunpack.c.0.s8.s32 v31;
	v9 =	vunpack.c.0.s8.s32 v4;
	v3 =	vunpack.c.0.s8.s32 v5;
	[tilespmem:$0x1FC60] =	vst v26  }
0xe: {  	v32 =	vadd.s32 $0x24, v39;
	v33 =	vadd.s32 $0x25, v39;
	v11 =	vunpack.c.0.s8.s32 v47;
	[tilespmem:$0x1FC70] =	vst v27  }
0xf: {  	v51 =	vunpack.c.0.s8.s32 v48;
	v12 =	vunpack.c.0.s8.s32 v16;
	v29 =	vimm.s32 $0x98765432;
	[tilespmem:$0x1FC80] =	vst v32  }
0x10: {  	v31 =	vimm.s32 $0x32107654;
	v47 =	vimm.s32 $0x43218765;
	v0 =	vunpack.c.0.s8.s32 v28;
	[tilespmem:$0x1FC90] =	vst v33  }
0x11: {  	v17 =	vimm.s32 $0x37363534;
	v19 =	vunpack.c.0.s8.s32 v10;
	v27 =	vimm.s32 $0x87654321;
	[tilespmem:$0x1FCA0] =	vst v6  }
0x12: {  	v28 =	vimm.s32 $0x4030201;
	[tilespmem:$0x1FCB0] =	vst v7;
	v4 =	vsel vm0, v1, v7;
	v0 =	vsel vm0, v6, v0  }
0x13: {  	v33 =	vunpack.c.l.s4.s8 v31;
	v10 =	vimm.s32 $0xB0A0908;
	[tilespmem:$0x1FCC0] =	vst v8;
	v0 =	vcombine.low v0, v4  }
0x14: {  	v2 =	vsel vm0, v8, v30;
	[tilespmem:$0x1FCD0] =	vst v9;
	v5 =	vsel vm0, v3, v9;
	v18 =	vunpack.c.0.s8.s32 v17  }
0x15: {  	v23 =	vsel vm0, v51, v12;
	v6 =	vunpack.c.0.s8.s32 v38;
	[tilespmem:$0x1FCE0] =	vst v0;
	v0 =	vunpack.c.l.s4.s8 v27  }
0x16: {  	[tilespmem:$0x1FD00] =	vst v11;
	v30 =	vimm.s32 $0x5040302;
	v51 =	vunpack.c.l.s4.s8 v47;
	v20 =	vcombine.low v2, v5  }
0x17: {  	[tilespmem:$0x1FD80] =	vst v12;
	v21 =	vsel vm0, v11, v6;
	v6 =	vunpack.c.l.s4.s8 v29;
	v0 =	vunpack.c.0.s8.s32 v0  }
0x18: {  	[tilespmem:$0x1FD20] =	vst v19;
	v2 =	vunpack.c.0.s8.s32 v28;
	v7 =	vunpack.c.0.s8.s32 v30;
	v24 =	vsel vm0, v19, v18  }
0x19: {  	[tilespmem:$0x1FCF0] =	vst v20;
	v32 =	vunpack.c.0.s8.s32 v6;
	v6 =	vunpack.c.0.s8.s32 v33;
	v0 =	vand.u32 $0xF, v0  }
0x1a: {  	v2 =	vsel vm0, v2, v1;
	v7 =	vsel vm0, v7, v3;
	[tilespmem:$0x1FD10] =	vst v21;
	v0 =	vcombine.low v4, v0  }
0x1b: {  	[tilespmem:$0x1FD40] =	vst v2;
	v2 =	vand.u32 $0xF, v32;
	v8 =	vand.u32 $0xF, v6;
	v4 =	vunpack.c.0.s8.s32 v10  }
0x1c: {  	v48 =	vcombine.low v5, v2;
	v2 =	vsel vm1, v8, v12;
	[tilespmem:$0x1FD60] =	vst v0;
	v0 =	vunpack.c.0.s8.s32 v51  }
0x1d: {  	v26 =	vcombine.low v24, v23;
	[tilespmem:$0x1FD50] =	vst v7;
	v12 =	vimm.s32 $0xC0B0A09;
	v2 =	vsel vm2, v4, v2  }
0x1e: {  	[tilespmem:$0x1FD90] =	vst v2;
	v2 =	vunpack.c.0.s8.s32 v12;
	v0 =	vand.u32 $0xF, v0  }
0x1f: {  	v22 =	vimm.s32 $0x201003F;
	v38 =	vimm.s32 $0x6050403;
	[tilespmem:$0x1FD30] =	vst v26;
	v0 =	vsel vm1, v0, v1  }
0x20: {  	s4 =	rddreg [dreg:$0x0];
	s2 =	simm.s32 $0x0;
	v25 =	vunpack.c.0.s8.s32 v22;
	v22 =	vunpack.c.0.s8.s32 v38;
	[tilespmem:$0x1FD70] =	vst v48;
	v0 =	vsel vm2, v2, v0  }
0x21: {  	s1 =	srdreg.scid;
	[smem:$0x7FF] =	sst s2;
	[tilespmem:$0x1FDA0] =	vst v0  }
0x22: {  	s3 =	sand.u32 $0x1, s1;
	s1 =	rddreg [dreg:$0x1];
	v24 =	vsel vm0, v22, v25;
	_ =	strace $0x80000047;
	[tilespmem:$0x1FDE0] =	vst v25  }
0x23: {  	v27 =	vadd.s32 $0x26, v39;
	[tilespmem:$0x1FDF0] =	vst v24  }
0x24: {  	v28 =	vadd.s32 $0x27, v39;
	[tilespmem:$0x1FE20] =	vst v27  }
0x25: {  	v29 =	vadd.s32 $0x28, v39;
	[tilespmem:$0x1FE30] =	vst v28  }
0x26: {  	v30 =	vadd.s32 $0x29, v39;
	[tilespmem:$0x1FE40] =	vst v29  }
0x27: {  	v31 =	vadd.s32 $0x2A, v39;
	[tilespmem:$0x1FE50] =	vst v30  }
0x28: {  	v32 =	vadd.s32 $0x2B, v39;
	[tilespmem:$0x1FE60] =	vst v31  }
0x29: {  	v33 =	vadd.s32 $0x2C, v39;
	[tilespmem:$0x1FE70] =	vst v32  }
0x2a: {  	v38 =	vadd.s32 $0x2D, v39;
	[tilespmem:$0x1FE80] =	vst v33  }
0x2b: {  	v47 =	vadd.s32 $0x2E, v39;
	[tilespmem:$0x1FE90] =	vst v38  }
0x2c: {  	v48 =	vadd.s32 $0x2F, v39;
	[tilespmem:$0x1FEA0] =	vst v47  }
0x2d: {  	v51 =	vor.u32 $0x30, v39;
	[tilespmem:$0x1FEB0] =	vst v48  }
0x2e: {  	v41 =	vadd.s32 $0x1, v39;
	[tilespmem:$0x1FEC0] =	vst v51  }
0x2f: {  	v42 =	vadd.s32 $0x2, v39;
	[tilespmem:$0x1FED0] =	vst v41  }
0x30: {  	v43 =	vadd.s32 $0x3, v39;
	[tilespmem:$0x1FEE0] =	vst v42  }
0x31: {  	v45 =	vadd.s32 $0x4, v39;
	[tilespmem:$0x1FEF0] =	vst v43  }
0x32: {  	v46 =	vadd.s32 $0x5, v39;
	[tilespmem:$0x1FF00] =	vst v45  }
0x33: {  	v49 =	vadd.s32 $0x6, v39;
	[tilespmem:$0x1FF10] =	vst v46  }
0x34: {  	v50 =	vadd.s32 $0x7, v39;
	[tilespmem:$0x1FF20] =	vst v49  }
0x35: {  	v52 =	vadd.s32 $0x8, v39;
	[tilespmem:$0x1FF30] =	vst v50  }
0x36: {  	v34 =	vadd.s32 $0xC, v39;
	[tilespmem:$0x1FF40] =	vst v52  }
0x37: {  	v35 =	vadd.s32 $0xD, v39;
	[tilespmem:$0x1FF50] =	vst v34  }
0x38: {  	v14 =	vimm.s32 $0x6543A987;
	v36 =	vadd.s32 $0xE, v39;
	[tilespmem:$0x1FF60] =	vst v35  }
0x39: {  	v15 =	vimm.s32 $0xD0C0B0A;
	v37 =	vadd.s32 $0xF, v39;
	v11 =	vimm.s32 $0x54329876;
	[tilespmem:$0x1FF70] =	vst v36  }
0x3a: {  	v53 =	vor.u32 $0x10, v39;
	v54 =	vadd.s32 $0x11, v39;
	v5 =	vunpack.c.l.s4.s8 v11;
	[tilespmem:$0x1FF80] =	vst v37  }
0x3b: {  	v55 =	vadd.s32 $0x12, v39;
	v56 =	vadd.s32 $0x13, v39;
	v57 =	vadd.s32 $0x14, v39;
	[tilespmem:$0x1FF90] =	vst v53  }
0x3c: {  	v61 =	vadd.s32 $0x15, v39;
	v13 =	vunpack.c.0.s8.s32 v5;
	v5 =	vunpack.c.l.s4.s8 v14;
	[tilespmem:$0x1FFA0] =	vst v54  }
0x3d: {  	s0 =	stileid.u32;
	s10 =	simm.s32 $0x3;
	v44 =	vadd.s32 $0x18, v39;
	v17 =	vimm.s32 $0x76543210;
	v19 =	vimm.s32 $0xA9876543;
	[tilespmem:$0x1FFB0] =	vst v55  }
0x3e: {  	s11 =	simm.s32 $0xC80;
	s12 =	simm.s32 $0x1900;
	s13 =	simm.s32 $0x80;
	v16 =	vand.u32 $0xF, v13;
	v18 =	vunpack.c.0.s8.s32 v5;
	v1 =	vunpack.c.0.s8.s32 v15;
	[tilespmem:$0x1FFC0] =	vst v56  }
0x3f: {  	s14 =	simm.s32 $0x2580;
	s15 =	simm.s32 $0x4580;
	s16 =	simm.s32 $0x1;
	v20 =	vimm.s32 $0xE0D0C0B;
	v2 =	vunpack.c.l.s4.s8 v17;
	v0 =	vsel vm1, v16, v3;
	[tilespmem:$0x1FFD0] =	vst v57  }
0x40: {  	s17 =	simm.s32 $0x2;
	s18 =	simm.s32 $0x6580;
	s5 =	sshll.u32 s0, $0x1;
	v21 =	vunpack.c.l.s4.s8 v19;
	v3 =	vand.u32 $0xF, v18;
	v0 =	vsel vm2, v1, v0;
	[tilespmem:$0x1FFE0] =	vst v61  }
0x41: {  	s19 =	simm.s32 $0x6590;
	s20 =	simm.s32 $0x0;
	s5 =	sor.u32 s3, s5;
	v3 =	vsel vm1, v3, v25;
	v25 =	vunpack.c.0.s8.s32 v2;
	[tilespmem:$0x1FDB0] =	vst v0;
	v0 =	vunpack.c.0.s8.s32 v20  }
0x42: {  	s24 =	simm.s32 $0x0;
	s7 =	ssub.s32 $0x2, s3;
	s6 =	smul.u32 $0x190, s5;
	v1 =	vunpack.c.0.s8.s32 v21;
	[tilespmem:$0x1FFF0] =	vst v44  }
0x43: {  	s3 =	sadd.s32 $0x186E00, s4;
	s5 =	sshll.u32 s5, $0x1;
	s31 =	sshrl.u32 s7, $0x1;
	v23 =	vimm.s32 $0x3E3D3C3B;
	[tilespmem:$0x1FE00] =	vst v25;
	v0 =	vsel vm2, v0, v3  }
0x44: {  	s8 =	sadd.s32 s5, s4;
	s9 =	ssub.s32 s7, s31;
	s6 =	sadd.s32 s6, s4;
	v26 =	vand.u32 $0xF, v1;
	[tilespmem:$0x1FDC0] =	vst v0;
	v0 =	vunpack.c.0.s8.s32 v23  }
0x45: {  	v60 =	vadd.s32 $0x9, v39;
	v62 =	vadd.s32 $0xA, v39;
	v63 =	vadd.s32 $0xB, v39;
	s7 =	sadd.s32 $0x9C00, s8;
	s8 =	sadd.s32 $0x9A00, s8;
	s9 =	smax.u32 s9, $0x1;
	[tilespmem:$0x1FE10] =	vst v26  }
0x46: {  	v40 =	vimm.f32 $0.0e+00;
	v59 =	vadd.s32 $0x16, v39;
	v58 =	vadd.s32 $0x17, v39;
	s4 =	sadd.s32 $0x3600, s6;
	s5 =	sadd.s32 $0x400, s6;
	s6 =	sadd.s32 $0x6800, s6;
	[tilespmem:$0x1FDD0] =	vst v0  }
.LBB2_1:
0x47: {  	[tilespmem:s2], [sflag:$0x3] =	stream.linear.gather [hbm4b:s4+s2], $0xC80, $0x38;
	[tilespmem:$0x65A0] =	vst v63  }
0x48: {  	_ =	swait.ge [sflag:s10], $0xC80  }
0x49: {  	[sflag:s10] =	ssyncset.done $0x0  }
0x4a: {  	[sflag:s10] =	ssyncadd.s32 $0xFFFFF380  }
0x4b: {  	[tilespmem:s11], [sflag:$0x3] =	stream.linear.gather [hbm4b:s5+s2], $0xC80, $0x38;
	[tilespmem:$0x65A0] =	vst v63  }
0x4c: {  	_ =	swait.ge [sflag:s10], $0xC80  }
0x4d: {  	[sflag:s10] =	ssyncset.done $0x0  }
0x4e: {  	[sflag:s10] =	ssyncadd.s32 $0xFFFFF380  }
0x4f: {  	[tilespmem:s12], [sflag:$0x3] =	stream.linear.gather [hbm4b:s6+s2], $0xC80, $0x38;
	[tilespmem:$0x65A0] =	vst v63  }
0x50: {  	_ =	swait.ge [sflag:s10], $0xC80  }
0x51: {  	[sflag:s10] =	ssyncset.done $0x0  }
0x52: {  	v1 =	vimm.f32 $0.0e+00;
	v2 =	vimm.f32 $0.0e+00;
	s21 =	simm.s32 $0x0;
	[sflag:s10] =	ssyncadd.s32 $0xFFFFF380  }
.LBB2_2:
0x53: {  	[tilespmem:$0x1FA90] =	vst v2  }
0x54: {  	[tilespmem:$0x1FAA0] =	vst v1;
	s22 =	sshll.u32 s21, $0x7  }
0x55: {  	v0 =	vor.u32 s24, v39;
	[tilespmem:s14], [sflag:$0x1] =	stream.indirect.gather [hbm4b:s3+s13], $0x40, s22, s13, $0xb8;
	[tilespmem:$0x65A0] =	vst v63  }
0x56: {  	s23 =	sadd.s32 $0xC80, s22;
	[tilespmem:$0x1FB10] =	vst v0  }
0x57: {  	[tilespmem:s15], [sflag:$0x2] =	stream.indirect.gather [hbm4b:s3+s13], $0x40, s23, s13, $0xb8;
	[tilespmem:$0x65A0] =	vst v63  }
0x58: {  	_ =	swait.ge [sflag:s16], $0x2000  }
0x59: {  	[sflag:s16] =	ssyncset.done $0x0  }
0x5a: {  	[sflag:s16] =	ssyncadd.s32 $0xFFFFE000  }
0x5b: {  	_ =	swait.ge [sflag:s17], $0x2000  }
0x5c: {  	v19 =	vld [tilespmem:$0x1FD80]  }
0x5d: {  	v20 =	vld [tilespmem:$0x1FD20]  }
0x5e: {  	v23 =	vld [tilespmem:$0x1FCD0]  }
0x5f: {  	v47 =	vld [tilespmem:$0x1FD00]  }
0x60: {  	v4 =	vshll.u32 v0, $0x6;
	v29 =	vld [tilespmem:$0x1FDD0]  }
0x61: {  	v0 =	vor.u32 v39, v4;
	v48 =	vld [tilespmem:$0x1FDE0]  }
0x62: {  	v51 =	vld [tilespmem:$0x1FCA0]  }
0x63: {  	v1 =	vor.u32 v41, v4;
	v32 =	vld [tilespmem:$0x1FCB0]  }
0x64: {  	[sflag:s17] =	ssyncset.done $0x0;
	v5 =	vld [tilespmem:$0x1FE10]  }
0x65: {  	v2 =	vor.u32 v42, v4;
	v38 =	vld [tilespmem:$0x1FE00];
	[sflag:s17] =	ssyncadd.s32 $0xFFFFE000  }
0x66: {  	v3 =	vld.idx.msk [tilespmem:v0+s15+$0x0], $0xffff  }
0x67: {  	v6 =	vor.u32 v43, v4;
	v0 =	vld.idx.msk [tilespmem:v0+s14+$0x0], $0xffff  }
0x68: {  	v7 =	vld.idx.msk [tilespmem:v1+s14+$0x0], $0xffff  }
0x69: {  	v8 =	vor.u32 v45, v4;
	v1 =	vld.idx.msk [tilespmem:v1+s15+$0x0], $0xffff  }
0x6a: {  	v9 =	vld.idx.msk [tilespmem:v2+s14+$0x0], $0xffff  }
0x6b: {  	v17 =	vor.u32 v50, v4;
	v2 =	vld.idx.msk [tilespmem:v2+s15+$0x0], $0xffff  }
0x6c: {  	v11 =	vld.idx.msk [tilespmem:v6+s14+$0x0], $0xffff  }
0x6d: {  	v10 =	vor.u32 v46, v4;
	v6 =	vld.idx.msk [tilespmem:v6+s15+$0x0], $0xffff  }
0x6e: {  	v12 =	vor.u32 v49, v4;
	v15 =	vld.idx.msk [tilespmem:v8+s14+$0x0], $0xffff;
	v13 =	vmul.f32 v0, v0;
	v14 =	vmul.f32 v7, v7  }
0x6f: {  	v22 =	vor.u32 v52, v4;
	v57 =	vor.u32 v57, v4;
	v8 =	vld.idx.msk [tilespmem:v8+s15+$0x0], $0xffff;
	v0 =	vmul.f32 v3, v0  }
0x70: {  	v26 =	vld.idx.msk [tilespmem:v17+s14+$0x0], $0xffff;
	v16 =	vmul.f32 v3, v3;
	v13 =	vadd.f32 v14, v13;
	v14 =	vmul.f32 v1, v1  }
0x71: {  	v17 =	vld.idx.msk [tilespmem:v17+s15+$0x0], $0xffff;
	v0 =	vadd.f32 $0.0e+00, v0;
	v1 =	vmul.f32 v1, v7;
	v7 =	vor.u32 v54, v4  }
0x72: {  	v19 =	vsel vm0, v19, v20;
	v20 =	vld.idx.msk [tilespmem:v10+s14+$0x0], $0xffff;
	v18 =	vmul.f32 v9, v9;
	v21 =	vmul.f32 v2, v2  }
0x73: {  	v10 =	vld.idx.msk [tilespmem:v10+s15+$0x0], $0xffff;
	v24 =	vmul.f32 v6, v6;
	v2 =	vmul.f32 v2, v9;
	v0 =	vadd.f32 v1, v0  }
0x74: {  	v27 =	vmul.f32 v8, v8;
	v14 =	vadd.f32 v14, v16;
	v13 =	vadd.f32 v18, v13;
	v18 =	vld [tilespmem:$0x1FCC0]  }
0x75: {  	v0 =	vadd.f32 v2, v0;
	v2 =	vor.u32 v56, v4;
	v56 =	vmul.f32 v8, v15;
	v8 =	vld.idx.msk [tilespmem:v57+s15+$0x0], $0xffff  }
0x76: {  	v6 =	vmul.f32 v6, v11;
	v16 =	vmul.f32 v11, v11;
	v14 =	vadd.f32 v21, v14;
	v11 =	vld.idx.msk [tilespmem:v7+s14+$0x0], $0xffff  }
0x77: {  	v61 =	vor.u32 v61, v4;
	v7 =	vld.idx.msk [tilespmem:v7+s15+$0x0], $0xffff  }
0x78: {  	v21 =	vsel vm0, v29, v47;
	v14 =	vadd.f32 v24, v14;
	v24 =	vsel vm0, v48, v29;
	v29 =	vld.idx.msk [tilespmem:v22+s14+$0x0], $0xffff  }
0x79: {  	v18 =	vsel vm0, v23, v18;
	v23 =	vld.idx.msk [tilespmem:v12+s14+$0x0], $0xffff  }
0x7a: {  	v25 =	vor.u32 v60, v4;
	v12 =	vld.idx.msk [tilespmem:v12+s15+$0x0], $0xffff  }
0x7b: {  	v13 =	vadd.f32 v16, v13;
	v16 =	vmul.f32 v15, v15;
	v22 =	vld.idx.msk [tilespmem:v22+s15+$0x0], $0xffff  }
0x7c: {  	v28 =	vor.u32 v62, v4;
	v30 =	vmul.f32 v10, v10;
	v10 =	vmul.f32 v10, v20;
	v48 =	vld [tilespmem:$0x1FDF0]  }
0x7d: {  	v13 =	vadd.f32 v16, v13;
	v16 =	vmul.f32 v20, v20;
	v20 =	vld.idx.msk [tilespmem:v61+s14+$0x0], $0xffff;
	v14 =	vadd.f32 v27, v14  }
0x7e: {  	v31 =	vor.u32 v63, v4;
	v0 =	vadd.f32 v6, v0;
	v6 =	vld.idx.msk [tilespmem:v61+s15+$0x0], $0xffff;
	v5 =	vcombine.low v24, v5  }
0x7f: {  	v27 =	vsel vm0, v32, v51;
	v32 =	vld.idx.msk [tilespmem:v25+s14+$0x0], $0xffff;
	v14 =	vadd.f32 v30, v14;
	v33 =	vmul.f32 v12, v12  }
0x80: {  	v25 =	vld.idx.msk [tilespmem:v25+s15+$0x0], $0xffff  }
0x81: {  	v47 =	vmul.f32 v17, v17;
	[tilespmem:$0x1FB00] =	vst v5;
	v5 =	vcombine.low v21, v48;
	v48 =	vld [tilespmem:$0x1FD50];
	v14 =	vadd.f32 v33, v14  }
0x82: {  	v38 =	vcombine.low v19, v38;
	v30 =	vld.idx.msk [tilespmem:v28+s14+$0x0], $0xffff  }
0x83: {  	v19 =	vor.u32 v34, v4;
	v28 =	vld.idx.msk [tilespmem:v28+s15+$0x0], $0xffff;
	v51 =	vmul.f32 v22, v22;
	v14 =	vadd.f32 v47, v14  }
0x84: {  	v13 =	vadd.f32 v16, v13;
	v0 =	vadd.f32 v56, v0;
	v33 =	vld.idx.msk [tilespmem:v31+s14+$0x0], $0xffff  }
0x85: {  	v21 =	vor.u32 v35, v4;
	v16 =	vmul.f32 v23, v23;
	v14 =	vadd.f32 v51, v14;
	v51 =	vld [tilespmem:$0x1FD10]  }
0x86: {  	v0 =	vadd.f32 v10, v0;
	v12 =	vmul.f32 v12, v23;
	v47 =	vcombine.low v18, v48;
	v48 =	vld [tilespmem:$0x1FD40]  }
0x87: {  	v1 =	vor.u32 v55, v4;
	v34 =	vmul.f32 v25, v25;
	v13 =	vadd.f32 v16, v13;
	v18 =	vld.idx.msk [tilespmem:v31+s15+$0x0], $0xffff  }
0x88: {  	v16 =	vmul.f32 v26, v26;
	v0 =	vadd.f32 v12, v0;
	v31 =	vor.u32 v36, v4;
	v36 =	vld.idx.msk [tilespmem:v19+s14+$0x0], $0xffff  }
0x89: {  	v12 =	vmul.f32 v17, v26;
	v17 =	vor.u32 v58, v4;
	v35 =	vmul.f32 v28, v28;
	v19 =	vld.idx.msk [tilespmem:v19+s15+$0x0], $0xffff  }
0x8a: {  	v14 =	vadd.f32 v34, v14;
	v51 =	vcombine.low v51, v24;
	v24 =	vor.u32 v37, v4;
	v37 =	vld.idx.msk [tilespmem:v21+s14+$0x0], $0xffff  }
0x8b: {  	v13 =	vadd.f32 v16, v13;
	v16 =	vmul.f32 v29, v29;
	v48 =	vcombine.low v27, v48;
	v21 =	vld.idx.msk [tilespmem:v21+s15+$0x0], $0xffff  }
0x8c: {  	v61 =	vld [tilespmem:$0x1FBD0];
	v27 =	vor.u32 v53, v4;
	v53 =	vmul.f32 v18, v18;
	v14 =	vadd.f32 v35, v14  }
0x8d: {  	v23 =	vld.idx.msk [tilespmem:v57+s14+$0x0], $0xffff;
	v25 =	vmul.f32 v25, v32;
	v13 =	vadd.f32 v16, v13  }
0x8e: {  	v16 =	vmul.f32 v32, v32;
	v32 =	vld.idx.msk [tilespmem:v17+s14+$0x0], $0xffff;
	v54 =	vmul.f32 v19, v19;
	v14 =	vadd.f32 v53, v14  }
0x8f: {  	v3 =	vld.idx.msk [tilespmem:v31+s14+$0x0], $0xffff  }
0x90: {  	v31 =	vld.idx.msk [tilespmem:v31+s15+$0x0], $0xffff;
	v53 =	vadd.f32 v54, v14;
	v54 =	vmul.f32 v21, v21  }
0x91: {  	v35 =	vld.idx.msk [tilespmem:v1+s14+$0x0], $0xffff  }
0x92: {  	v34 =	vld.idx.msk [tilespmem:v24+s14+$0x0], $0xffff;
	v9 =	vadd.f32 v54, v53;
	v54 =	vor.u32 v59, v4  }
0x93: {  	v24 =	vld.idx.msk [tilespmem:v24+s15+$0x0], $0xffff  }
0x94: {  	v14 =	vld.idx.msk [tilespmem:v27+s14+$0x0], $0xffff  }
0x95: {  	v27 =	vld.idx.msk [tilespmem:v27+s15+$0x0], $0xffff  }
0x96: {  	v1 =	vld.idx.msk [tilespmem:v1+s15+$0x0], $0xffff;
	v55 =	vmul.f32 v31, v31  }
0x97: {  	v22 =	vmul.f32 v22, v29;
	v0 =	vadd.f32 v12, v0;
	v26 =	vld.idx.msk [tilespmem:v54+s14+$0x0], $0xffff  }
0x98: {  	v12 =	vor.u32 v44, v4;
	v9 =	vadd.f32 v55, v9;
	v15 =	vmul.f32 v24, v24;
	v10 =	vld.idx.msk [tilespmem:v54+s15+$0x0], $0xffff  }
0x99: {  	v0 =	vadd.f32 v22, v0;
	v54 =	vld [tilespmem:$0x1FBE0]  }
0x9a: {  	v22 =	vor.u32 v61, v4;
	v53 =	vmul.f32 v27, v27;
	v9 =	vadd.f32 v15, v9;
	v15 =	vld.idx.msk [tilespmem:v2+s14+$0x0], $0xffff  }
0x9b: {  	v2 =	vld.idx.msk [tilespmem:v2+s15+$0x0], $0xffff  }
0x9c: {  	v17 =	vld.idx.msk [tilespmem:v17+s15+$0x0], $0xffff;
	v13 =	vadd.f32 v16, v13;
	v55 =	vmul.f32 v7, v7;
	v9 =	vadd.f32 v53, v9  }
0x9d: {  	v16 =	vmul.f32 v30, v30;
	v0 =	vadd.f32 v25, v0;
	v29 =	vld.idx.msk [tilespmem:v12+s14+$0x0], $0xffff;
	v56 =	vmul.f32 v1, v1  }
0x9e: {  	v12 =	vld.idx.msk [tilespmem:v12+s15+$0x0], $0xffff;
	v53 =	vmul.f32 v28, v30;
	v9 =	vadd.f32 v55, v9;
	v28 =	vor.u32 v54, v4  }
0x9f: {  	v18 =	vmul.f32 v18, v33;
	v13 =	vadd.f32 v16, v13;
	v16 =	vmul.f32 v33, v33;
	v30 =	vld.idx.msk [tilespmem:v22+s14+$0x0], $0xffff  }
0xa0: {  	v0 =	vadd.f32 v53, v0;
	v57 =	vmul.f32 v2, v2;
	v9 =	vadd.f32 v56, v9;
	v56 =	vld [tilespmem:$0x1FBF0]  }
0xa1: {  	v44 =	vmul.f32 v8, v8;
	v13 =	vadd.f32 v16, v13;
	v16 =	vmul.f32 v36, v36;
	v22 =	vld.idx.msk [tilespmem:v22+s15+$0x0], $0xffff  }
0xa2: {  	v19 =	vmul.f32 v19, v36;
	v0 =	vadd.f32 v18, v0;
	v18 =	vld [tilespmem:$0x1FC00];
	v9 =	vadd.f32 v57, v9  }
0xa3: {  	v13 =	vadd.f32 v16, v13;
	v16 =	vmul.f32 v37, v37;
	v36 =	vld.idx.msk [tilespmem:v28+s14+$0x0], $0xffff  }
0xa4: {  	v0 =	vadd.f32 v19, v0;
	v19 =	vmul.f32 v21, v37;
	v9 =	vadd.f32 v44, v9;
	v44 =	vld [tilespmem:$0x1FC10]  }
0xa5: {  	v13 =	vadd.f32 v16, v13;
	v28 =	vld.idx.msk [tilespmem:v28+s15+$0x0], $0xffff;
	v25 =	vor.u32 v56, v4  }
0xa6: {  	v16 =	vmul.f32 v3, v3;
	v3 =	vmul.f32 v31, v3;
	v0 =	vadd.f32 v19, v0;
	v19 =	vld [tilespmem:$0x1FC20]  }
0xa7: {  	v18 =	vor.u32 v18, v4;
	v56 =	vld [tilespmem:$0x1FC40]  }
0xa8: {  	v0 =	vadd.f32 v3, v0;
	v3 =	vld [tilespmem:$0x1FC30]  }
0xa9: {  	v13 =	vadd.f32 v16, v13;
	v16 =	vmul.f32 v34, v34;
	v21 =	vor.u32 v44, v4;
	v44 =	vld [tilespmem:$0x1FC60]  }
0xaa: {  	v24 =	vmul.f32 v24, v34;
	v33 =	vld.idx.msk [tilespmem:v25+s14+$0x0], $0xffff  }
0xab: {  	v13 =	vadd.f32 v16, v13;
	v16 =	vmul.f32 v14, v14;
	v25 =	vld.idx.msk [tilespmem:v25+s15+$0x0], $0xffff  }
0xac: {  	v14 =	vmul.f32 v27, v14;
	v0 =	vadd.f32 v24, v0;
	v31 =	vld.idx.msk [tilespmem:v18+s14+$0x0], $0xffff  }
0xad: {  	v13 =	vadd.f32 v16, v13;
	v16 =	vmul.f32 v11, v11;
	v19 =	vor.u32 v19, v4;
	v18 =	vld.idx.msk [tilespmem:v18+s15+$0x0], $0xffff  }
0xae: {  	v61 =	vmul.f32 v17, v17;
	v55 =	vmul.f32 v6, v6;
	v0 =	vadd.f32 v14, v0;
	v14 =	vld [tilespmem:$0x1FC50]  }
0xaf: {  	v13 =	vadd.f32 v16, v13;
	v16 =	vmul.f32 v35, v35;
	v24 =	vor.u32 v56, v4;
	v56 =	vld [tilespmem:$0x1FC90]  }
0xb0: {  	v7 =	vmul.f32 v7, v11;
	v57 =	vmul.f32 v10, v10;
	v9 =	vadd.f32 v55, v9;
	v34 =	vld.idx.msk [tilespmem:v21+s14+$0x0], $0xffff  }
0xb1: {  	v1 =	vmul.f32 v1, v35;
	v13 =	vadd.f32 v16, v13;
	v16 =	vmul.f32 v15, v15;
	v21 =	vld.idx.msk [tilespmem:v21+s15+$0x0], $0xffff  }
0xb2: {  	v9 =	vadd.f32 v57, v9;
	v3 =	vor.u32 v3, v4;
	v0 =	vadd.f32 v7, v0;
	v37 =	vld.idx.msk [tilespmem:v19+s14+$0x0], $0xffff  }
0xb3: {  	v53 =	vmul.f32 v12, v12;
	v13 =	vadd.f32 v16, v13;
	v16 =	vmul.f32 v23, v23;
	v19 =	vld.idx.msk [tilespmem:v19+s15+$0x0], $0xffff  }
0xb4: {  	v9 =	vadd.f32 v61, v9;
	v0 =	vadd.f32 v1, v0;
	v1 =	vmul.f32 v2, v15;
	v2 =	vld [tilespmem:$0x1FC70]  }
0xb5: {  	v8 =	vmul.f32 v8, v23;
	v13 =	vadd.f32 v16, v13;
	v16 =	vmul.f32 v20, v20;
	v35 =	vld.idx.msk [tilespmem:v24+s14+$0x0], $0xffff  }
0xb6: {  	v54 =	vmul.f32 v22, v22;
	v9 =	vadd.f32 v53, v9;
	v7 =	vor.u32 v44, v4;
	v15 =	vld.idx.msk [tilespmem:v24+s15+$0x0], $0xffff  }
0xb7: {  	v13 =	vadd.f32 v16, v13;
	v16 =	vmul.f32 v26, v26;
	v55 =	vmul.f32 v28, v28;
	v11 =	vld.idx.msk [tilespmem:v3+s14+$0x0], $0xffff  }
0xb8: {  	v9 =	vadd.f32 v54, v9;
	v14 =	vor.u32 v14, v4;
	v3 =	vld.idx.msk [tilespmem:v3+s15+$0x0], $0xffff;
	v0 =	vadd.f32 v1, v0  }
0xb9: {  	v13 =	vadd.f32 v16, v13;
	v16 =	vmul.f32 v32, v32;
	v57 =	vmul.f32 v25, v25;
	v1 =	vld [tilespmem:$0x1FC80]  }
0xba: {  	v9 =	vadd.f32 v55, v9;
	v0 =	vadd.f32 v8, v0;
	v8 =	vor.u32 v56, v4;
	v56 =	vld [tilespmem:$0x1FE50]  }
0xbb: {  	v13 =	vadd.f32 v16, v13;
	v16 =	vmul.f32 v29, v29;
	v23 =	vld.idx.msk [tilespmem:v7+s14+$0x0], $0xffff  }
0xbc: {  	v61 =	vmul.f32 v18, v18;
	v9 =	vadd.f32 v57, v9;
	v2 =	vor.u32 v2, v4;
	v7 =	vld.idx.msk [tilespmem:v7+s15+$0x0], $0xffff  }
0xbd: {  	v6 =	vmul.f32 v6, v20;
	v13 =	vadd.f32 v16, v13;
	v27 =	vld.idx.msk [tilespmem:v14+s14+$0x0], $0xffff  }
0xbe: {  	v16 =	vmul.f32 v30, v30;
	v53 =	vmul.f32 v21, v21;
	v9 =	vadd.f32 v61, v9;
	v14 =	vld.idx.msk [tilespmem:v14+s15+$0x0], $0xffff  }
0xbf: {  	v0 =	vadd.f32 v6, v0;
	v61 =	vmul.f32 v10, v26;
	v26 =	vld [tilespmem:$0x1FE20]  }
0xc0: {  	v13 =	vadd.f32 v16, v13;
	v16 =	vmul.f32 v36, v36;
	v9 =	vadd.f32 v53, v9;
	v53 =	vld [tilespmem:$0x1FE30]  }
0xc1: {  	v17 =	vmul.f32 v17, v32;
	v1 =	vor.u32 v1, v4;
	v0 =	vadd.f32 v61, v0;
	v20 =	vld.idx.msk [tilespmem:v2+s14+$0x0], $0xffff  }
0xc2: {  	v13 =	vadd.f32 v16, v13;
	v2 =	vld.idx.msk [tilespmem:v2+s15+$0x0], $0xffff  }
0xc3: {  	v16 =	vmul.f32 v33, v33;
	v54 =	vmul.f32 v19, v19;
	v0 =	vadd.f32 v17, v0;
	v17 =	vld [tilespmem:$0x1FE40]  }
0xc4: {  	v12 =	vmul.f32 v12, v29;
	v10 =	vor.u32 v26, v4;
	v26 =	vld.idx.msk [tilespmem:v8+s14+$0x0], $0xffff  }
0xc5: {  	v13 =	vadd.f32 v16, v13;
	v55 =	vmul.f32 v3, v3;
	v9 =	vadd.f32 v54, v9;
	v8 =	vld.idx.msk [tilespmem:v8+s15+$0x0], $0xffff  }
0xc6: {  	v16 =	vmul.f32 v31, v31;
	v24 =	vld.idx.msk [tilespmem:v1+s14+$0x0], $0xffff;
	v0 =	vadd.f32 v12, v0;
	v12 =	vmul.f32 v22, v30  }
0xc7: {  	v57 =	vmul.f32 v15, v15;
	v9 =	vadd.f32 v55, v9;
	v1 =	vld.idx.msk [tilespmem:v1+s15+$0x0], $0xffff;
	v22 =	vor.u32 v56, v4  }
0xc8: {  	v13 =	vadd.f32 v16, v13;
	v16 =	vmul.f32 v34, v34;
	v0 =	vadd.f32 v12, v0;
	v12 =	vld [tilespmem:$0x1FE60]  }
0xc9: {  	v44 =	vmul.f32 v14, v14;
	v6 =	vor.u32 v53, v4;
	v9 =	vadd.f32 v57, v9;
	v29 =	vld.idx.msk [tilespmem:v10+s14+$0x0], $0xffff  }
0xca: {  	v13 =	vadd.f32 v16, v13;
	v16 =	vmul.f32 v37, v37;
	v10 =	vld.idx.msk [tilespmem:v10+s15+$0x0], $0xffff  }
0xcb: {  	v25 =	vmul.f32 v25, v33;
	v9 =	vadd.f32 v44, v9;
	v44 =	vld [tilespmem:$0x1FE70]  }
0xcc: {  	v13 =	vadd.f32 v16, v13;
	v16 =	vmul.f32 v11, v11;
	v17 =	vor.u32 v17, v4;
	v33 =	vld.idx.msk [tilespmem:v22+s14+$0x0], $0xffff  }
0xcd: {  	v28 =	vmul.f32 v28, v36;
	v22 =	vld.idx.msk [tilespmem:v22+s15+$0x0], $0xffff  }
0xce: {  	v54 =	vmul.f32 v7, v7;
	v13 =	vadd.f32 v16, v13;
	v16 =	vmul.f32 v35, v35;
	v32 =	vld.idx.msk [tilespmem:v6+s14+$0x0], $0xffff  }
0xcf: {  	v18 =	vmul.f32 v18, v31;
	v0 =	vadd.f32 v28, v0;
	v6 =	vld.idx.msk [tilespmem:v6+s15+$0x0], $0xffff  }
0xd0: {  	v13 =	vadd.f32 v16, v13;
	v16 =	vmul.f32 v27, v27;
	v9 =	vadd.f32 v54, v9;
	v54 =	vld [tilespmem:$0x1FE80]  }
0xd1: {  	v55 =	vmul.f32 v2, v2;
	v0 =	vadd.f32 v25, v0;
	v12 =	vor.u32 v12, v4;
	v30 =	vld.idx.msk [tilespmem:v17+s14+$0x0], $0xffff  }
0xd2: {  	v13 =	vadd.f32 v16, v13;
	v16 =	vmul.f32 v23, v23;
	v57 =	vmul.f32 v1, v1;
	v17 =	vld.idx.msk [tilespmem:v17+s15+$0x0], $0xffff  }
0xd3: {  	v9 =	vadd.f32 v55, v9;
	v0 =	vadd.f32 v18, v0;
	v18 =	vld [tilespmem:$0x1FE90];
	v28 =	vor.u32 v44, v4  }
0xd4: {  	v21 =	vmul.f32 v21, v34;
	v44 =	vld [tilespmem:$0x1FEB0]  }
0xd5: {  	v13 =	vadd.f32 v16, v13;
	v16 =	vmul.f32 v20, v20;
	v9 =	vadd.f32 v57, v9;
	v57 =	vld [tilespmem:$0x1FEA0]  }
0xd6: {  	v19 =	vmul.f32 v19, v37;
	v0 =	vadd.f32 v21, v0;
	v36 =	vld.idx.msk [tilespmem:v12+s14+$0x0], $0xffff  }
0xd7: {  	v13 =	vadd.f32 v16, v13;
	v16 =	vmul.f32 v24, v24;
	v25 =	vor.u32 v54, v4;
	v12 =	vld.idx.msk [tilespmem:v12+s15+$0x0], $0xffff  }
0xd8: {  	v3 =	vmul.f32 v3, v11;
	v0 =	vadd.f32 v19, v0;
	v31 =	vld.idx.msk [tilespmem:v28+s14+$0x0], $0xffff  }
0xd9: {  	v15 =	vmul.f32 v15, v35;
	v13 =	vadd.f32 v16, v13;
	v28 =	vld.idx.msk [tilespmem:v28+s15+$0x0], $0xffff  }
0xda: {  	v16 =	vmul.f32 v26, v26;
	v18 =	vor.u32 v18, v4;
	v0 =	vadd.f32 v3, v0;
	v3 =	vld [tilespmem:$0x1FEC0]  }
0xdb: {  	[tilespmem:$0x1FAB0] =	vst v51;
	v61 =	vmul.f32 v8, v8;
	v21 =	vor.u32 v57, v4;
	v57 =	vor.u32 v51, v4;
	v51 =	vld [tilespmem:$0x1FD30]  }
0xdc: {  	v7 =	vmul.f32 v7, v23;
	v13 =	vadd.f32 v16, v13;
	v16 =	vmul.f32 v29, v29;
	v37 =	vld.idx.msk [tilespmem:v25+s14+$0x0], $0xffff  }
0xdd: {  	v53 =	vmul.f32 v10, v10;
	v9 =	vadd.f32 v61, v9;
	v11 =	vor.u32 v44, v4;
	v19 =	vld.idx.msk [tilespmem:v25+s15+$0x0], $0xffff  }
0xde: {  	v13 =	vadd.f32 v16, v13;
	v16 =	vmul.f32 v32, v32;
	v0 =	vadd.f32 v15, v0;
	v15 =	vld [tilespmem:$0x1FCE0]  }
0xdf: {  	v14 =	vmul.f32 v14, v27;
	v55 =	vmul.f32 v6, v6;
	v9 =	vadd.f32 v53, v9;
	v34 =	vld.idx.msk [tilespmem:v18+s14+$0x0], $0xffff  }
0xe0: {  	v2 =	vmul.f32 v2, v20;
	v13 =	vadd.f32 v16, v13;
	v16 =	vmul.f32 v30, v30;
	v18 =	vld.idx.msk [tilespmem:v18+s15+$0x0], $0xffff  }
0xe1: {  	v56 =	vmul.f32 v17, v17;
	v9 =	vadd.f32 v55, v9;
	v0 =	vadd.f32 v14, v0;
	v14 =	vld [tilespmem:$0x1FCF0]  }
0xe2: {  	v1 =	vmul.f32 v1, v24;
	v13 =	vadd.f32 v16, v13;
	v16 =	vmul.f32 v33, v33;
	v27 =	vld.idx.msk [tilespmem:v11+s14+$0x0], $0xffff  }
0xe3: {  	v61 =	vmul.f32 v22, v22;
	v9 =	vadd.f32 v56, v9;
	v3 =	vor.u32 v3, v4;
	v11 =	vld.idx.msk [tilespmem:v11+s15+$0x0], $0xffff  }
0xe4: {  	v53 =	vmul.f32 v12, v12;
	v13 =	vadd.f32 v16, v13;
	v16 =	vmul.f32 v36, v36;
	v25 =	vld.idx.msk [tilespmem:v21+s14+$0x0], $0xffff  }
0xe5: {  	v9 =	vadd.f32 v61, v9;
	v21 =	vld.idx.msk [tilespmem:v21+s15+$0x0], $0xffff;
	v0 =	vadd.f32 v7, v0;
	v15 =	vor.u32 v15, v4  }
0xe6: {  	v54 =	vmul.f32 v28, v28;
	v23 =	vld.idx.msk [tilespmem:v57+s14+$0x0], $0xffff;
	v13 =	vadd.f32 v16, v13;
	v16 =	vmul.f32 v31, v31  }
0xe7: {  	v7 =	vld.idx.msk [tilespmem:v57+s15+$0x0], $0xffff;
	v9 =	vadd.f32 v53, v9;
	v0 =	vadd.f32 v2, v0;
	v2 =	vor.u32 v51, v4  }
0xe8: {  	v55 =	vmul.f32 v19, v19;
	v13 =	vadd.f32 v16, v13;
	v16 =	vmul.f32 v37, v37;
	v35 =	vld.idx.msk [tilespmem:v3+s14+$0x0], $0xffff  }
0xe9: {  	v53 =	vor.u32 v48, v4;
	v14 =	vor.u32 v14, v4;
	v9 =	vadd.f32 v54, v9;
	v3 =	vld.idx.msk [tilespmem:v3+s15+$0x0], $0xffff  }
0xea: {  	v56 =	vmul.f32 v18, v18;
	v13 =	vadd.f32 v16, v13;
	v16 =	vmul.f32 v34, v34;
	v20 =	vld.idx.msk [tilespmem:v15+s14+$0x0], $0xffff  }
0xeb: {  	v0 =	vadd.f32 v1, v0;
	v1 =	vmul.f32 v8, v26;
	v9 =	vadd.f32 v55, v9;
	v15 =	vld.idx.msk [tilespmem:v15+s15+$0x0], $0xffff  }
0xec: {  	v6 =	vmul.f32 v6, v32;
	v26 =	vld.idx.msk [tilespmem:v2+s14+$0x0], $0xffff;
	v13 =	vadd.f32 v16, v13;
	v16 =	vmul.f32 v25, v25  }
0xed: {  	v61 =	vmul.f32 v21, v21;
	v0 =	vadd.f32 v1, v0;
	v2 =	vld.idx.msk [tilespmem:v2+s15+$0x0], $0xffff;
	v9 =	vadd.f32 v56, v9  }
0xee: {  	v1 =	vor.u32 v47, v4;
	v32 =	vld.idx.msk [tilespmem:v53+s14+$0x0], $0xffff;
	v13 =	vadd.f32 v16, v13;
	v16 =	vmul.f32 v27, v27  }
0xef: {  	v10 =	vmul.f32 v10, v29;
	v44 =	vmul.f32 v11, v11;
	v24 =	vld.idx.msk [tilespmem:v14+s14+$0x0], $0xffff;
	v9 =	vadd.f32 v61, v9  }
0xf0: {  	v14 =	vld.idx.msk [tilespmem:v14+s15+$0x0], $0xffff;
	v56 =	vor.u32 v5, v4;
	v13 =	vadd.f32 v16, v13;
	v16 =	vmul.f32 v35, v35  }
0xf1: {  	[tilespmem:$0x1FAF0] =	vst v38;
	v9 =	vadd.f32 v44, v9;
	v44 =	vmul.f32 v17, v30;
	v17 =	vor.u32 v38, v4;
	v38 =	vld [tilespmem:$0x1FD60]  }
0xf2: {  	v8 =	vld.idx.msk [tilespmem:v53+s15+$0x0], $0xffff;
	v0 =	vadd.f32 v10, v0;
	v54 =	vmul.f32 v3, v3  }
0xf3: {  	v22 =	vmul.f32 v22, v33;
	v30 =	vld.idx.msk [tilespmem:v1+s14+$0x0], $0xffff;
	v13 =	vadd.f32 v16, v13;
	v16 =	vmul.f32 v20, v20  }
0xf4: {  	v0 =	vadd.f32 v6, v0;
	v55 =	vmul.f32 v15, v15;
	v1 =	vld.idx.msk [tilespmem:v1+s15+$0x0], $0xffff;
	v9 =	vadd.f32 v54, v9  }
0xf5: {  	v61 =	vmul.f32 v14, v14;
	v29 =	vld.idx.msk [tilespmem:v56+s14+$0x0], $0xffff;
	v13 =	vadd.f32 v16, v13;
	v16 =	vmul.f32 v24, v24  }
0xf6: {  	[tilespmem:$0x1FAC0] =	vst v48;
	v0 =	vadd.f32 v44, v0;
	v44 =	vld [tilespmem:$0x1FD70];
	v9 =	vadd.f32 v55, v9;
	v48 =	vor.u32 v38, v4  }
0xf7: {  	v12 =	vmul.f32 v12, v36;
	v10 =	vld.idx.msk [tilespmem:v56+s15+$0x0], $0xffff;
	v13 =	vadd.f32 v16, v13;
	v16 =	vmul.f32 v23, v23  }
0xf8: {  	[tilespmem:$0x1FAD0] =	vst v47;
	v19 =	vmul.f32 v19, v37;
	v47 =	vmul.f32 v7, v7;
	v54 =	vld [tilespmem:$0x1FB00];
	v9 =	vadd.f32 v61, v9  }
0xf9: {  	v18 =	vmul.f32 v18, v34;
	v36 =	vld.idx.msk [tilespmem:v17+s14+$0x0], $0xffff;
	v13 =	vadd.f32 v16, v13;
	v16 =	vmul.f32 v26, v26  }
0xfa: {  	v57 =	vmul.f32 v2, v2;
	v0 =	vadd.f32 v22, v0;
	v9 =	vadd.f32 v47, v9;
	v47 =	vld [tilespmem:$0x1FD90]  }
0xfb: {  	v61 =	vor.u32 v44, v4;
	v13 =	vadd.f32 v16, v13;
	v16 =	vmul.f32 v32, v32;
	v33 =	vld.idx.msk [tilespmem:v48+s14+$0x0], $0xffff  }
0xfc: {  	v53 =	vmul.f32 v8, v8;
	v0 =	vadd.f32 v12, v0;
	v12 =	vmul.f32 v28, v31;
	v6 =	vld.idx.msk [tilespmem:v48+s15+$0x0], $0xffff  }
0xfd: {  	v9 =	vadd.f32 v57, v9;
	v48 =	vld [tilespmem:$0x1FDA0];
	v13 =	vadd.f32 v16, v13;
	v16 =	vmul.f32 v30, v30  }
0xfe: {  	v17 =	vld.idx.msk [tilespmem:v17+s15+$0x0], $0xffff;
	v56 =	vmul.f32 v1, v1;
	v55 =	vor.u32 v54, v4;
	v0 =	vadd.f32 v12, v0  }
0xff: {  	v37 =	vld [tilespmem:$0x1FDB0];
	v9 =	vadd.f32 v53, v9;
	v13 =	vadd.f32 v16, v13;
	v16 =	vmul.f32 v29, v29  }
0x100: {  	v57 =	vmul.f32 v10, v10;
	v0 =	vadd.f32 v19, v0;
	v31 =	vld.idx.msk [tilespmem:v61+s14+$0x0], $0xffff;
	v12 =	vor.u32 v47, v4  }
0x101: {  	v53 =	vld [tilespmem:$0x1FDC0];
	v9 =	vadd.f32 v56, v9;
	v13 =	vadd.f32 v16, v13;
	v16 =	vmul.f32 v36, v36  }
0x102: {  	v0 =	vadd.f32 v18, v0;
	v19 =	vor.u32 v48, v4;
	v18 =	vmul.f32 v33, v33  }
0x103: {  	v34 =	vld.idx.msk [tilespmem:v55+s14+$0x0], $0xffff;
	v9 =	vadd.f32 v57, v9;
	v13 =	vadd.f32 v16, v13;
	v16 =	vmul.f32 v17, v17  }
0x104: {  	v11 =	vmul.f32 v11, v27;
	v21 =	vmul.f32 v21, v25;
	v25 =	vor.u32 v37, v4;
	v22 =	vld.idx.msk [tilespmem:v61+s15+$0x0], $0xffff  }
0x105: {  	v9 =	vadd.f32 v16, v9;
	v16 =	vmul.f32 v6, v6;
	v13 =	vadd.f32 v18, v13;
	v18 =	vld.idx.msk [tilespmem:v12+s14+$0x0], $0xffff  }
0x106: {  	v28 =	vld.idx.msk [tilespmem:v55+s15+$0x0], $0xffff;
	v0 =	vadd.f32 v21, v0;
	v61 =	vmul.f32 v31, v31;
	v4 =	vor.u32 v53, v4  }
0x107: {  	v3 =	vmul.f32 v3, v35;
	v9 =	vadd.f32 v16, v9;
	v16 =	vld.idx.msk [tilespmem:v19+s14+$0x0], $0xffff  }
0x108: {  	v0 =	vadd.f32 v11, v0;
	v57 =	vmul.f32 v34, v34;
	v11 =	vld.idx.msk [tilespmem:v19+s15+$0x0], $0xffff;
	v13 =	vadd.f32 v61, v13  }
0x109: {  	v19 =	vld.idx.msk [tilespmem:v25+s14+$0x0], $0xffff  }
0x10a: {  	v0 =	vadd.f32 v3, v0;
	v12 =	vld.idx.msk [tilespmem:v12+s15+$0x0], $0xffff;
	v13 =	vadd.f32 v57, v13;
	v3 =	vmul.f32 v18, v18  }
0x10b: {  	v15 =	vmul.f32 v15, v20;
	v20 =	vld.idx.msk [tilespmem:v4+s14+$0x0], $0xffff  }
0x10c: {  	v56 =	vmul.f32 v22, v22;
	v3 =	vadd.f32 v3, v13;
	v13 =	vmul.f32 v16, v16  }
0x10d: {  	v14 =	vmul.f32 v14, v24;
	v0 =	vadd.f32 v15, v0;
	v61 =	vmul.f32 v28, v28  }
0x10e: {  	v9 =	vadd.f32 v56, v9;
	v3 =	vadd.f32 v13, v3;
	v13 =	vmul.f32 v19, v19  }
0x10f: {  	v7 =	vmul.f32 v7, v23;
	v25 =	vld.idx.msk [tilespmem:v25+s15+$0x0], $0xffff;
	v0 =	vadd.f32 v14, v0;
	v27 =	vmul.f32 v12, v12  }
0x110: {  	v4 =	vld.idx.msk [tilespmem:v4+s15+$0x0], $0xffff;
	v9 =	vadd.f32 v61, v9;
	v3 =	vadd.f32 v13, v3;
	v13 =	vmul.f32 v20, v20  }
0x111: {  	v2 =	vmul.f32 v2, v26;
	v0 =	vadd.f32 v7, v0  }
0x112: {  	v15 =	vmul.f32 v11, v11;
	v9 =	vadd.f32 v27, v9;
	v3 =	vadd.f32 v13, v3  }
0x113: {  	v8 =	vmul.f32 v8, v32;
	v1 =	vmul.f32 v1, v30;
	v0 =	vadd.f32 v2, v0  }
0x114: {  	v57 =	vld [tilespmem:$0x1FB10];
	v14 =	vmul.f32 v25, v25;
	v9 =	vadd.f32 v15, v9;
	v3 =	vmax.f32 v3, $1.000000020e-24  }
0x115: {  	v56 =	vld [tilespmem:$0x1FBC0];
	v54 =	vmul.f32 v4, v4;
	v55 =	vshra.s32 v3, $0x1;
	v3 =	vmul.f32 $5.000000000e-01, v3  }
0x116: {  	v0 =	vadd.f32 v8, v0;
	v35 =	vadd.f32 v14, v9;
	v7 =	vsub.s32 $0x5F3759DF, v55  }
0x117: {  	v61 =	vmul.f32 v7, v3  }
0x118: {  	v21 =	vmul.f32 v10, v29;
	v0 =	vadd.f32 v1, v0;
	v2 =	vadd.f32 v54, v35  }
0x119: {  	[tilespmem:$0x1FAE0] =	vst v5;
	v5 =	vand.u32 $0x78, v57;
	v1 =	vmul.f32 v7, v61  }
0x11a: {  	v0 =	vadd.f32 v21, v0;
	v13 =	vor.u32 s22, v56;
	v2 =	vmax.f32 v2, $1.000000020e-24  }
0x11b: {  	v23 =	vshra.s32 v2, $0x1;
	v2 =	vmul.f32 $5.000000000e-01, v2;
	v1 =	vsub.f32 $1.500000000e+00, v1  }
0x11c: {  	[tilespmem:$0x1FB20] =	vst v13;
	v5 =	vor.u32 v5, v13;
	v13 =	vmul.f32 v17, v36;
	v10 =	vsub.s32 $0x5F3759DF, v23  }
0x11d: {  	v24 =	vmul.f32 v10, v2;
	v1 =	vmul.f32 v7, v1  }
0x11e: {  	v6 =	vmul.f32 v6, v33;
	v0 =	vadd.f32 v13, v0  }
0x11f: {  	v8 =	vmul.f32 v10, v24;
	v30 =	vmul.f32 v1, v3  }
0x120: {  	v27 =	vmul.f32 v22, v31;
	v0 =	vadd.f32 v6, v0  }
0x121: {  	v8 =	vsub.f32 $1.500000000e+00, v8;
	v31 =	vmul.f32 v30, v1  }
0x122: {  	v13 =	vmul.f32 v28, v34;
	v26 =	vld.idx.msk [tilespmem:v5+s2+$0x0], $0xffff;
	v0 =	vadd.f32 v27, v0  }
0x123: {  	v12 =	vmul.f32 v12, v18;
	v29 =	vld.idx.msk [tilespmem:v5+s11+$0x0], $0xffff;
	v8 =	vmul.f32 v10, v8;
	v33 =	vsub.f32 $1.500000000e+00, v31  }
0x124: {  	s31 =	simm.s32 $0x10;
	v4 =	vmul.f32 v4, v20;
	v35 =	vmul.f32 v11, v16;
	v0 =	vadd.f32 v13, v0  }
0x125: {  	v56 =	vor.u32 s31, v39;
	v32 =	vmul.f32 v8, v2;
	v1 =	vmul.f32 v33, v1  }
0x126: {  	v54 =	vmul.f32 v25, v19;
	v14 =	vshll.u32 v56, $0x6;
	v0 =	vadd.f32 v12, v0  }
0x127: {  	v5 =	vld.idx.msk [tilespmem:v5+s12+$0x0], $0xffff;
	vm1 =	vlt.s32 v26, $0x186A0;
	v34 =	vmul.f32 v32, v8;
	v3 =	vmul.f32 v1, v3  }
0x128: {  	vm2 =	vne.s32 v26, v29;
	vm3 =	vlt.s32 v29, $0x186A0;
	v0 =	vadd.f32 v35, v0  }
0x129: {  	vm1 =	vmand vm1, vm3;
	v36 =	vsub.f32 $1.500000000e+00, v34;
	v3 =	vmul.f32 v3, v1  }
0x12a: {  	v61 =	vor.u32 v53, v14;
	vm1 =	vmand vm1, vm2;
	v0 =	vadd.f32 v54, v0  }
0x12b: {  	[tilespmem:$0x1FB30] =	vst v56;
	v57 =	vsel vm1, $0x3F800000, v40;
	v55 =	vmul.f32 v36, v8;
	v3 =	vsub.f32 $1.500000000e+00, v3  }
0x12c: {  	[tilespmem:$0x1FB50] =	vst v61;
	v5 =	vmul.f32 v57, v5;
	v0 =	vadd.f32 v4, v0  }
0x12d: {  	[tilespmem:$0x1FB40] =	vst v57;
	v2 =	vmul.f32 v55, v2;
	v1 =	vmul.f32 v3, v1;
	v3 =	vor.u32 v47, v14  }
0x12e: {  	v0 =	vmul.f32 v5, v0;
	[tilespmem:$0x1FB60] =	vst v3;
	v3 =	vor.u32 v48, v14  }
0x12f: {  	v2 =	vmul.f32 v2, v55;
	[tilespmem:$0x1FB70] =	vst v3;
	v3 =	vor.u32 v37, v14  }
0x130: {  	v16 =	vmul.f32 v1, v0;
	v1 =	vor.u32 v51, v14;
	[tilespmem:$0x1FB80] =	vst v3  }
0x131: {  	v2 =	vsub.f32 $1.500000000e+00, v2;
	v3 =	vor.u32 v44, v14;
	[tilespmem:$0x1FBA0] =	vst v1  }
0x132: {  	v1 =	vor.u32 v38, v14;
	[tilespmem:$0x1FB90] =	vst v3  }
0x133: {  	s22 =	simm.s32 $0x20;
	v15 =	vmul.f32 v2, v55;
	v0 =	vor.u32 v39, v14;
	[tilespmem:$0x1FBB0] =	vst v1  }
.LBB2_3:
0x134: {  	v3 =	vld [tilespmem:$0x1FEB0];
	_ =	sdelay $0x4  }
0x135: {  	v3 =	vor.u32 v3, v14  }
0x136: {  	[tilespmem:$0x1FA20] =	vst v3;
	v3 =	vld [tilespmem:$0x1FEC0];
	_ =	sdelay $0x4  }
0x137: {  	v3 =	vor.u32 v3, v14  }
0x138: {  	[tilespmem:$0x1FA30] =	vst v3;
	v3 =	vld [tilespmem:$0x1FE90];
	_ =	sdelay $0x2  }
0x139: {  	v1 =	vld [tilespmem:$0x1FCE0];
	_ =	sdelay $0x1  }
0x13a: {  	v3 =	vor.u32 v3, v14  }
0x13b: {  	[tilespmem:$0x1FA00] =	vst v3;
	v3 =	vld [tilespmem:$0x1FEA0];
	_ =	sdelay $0x1  }
0x13c: {  	v1 =	vor.u32 v1, v14  }
0x13d: {  	[tilespmem:$0x1FA40] =	vst v1;
	v1 =	vld [tilespmem:$0x1FCF0];
	_ =	sdelay $0x1  }
0x13e: {  	v3 =	vor.u32 v3, v14  }
0x13f: {  	[tilespmem:$0x1FA10] =	vst v3;
	v3 =	vld [tilespmem:$0x1FA90];
	_ =	sdelay $0x1  }
0x140: {  	v1 =	vor.u32 v1, v14  }
0x141: {  	[tilespmem:$0x1FA50] =	vst v1;
	v1 =	vmul.f32 v15, v16;
	_ =	sdelay $0x1  }
0x142: {  	v3 =	vadd.f32 v1, v3;
	_ =	sdelay $0x1  }
0x143: {  	[tilespmem:$0x1FA90] =	vst v3;
	v3 =	vld [tilespmem:$0x1FE70];
	_ =	sdelay $0x4  }
0x144: {  	v3 =	vor.u32 v3, v14  }
0x145: {  	[tilespmem:$0x1F9E0] =	vst v3;
	v3 =	vld [tilespmem:$0x1FE80];
	_ =	sdelay $0x4  }
0x146: {  	v3 =	vor.u32 v3, v14  }
0x147: {  	[tilespmem:$0x1F9F0] =	vst v3;
	v3 =	vld [tilespmem:$0x1FE40];
	_ =	sdelay $0x4  }
0x148: {  	v3 =	vor.u32 v3, v14  }
0x149: {  	[tilespmem:$0x1F9B0] =	vst v3;
	v3 =	vld [tilespmem:$0x1FE50];
	_ =	sdelay $0x4  }
0x14a: {  	v3 =	vor.u32 v3, v14  }
0x14b: {  	[tilespmem:$0x1F9C0] =	vst v3;
	v3 =	vld [tilespmem:$0x1FE60];
	_ =	sdelay $0x4  }
0x14c: {  	v3 =	vor.u32 v3, v14  }
0x14d: {  	[tilespmem:$0x1F9D0] =	vst v3;
	v3 =	vld [tilespmem:$0x1FE20];
	_ =	sdelay $0x4  }
0x14e: {  	v3 =	vor.u32 v3, v14  }
0x14f: {  	[tilespmem:$0x1F990] =	vst v3;
	v3 =	vld [tilespmem:$0x1FE30];
	_ =	sdelay $0x4  }
0x150: {  	v3 =	vor.u32 v3, v14  }
0x151: {  	[tilespmem:$0x1F9A0] =	vst v3;
	v3 =	vld [tilespmem:$0x1FC70];
	_ =	sdelay $0x4  }
0x152: {  	v35 =	vor.u32 v3, v14;
	v3 =	vld [tilespmem:$0x1FC80];
	_ =	sdelay $0x4  }
0x153: {  	v3 =	vor.u32 v3, v14  }
0x154: {  	[tilespmem:$0x1F970] =	vst v3;
	v3 =	vld [tilespmem:$0x1FC90];
	_ =	sdelay $0x4  }
0x155: {  	v3 =	vor.u32 v3, v14  }
0x156: {  	[tilespmem:$0x1F980] =	vst v3;
	v3 =	vld [tilespmem:$0x1FC50];
	_ =	sdelay $0x4  }
0x157: {  	v37 =	vor.u32 v3, v14;
	v3 =	vld [tilespmem:$0x1FC60];
	_ =	sdelay $0x4  }
0x158: {  	v36 =	vor.u32 v3, v14;
	v3 =	vld [tilespmem:$0x1FC20];
	_ =	sdelay $0x4  }
0x159: {  	v47 =	vor.u32 v3, v14;
	v3 =	vld [tilespmem:$0x1FC30];
	_ =	sdelay $0x2  }
0x15a: {  	v44 =	vld.idx.msk [tilespmem:v0+s15+$0x0], $0xffff  }
0x15b: {  	v23 =	vld.idx.msk [tilespmem:v0+s14+$0x0], $0xffff  }
0x15c: {  	v0 =	vor.u32 v43, v14;
	v43 =	vor.u32 v3, v14;
	v3 =	vld [tilespmem:$0x1FC40];
	_ =	sdelay $0x4  }
0x15d: {  	v1 =	vor.u32 v42, v14;
	v42 =	vor.u32 v3, v14;
	v3 =	vld [tilespmem:$0x1FC00];
	_ =	sdelay $0x3  }
0x15e: {  	v2 =	vor.u32 v41, v14;
	v41 =	vld.idx.msk [tilespmem:v0+s14+$0x0], $0xffff  }
0x15f: {  	v51 =	vor.u32 v3, v14;
	v3 =	vld [tilespmem:$0x1FC10]  }
0x160: {  	v61 =	vld.idx.msk [tilespmem:v0+s15+$0x0], $0xffff;
	v0 =	vor.u32 v49, v14;
	_ =	sdelay $0x3  }
0x161: {  	v48 =	vor.u32 v3, v14;
	v3 =	vld [tilespmem:$0x1FBD0]  }
0x162: {  	v49 =	vld.idx.msk [tilespmem:v0+s14+$0x0], $0xffff  }
0x163: {  	v22 =	vld.idx.msk [tilespmem:v0+s15+$0x0], $0xffff  }
0x164: {  	v0 =	vld [tilespmem:$0x1FFC0]  }
0x165: {  	v25 =	vld.idx.msk [tilespmem:v2+s15+$0x0], $0xffff  }
0x166: {  	v56 =	vor.u32 v3, v14;
	v3 =	vld [tilespmem:$0x1FBE0]  }
0x167: {  	v53 =	vld.idx.msk [tilespmem:v1+s15+$0x0], $0xffff;
	_ =	sdelay $0x1  }
0x168: {  	v16 =	vor.u32 v0, v14;
	v0 =	vld [tilespmem:$0x1FFB0]  }
0x169: {  	v8 =	vmul.f32 v44, v44;
	v9 =	vmul.f32 v25, v25  }
0x16a: {  	v55 =	vor.u32 v3, v14;
	v3 =	vld [tilespmem:$0x1FBF0]  }
0x16b: {  	v9 =	vadd.f32 v9, v8;
	v11 =	vmul.f32 v53, v53;
	_ =	sdelay $0x1  }
0x16c: {  	v11 =	vadd.f32 v11, v9;
	v9 =	vor.u32 v0, v14;
	v0 =	vld [tilespmem:$0x1FFA0]  }
0x16d: {  	v39 =	vld.idx.msk [tilespmem:v2+s14+$0x0], $0xffff;
	v2 =	vor.u32 v45, v14  }
0x16e: {  	v54 =	vor.u32 v3, v14;
	v3 =	vld [tilespmem:$0x1FFF0];
	_ =	sdelay $0x1  }
0x16f: {  	v40 =	vld.idx.msk [tilespmem:v1+s14+$0x0], $0xffff;
	v1 =	vor.u32 v46, v14  }
0x170: {  	v8 =	vor.u32 v0, v14;
	v0 =	vld [tilespmem:$0x1FF50]  }
0x171: {  	v7 =	vmul.f32 v39, v39;
	v18 =	vld.idx.msk [tilespmem:v2+s15+$0x0], $0xffff  }
0x172: {  	v46 =	vld.idx.msk [tilespmem:v2+s14+$0x0], $0xffff;
	v2 =	vor.u32 v50, v14;
	v57 =	vor.u32 v3, v14;
	v3 =	vmul.f32 v23, v23  }
0x173: {  	v32 =	vld [tilespmem:$0x1FFD0]  }
0x174: {  	v10 =	vmul.f32 v40, v40;
	v45 =	vld.idx.msk [tilespmem:v1+s14+$0x0], $0xffff;
	v3 =	vadd.f32 v7, v3  }
0x175: {  	v21 =	vor.u32 v0, v14;
	v0 =	vld [tilespmem:$0x1FF90]  }
0x176: {  	v33 =	vmul.f32 v41, v41;
	v20 =	vld.idx.msk [tilespmem:v1+s15+$0x0], $0xffff;
	v1 =	vor.u32 v52, v14;
	v3 =	vadd.f32 v10, v3  }
0x177: {  	v12 =	vmul.f32 v61, v61;
	v50 =	vld.idx.msk [tilespmem:v2+s14+$0x0], $0xffff  }
0x178: {  	v34 =	vmul.f32 v46, v46;
	v24 =	vld.idx.msk [tilespmem:v2+s15+$0x0], $0xffff;
	v2 =	vor.u32 v62, v14;
	v3 =	vadd.f32 v33, v3  }
0x179: {  	v11 =	vadd.f32 v12, v11  }
0x17a: {  	v12 =	vmul.f32 v45, v45;
	v7 =	vor.u32 v0, v14;
	v0 =	vld [tilespmem:$0x1FF60];
	v3 =	vadd.f32 v34, v3  }
0x17b: {  	v52 =	vld.idx.msk [tilespmem:v1+s14+$0x0], $0xffff  }
0x17c: {  	v10 =	vld.idx.msk [tilespmem:v1+s15+$0x0], $0xffff;
	v3 =	vadd.f32 v12, v3;
	v12 =	vmul.f32 v49, v49  }
0x17d: {  	v38 =	vor.u32 v32, v14;
	v32 =	vmov v63;
	v1 =	vor.u32 v63, v14;
	v63 =	vld.idx.msk [tilespmem:v2+s14+$0x0], $0xffff  }
0x17e: {  	v3 =	vadd.f32 v12, v3;
	v12 =	vld.idx.msk [tilespmem:v2+s15+$0x0], $0xffff  }
0x17f: {  	v2 =	vor.u32 v0, v14;
	v0 =	vld [tilespmem:$0x1FF80];
	_ =	sdelay $0x1  }
0x180: {  	v13 =	vor.u32 v60, v14;
	_ =	sdelay $0x1  }
0x181: {  	v4 =	vld [tilespmem:$0x1FFE0];
	v15 =	vmul.f32 v18, v18  }
0x182: {  	v6 =	vor.u32 v0, v14;
	v0 =	vld [tilespmem:$0x1FF70]  }
0x183: {  	v17 =	vmul.f32 v20, v20;
	v15 =	vadd.f32 v15, v11  }
0x184: {  	v11 =	vld.idx.msk [tilespmem:v13+s15+$0x0], $0xffff  }
0x185: {  	v34 =	vmov v62;
	v62 =	vld.idx.msk [tilespmem:v13+s14+$0x0], $0xffff;
	v13 =	vadd.f32 v17, v15;
	v15 =	vmul.f32 v50, v50  }
0x186: {  	v27 =	vor.u32 v4, v14;
	v19 =	vmul.f32 v22, v22  }
0x187: {  	v3 =	vadd.f32 v15, v3;
	v15 =	vmul.f32 v52, v52;
	v4 =	vor.u32 v0, v14;
	v0 =	vld [tilespmem:$0x1FB00]  }
0x188: {  	v26 =	vld.idx.msk [tilespmem:v21+s14+$0x0], $0xffff  }
0x189: {  	v17 =	vmul.f32 v24, v24;
	v19 =	vadd.f32 v19, v13;
	v3 =	vadd.f32 v15, v3;
	v15 =	vld.idx.msk [tilespmem:v21+s15+$0x0], $0xffff  }
0x18a: {  	v21 =	vld.idx.msk [tilespmem:v2+s14+$0x0], $0xffff  }
0x18b: {  	v19 =	vadd.f32 v17, v19;
	v17 =	vld.idx.msk [tilespmem:v2+s15+$0x0], $0xffff  }
0x18c: {  	v2 =	vld [tilespmem:$0x1FAC0];
	v0 =	vor.u32 v0, v14  }
0x18d: {  	[tilespmem:$0x1FA80] =	vst v0;
	v0 =	vld [tilespmem:$0x1FAE0];
	_ =	sdelay $0x1  }
0x18e: {  	v33 =	vmov v60;
	v60 =	vld.idx.msk [tilespmem:v1+s14+$0x0], $0xffff;
	v30 =	vmul.f32 v62, v62  }
0x18f: {  	v13 =	vld.idx.msk [tilespmem:v1+s15+$0x0], $0xffff  }
0x190: {  	v28 =	vmul.f32 v10, v10;
	v1 =	vadd.f32 v30, v3;
	v30 =	vor.u32 v2, v14;
	v2 =	vld [tilespmem:$0x1FAD0]  }
0x191: {  	v0 =	vor.u32 v0, v14  }
0x192: {  	v5 =	vmul.f32 v11, v11;
	v19 =	vadd.f32 v28, v19;
	[tilespmem:$0x1FA60] =	vst v0;
	v0 =	vld [tilespmem:$0x1FAF0];
	_ =	sdelay $0x1  }
0x193: {  	v23 =	vmul.f32 v44, v23;
	v5 =	vadd.f32 v5, v19;
	v19 =	vld.idx.msk [tilespmem:v4+s14+$0x0], $0xffff  }
0x194: {  	v28 =	vor.u32 v2, v14;
	v2 =	vld.idx.msk [tilespmem:v4+s15+$0x0], $0xffff  }
0x195: {  	v25 =	vmul.f32 v25, v39;
	v23 =	vadd.f32 $0.0e+00, v23;
	v4 =	vld [tilespmem:$0x1FAB0]  }
0x196: {  	v3 =	vmul.f32 v12, v12;
	v0 =	vor.u32 v0, v14  }
0x197: {  	v31 =	vor.u32 v58, v14;
	v23 =	vadd.f32 v25, v23;
	[tilespmem:$0x1FA70] =	vst v0;
	v0 =	vmul.f32 v63, v63  }
0x198: {  	v25 =	vmul.f32 v53, v40;
	v40 =	vld.idx.msk [tilespmem:v8+s14+$0x0], $0xffff;
	v44 =	vmul.f32 v13, v13;
	v3 =	vadd.f32 v3, v5  }
0x199: {  	v29 =	vor.u32 v59, v14;
	v53 =	vld.idx.msk [tilespmem:v7+s15+$0x0], $0xffff;
	v0 =	vadd.f32 v0, v1;
	v1 =	vmul.f32 v60, v60  }
0x19a: {  	v39 =	vmul.f32 v15, v15;
	v3 =	vadd.f32 v44, v3;
	v14 =	vor.u32 v4, v14;
	v4 =	vld.idx.msk [tilespmem:v6+s14+$0x0], $0xffff  }
0x19b: {  	v5 =	vmul.f32 v26, v26;
	v0 =	vadd.f32 v1, v0;
	v1 =	vld.idx.msk [tilespmem:v6+s15+$0x0], $0xffff  }
0x19c: {  	v44 =	vmul.f32 v17, v17;
	v3 =	vadd.f32 v39, v3;
	v6 =	vld.idx.msk [tilespmem:v7+s14+$0x0], $0xffff;
	v7 =	vadd.f32 v25, v23  }
0x19d: {  	v23 =	vmul.f32 v61, v41;
	v61 =	vld.idx.msk [tilespmem:v8+s15+$0x0], $0xffff;
	v0 =	vadd.f32 v5, v0;
	v5 =	vmul.f32 v21, v21  }
0x19e: {  	v3 =	vadd.f32 v44, v3;
	v25 =	vmul.f32 v2, v2;
	v41 =	vld.idx.msk [tilespmem:v9+s14+$0x0], $0xffff  }
0x19f: {  	v8 =	vmul.f32 v18, v46;
	v18 =	vld.idx.msk [tilespmem:v9+s15+$0x0], $0xffff;
	v0 =	vadd.f32 v5, v0;
	v5 =	vmul.f32 v19, v19  }
0x1a0: {  	v44 =	vmul.f32 v4, v4;
	v46 =	vld.idx.msk [tilespmem:v16+s14+$0x0], $0xffff;
	v7 =	vadd.f32 v23, v7  }
0x1a1: {  	v9 =	vmul.f32 v20, v45;
	v45 =	vld.idx.msk [tilespmem:v38+s14+$0x0], $0xffff;
	v3 =	vadd.f32 v25, v3;
	v0 =	vadd.f32 v5, v0  }
0x1a2: {  	v25 =	vmul.f32 v53, v53;
	v8 =	vadd.f32 v8, v7;
	v7 =	vld.idx.msk [tilespmem:v16+s15+$0x0], $0xffff;
	v23 =	vmul.f32 v1, v1  }
0x1a3: {  	v39 =	vmul.f32 v6, v6;
	v1 =	vmul.f32 v1, v4;
	v4 =	vld.idx.msk [tilespmem:v48+s15+$0x0], $0xffff;
	v0 =	vadd.f32 v44, v0  }
0x1a4: {  	v16 =	vmul.f32 v22, v49;
	v9 =	vadd.f32 v9, v8;
	v8 =	vld.idx.msk [tilespmem:v38+s15+$0x0], $0xffff;
	v3 =	vadd.f32 v23, v3  }
0x1a5: {  	v49 =	vmul.f32 v24, v50;
	v38 =	vld.idx.msk [tilespmem:v27+s14+$0x0], $0xffff;
	v0 =	vadd.f32 v39, v0;
	v39 =	vmul.f32 v40, v40  }
0x1a6: {  	v22 =	vmul.f32 v61, v61;
	v44 =	vadd.f32 v16, v9;
	v16 =	vld.idx.msk [tilespmem:v27+s15+$0x0], $0xffff;
	v3 =	vadd.f32 v25, v3  }
0x1a7: {  	v50 =	vmul.f32 v18, v18;
	v5 =	vmul.f32 v41, v41;
	v9 =	vld.idx.msk [tilespmem:v29+s14+$0x0], $0xffff;
	v0 =	vadd.f32 v39, v0  }
0x1a8: {  	v27 =	vmul.f32 v10, v52;
	v10 =	vld.idx.msk [tilespmem:v29+s15+$0x0], $0xffff;
	v52 =	vmul.f32 v11, v62;
	v3 =	vadd.f32 v22, v3  }
0x1a9: {  	v11 =	vld.idx.msk [tilespmem:v31+s15+$0x0], $0xffff;
	v25 =	vmul.f32 v46, v46;
	v20 =	vadd.f32 v49, v44;
	v0 =	vadd.f32 v5, v0  }
0x1aa: {  	v44 =	vmul.f32 v45, v45;
	v49 =	vld.idx.msk [tilespmem:v31+s14+$0x0], $0xffff;
	v39 =	vmul.f32 v7, v7;
	v3 =	vadd.f32 v50, v3  }
0x1ab: {  	v31 =	vmul.f32 v13, v60;
	v13 =	vld.idx.msk [tilespmem:v56+s15+$0x0], $0xffff;
	v20 =	vadd.f32 v27, v20;
	v0 =	vadd.f32 v25, v0  }
0x1ac: {  	v62 =	vmov v34;
	v29 =	vmul.f32 v8, v8;
	v50 =	vld.idx.msk [tilespmem:v57+s14+$0x0], $0xffff;
	v3 =	vadd.f32 v39, v3  }
0x1ad: {  	v34 =	vmul.f32 v38, v38;
	v20 =	vadd.f32 v52, v20;
	v52 =	vld.idx.msk [tilespmem:v56+s14+$0x0], $0xffff;
	v0 =	vadd.f32 v44, v0  }
0x1ae: {  	v56 =	vld.idx.msk [tilespmem:v55+s14+$0x0], $0xffff;
	v39 =	vmul.f32 v12, v63;
	v3 =	vadd.f32 v29, v3;
	v44 =	vmul.f32 v16, v16  }
0x1af: {  	v15 =	vmul.f32 v15, v26;
	v12 =	vld.idx.msk [tilespmem:v57+s15+$0x0], $0xffff;
	v29 =	vmul.f32 v9, v9;
	v0 =	vadd.f32 v34, v0  }
0x1b0: {  	v24 =	vld [tilespmem:$0x1F990];
	v63 =	vmovc v32;
	v32 =	vmul.f32 v10, v10;
	v20 =	vadd.f32 v39, v20;
	v3 =	vadd.f32 v44, v3  }
0x1b1: {  	v60 =	vmov v33;
	v55 =	vld.idx.msk [tilespmem:v55+s15+$0x0], $0xffff;
	v33 =	vmul.f32 v49, v49;
	v0 =	vadd.f32 v29, v0  }
0x1b2: {  	v5 =	vld.idx.msk [tilespmem:v51+s15+$0x0], $0xffff;
	v22 =	vadd.f32 v31, v20;
	v34 =	vmul.f32 v11, v11;
	v3 =	vadd.f32 v32, v3  }
0x1b3: {  	v39 =	vmul.f32 v50, v50;
	v20 =	vld.idx.msk [tilespmem:v54+s14+$0x0], $0xffff;
	v0 =	vadd.f32 v33, v0  }
0x1b4: {  	v44 =	vmul.f32 v12, v12;
	v22 =	vadd.f32 v15, v22;
	v15 =	vld.idx.msk [tilespmem:v54+s15+$0x0], $0xffff;
	v3 =	vadd.f32 v34, v3  }
0x1b5: {  	v17 =	vmul.f32 v17, v21;
	v54 =	vadd.f32 v39, v0;
	v0 =	vld.idx.msk [tilespmem:v51+s14+$0x0], $0xffff  }
0x1b6: {  	v21 =	vadd.f32 v44, v3;
	v3 =	vld.idx.msk [tilespmem:v48+s14+$0x0], $0xffff  }
0x1b7: {  	v2 =	vmul.f32 v2, v19;
	v17 =	vadd.f32 v17, v22;
	v44 =	vld.idx.msk [tilespmem:v47+s14+$0x0], $0xffff  }
0x1b8: {  	v47 =	vld.idx.msk [tilespmem:v47+s15+$0x0], $0xffff  }
0x1b9: {  	v2 =	vadd.f32 v2, v17;
	v39 =	vld.idx.msk [tilespmem:v43+s14+$0x0], $0xffff  }
0x1ba: {  	v57 =	vmul.f32 v52, v52;
	v43 =	vld.idx.msk [tilespmem:v43+s15+$0x0], $0xffff  }
0x1bb: {  	v1 =	vadd.f32 v1, v2;
	v2 =	vmul.f32 v53, v6;
	v6 =	vld.idx.msk [tilespmem:v42+s15+$0x0], $0xffff  }
0x1bc: {  	v19 =	vmul.f32 v13, v13;
	v25 =	vadd.f32 v57, v54;
	v54 =	vld [tilespmem:$0x1F970]  }
0x1bd: {  	v26 =	vmul.f32 v56, v56;
	v1 =	vadd.f32 v2, v1;
	v2 =	vmul.f32 v61, v40;
	v40 =	vld.idx.msk [tilespmem:v42+s14+$0x0], $0xffff  }
0x1be: {  	v17 =	vmul.f32 v55, v55;
	v19 =	vadd.f32 v19, v21;
	v61 =	vld [tilespmem:$0x1F980]  }
0x1bf: {  	v29 =	vmul.f32 v20, v20;
	v31 =	vmul.f32 v15, v15;
	v27 =	vadd.f32 v26, v25;
	v26 =	vld [tilespmem:$0x1F9A0]  }
0x1c0: {  	v17 =	vadd.f32 v17, v19;
	v1 =	vadd.f32 v2, v1;
	v2 =	vmul.f32 v18, v41;
	v41 =	vld.idx.msk [tilespmem:v37+s14+$0x0], $0xffff  }
0x1c1: {  	v33 =	vmul.f32 v5, v5;
	v19 =	vadd.f32 v29, v27;
	v27 =	vld [tilespmem:$0x1F9B0]  }
0x1c2: {  	v17 =	vadd.f32 v31, v17;
	v1 =	vadd.f32 v2, v1;
	v2 =	vmul.f32 v7, v46;
	v7 =	vld.idx.msk [tilespmem:v37+s15+$0x0], $0xffff  }
0x1c3: {  	v37 =	vld.idx.msk [tilespmem:v36+s14+$0x0], $0xffff  }
0x1c4: {  	v32 =	vmul.f32 v0, v0;
	v17 =	vadd.f32 v33, v17;
	v33 =	vld.idx.msk [tilespmem:v24+s14+$0x0], $0xffff  }
0x1c5: {  	v10 =	vmul.f32 v10, v9;
	v1 =	vadd.f32 v2, v1;
	v2 =	vmul.f32 v8, v45;
	v8 =	vld.idx.msk [tilespmem:v36+s15+$0x0], $0xffff  }
0x1c6: {  	v34 =	vmul.f32 v3, v3;
	v18 =	vmul.f32 v4, v4;
	v19 =	vadd.f32 v32, v19;
	v36 =	vld.idx.msk [tilespmem:v35+s14+$0x0], $0xffff  }
0x1c7: {  	v48 =	vmul.f32 v44, v44;
	v51 =	vmul.f32 v47, v47;
	v9 =	vld.idx.msk [tilespmem:v54+s15+$0x0], $0xffff  }
0x1c8: {  	v19 =	vadd.f32 v34, v19;
	v17 =	vadd.f32 v18, v17;
	v34 =	vmul.f32 v55, v56;
	v56 =	vld [tilespmem:$0x1F9E0]  }
0x1c9: {  	v53 =	vmul.f32 v43, v43;
	v1 =	vadd.f32 v2, v1;
	v2 =	vmul.f32 v16, v38;
	v38 =	vld.idx.msk [tilespmem:v35+s15+$0x0], $0xffff  }
0x1ca: {  	v35 =	vld.idx.msk [tilespmem:v54+s14+$0x0], $0xffff;
	v18 =	vadd.f32 v48, v19;
	v19 =	vmul.f32 v39, v39;
	v17 =	vadd.f32 v51, v17  }
0x1cb: {  	v16 =	vmul.f32 v6, v6;
	v54 =	vld [tilespmem:$0x1F9D0];
	v2 =	vadd.f32 v2, v1  }
0x1cc: {  	v32 =	vld.idx.msk [tilespmem:v26+s14+$0x0], $0xffff;
	v18 =	vadd.f32 v19, v18;
	v19 =	vmul.f32 v40, v40;
	v17 =	vadd.f32 v53, v17  }
0x1cd: {  	v11 =	vmul.f32 v11, v49;
	v57 =	vmul.f32 v7, v7;
	v51 =	vld [tilespmem:$0x1F9C0];
	v2 =	vadd.f32 v10, v2  }
0x1ce: {  	v1 =	vld.idx.msk [tilespmem:v61+s14+$0x0], $0xffff;
	v18 =	vadd.f32 v19, v18;
	v19 =	vmul.f32 v41, v41;
	v16 =	vadd.f32 v16, v17  }
0x1cf: {  	v12 =	vmul.f32 v12, v50;
	v31 =	vld.idx.msk [tilespmem:v27+s14+$0x0], $0xffff;
	v2 =	vadd.f32 v11, v2  }
0x1d0: {  	v10 =	vld.idx.msk [tilespmem:v61+s15+$0x0], $0xffff;
	v17 =	vadd.f32 v19, v18;
	v19 =	vmul.f32 v8, v8;
	v16 =	vadd.f32 v57, v16  }
0x1d1: {  	v13 =	vmul.f32 v13, v52;
	v11 =	vld.idx.msk [tilespmem:v24+s15+$0x0], $0xffff;
	v18 =	vmul.f32 v37, v37  }
0x1d2: {  	v25 =	vmul.f32 v38, v38;
	v24 =	vld.idx.msk [tilespmem:v56+s15+$0x0], $0xffff;
	v2 =	vadd.f32 v12, v2;
	v16 =	vadd.f32 v19, v16  }
0x1d3: {  	v57 =	vld [tilespmem:$0x1F9F0];
	v17 =	vadd.f32 v18, v17;
	v18 =	vmul.f32 v36, v36  }
0x1d4: {  	v12 =	vld.idx.msk [tilespmem:v26+s15+$0x0], $0xffff;
	v19 =	vmul.f32 v9, v9;
	v2 =	vadd.f32 v13, v2;
	v16 =	vadd.f32 v25, v16  }
0x1d5: {  	v29 =	vld.idx.msk [tilespmem:v51+s14+$0x0], $0xffff;
	v17 =	vadd.f32 v18, v17;
	v18 =	vmul.f32 v35, v35  }
0x1d6: {  	v15 =	vmul.f32 v15, v20;
	v13 =	vld.idx.msk [tilespmem:v27+s15+$0x0], $0xffff;
	v16 =	vadd.f32 v19, v16;
	v19 =	vadd.f32 v34, v2  }
0x1d7: {  	v48 =	vmul.f32 v10, v10;
	v27 =	vld.idx.msk [tilespmem:v51+s15+$0x0], $0xffff;
	v17 =	vadd.f32 v18, v17;
	v18 =	vmul.f32 v1, v1  }
0x1d8: {  	v51 =	vld [tilespmem:$0x1FA30];
	v53 =	vmul.f32 v11, v11;
	v15 =	vadd.f32 v15, v19;
	v19 =	vmul.f32 v5, v0  }
0x1d9: {  	v34 =	vld [tilespmem:$0x1FA00];
	v17 =	vadd.f32 v18, v17;
	v18 =	vmul.f32 v33, v33;
	v16 =	vadd.f32 v48, v16  }
0x1da: {  	v4 =	vmul.f32 v4, v3;
	v2 =	vld.idx.msk [tilespmem:v54+s14+$0x0], $0xffff;
	v55 =	vmul.f32 v12, v12;
	v15 =	vadd.f32 v19, v15  }
0x1db: {  	v5 =	vld.idx.msk [tilespmem:v54+s15+$0x0], $0xffff;
	v17 =	vadd.f32 v18, v17;
	v18 =	vmul.f32 v32, v32;
	v16 =	vadd.f32 v53, v16  }
0x1dc: {  	v19 =	vmul.f32 v13, v13;
	v4 =	vadd.f32 v4, v15;
	v15 =	vmul.f32 v47, v44;
	v44 =	vld [tilespmem:$0x1FA10]  }
0x1dd: {  	v48 =	vld [tilespmem:$0x1FA20];
	v17 =	vadd.f32 v18, v17;
	v18 =	vmul.f32 v31, v31;
	v16 =	vadd.f32 v55, v16  }
0x1de: {  	v0 =	vld.idx.msk [tilespmem:v56+s14+$0x0], $0xffff;
	v61 =	vmul.f32 v27, v27  }
0x1df: {  	v3 =	vld.idx.msk [tilespmem:v57+s14+$0x0], $0xffff;
	v17 =	vadd.f32 v18, v17;
	v18 =	vmul.f32 v29, v29;
	v16 =	vadd.f32 v19, v16  }
0x1e0: {  	v26 =	vld.idx.msk [tilespmem:v57+s15+$0x0], $0xffff;
	v4 =	vadd.f32 v15, v4;
	v15 =	vmul.f32 v43, v39  }
0x1e1: {  	v22 =	vld.idx.msk [tilespmem:v34+s14+$0x0], $0xffff;
	v19 =	vmul.f32 v5, v5;
	v17 =	vadd.f32 v18, v17;
	v16 =	vadd.f32 v61, v16  }
0x1e2: {  	v34 =	vld.idx.msk [tilespmem:v34+s15+$0x0], $0xffff;
	v18 =	vmul.f32 v2, v2;
	v4 =	vadd.f32 v15, v4;
	v15 =	vmul.f32 v6, v40  }
0x1e3: {  	v53 =	vmul.f32 v8, v37;
	v8 =	vld.idx.msk [tilespmem:v51+s15+$0x0], $0xffff;
	v47 =	vmul.f32 v24, v24;
	v16 =	vadd.f32 v19, v16  }
0x1e4: {  	v17 =	vadd.f32 v18, v17;
	v18 =	vmul.f32 v0, v0;
	v4 =	vadd.f32 v15, v4;
	v6 =	vld.idx.msk [tilespmem:v44+s15+$0x0], $0xffff  }
0x1e5: {  	v15 =	vmul.f32 v7, v41;
	v19 =	vmul.f32 v26, v26;
	v7 =	vld.idx.msk [tilespmem:v48+s15+$0x0], $0xffff;
	v23 =	vadd.f32 v47, v16  }
0x1e6: {  	v21 =	vld.idx.msk [tilespmem:v44+s14+$0x0], $0xffff;
	v17 =	vadd.f32 v18, v17;
	v18 =	vmul.f32 v3, v3  }
0x1e7: {  	v20 =	vld.idx.msk [tilespmem:v48+s14+$0x0], $0xffff;
	v54 =	vmul.f32 v34, v34;
	v19 =	vadd.f32 v19, v23  }
0x1e8: {  	v48 =	vld [tilespmem:$0x1FA50];
	v17 =	vadd.f32 v18, v17  }
0x1e9: {  	v18 =	vmul.f32 v22, v22;
	v19 =	vadd.f32 v54, v19;
	v57 =	vmul.f32 v6, v6  }
0x1ea: {  	v16 =	vld.idx.msk [tilespmem:v51+s14+$0x0], $0xffff;
	v4 =	vadd.f32 v15, v4;
	v51 =	vmul.f32 v7, v7  }
0x1eb: {  	v18 =	vadd.f32 v18, v17;
	v17 =	vld [tilespmem:$0x1FA40];
	v55 =	vmul.f32 v21, v21;
	v19 =	vadd.f32 v57, v19  }
0x1ec: {  	v56 =	vmul.f32 v38, v36;
	v4 =	vadd.f32 v53, v4  }
0x1ed: {  	v54 =	vmul.f32 v8, v8;
	v23 =	vadd.f32 v55, v18;
	v55 =	vld [tilespmem:$0x1FBA0];
	v19 =	vadd.f32 v51, v19  }
0x1ee: {  	v35 =	vmul.f32 v9, v35;
	v25 =	vadd.f32 v56, v4;
	v4 =	vld.idx.msk [tilespmem:v14+s14+$0x0], $0xffff  }
0x1ef: {  	v19 =	vadd.f32 v54, v19;
	v54 =	vld [tilespmem:$0x1FA60]  }
0x1f0: {  	v10 =	vmul.f32 v10, v1;
	v9 =	vld.idx.msk [tilespmem:v48+s15+$0x0], $0xffff;
	v25 =	vadd.f32 v35, v25  }
0x1f1: {  	v35 =	vld.idx.msk [tilespmem:v14+s15+$0x0], $0xffff  }
0x1f2: {  	v11 =	vmul.f32 v11, v33;
	v18 =	vld.idx.msk [tilespmem:v48+s14+$0x0], $0xffff;
	v25 =	vadd.f32 v10, v25  }
0x1f3: {  	v15 =	vld.idx.msk [tilespmem:v17+s14+$0x0], $0xffff  }
0x1f4: {  	v44 =	vmul.f32 v12, v32;
	v61 =	vmul.f32 v20, v20;
	v11 =	vadd.f32 v11, v25;
	v17 =	vld.idx.msk [tilespmem:v17+s15+$0x0], $0xffff  }
0x1f5: {  	v13 =	vmul.f32 v13, v31;
	v1 =	vld.idx.msk [tilespmem:v55+s14+$0x0], $0xffff  }
0x1f6: {  	v53 =	vmul.f32 v16, v16;
	v23 =	vadd.f32 v61, v23;
	v25 =	vadd.f32 v44, v11;
	v14 =	vld.idx.msk [tilespmem:v55+s15+$0x0], $0xffff  }
0x1f7: {  	v11 =	vld.idx.msk [tilespmem:v54+s14+$0x0], $0xffff  }
0x1f8: {  	v23 =	vadd.f32 v53, v23;
	v55 =	vadd.f32 v13, v25;
	v56 =	vmul.f32 v15, v15;
	v25 =	vld.idx.msk [tilespmem:v54+s15+$0x0], $0xffff  }
0x1f9: {  	v54 =	vld [tilespmem:$0x1FB90]  }
0x1fa: {  	v37 =	vld [tilespmem:$0x1FB60];
	v61 =	vmul.f32 v18, v18;
	v57 =	vmul.f32 v17, v17;
	v23 =	vadd.f32 v56, v23  }
0x1fb: {  	v27 =	vmul.f32 v27, v29;
	v10 =	vld.idx.msk [tilespmem:v30+s14+$0x0], $0xffff;
	v48 =	vmul.f32 v4, v4  }
0x1fc: {  	v12 =	vld.idx.msk [tilespmem:v28+s14+$0x0], $0xffff;
	v47 =	vmul.f32 v9, v9;
	v19 =	vadd.f32 v57, v19;
	v23 =	vadd.f32 v61, v23  }
0x1fd: {  	v5 =	vmul.f32 v5, v2;
	v27 =	vadd.f32 v27, v55;
	v61 =	vld [tilespmem:$0x1FA70]  }
0x1fe: {  	v51 =	vmul.f32 v1, v1;
	v19 =	vadd.f32 v47, v19;
	v47 =	vld [tilespmem:$0x1FBB0];
	v23 =	vadd.f32 v48, v23  }
0x1ff: {  	v0 =	vmul.f32 v24, v0;
	v28 =	vld.idx.msk [tilespmem:v28+s15+$0x0], $0xffff;
	v5 =	vadd.f32 v5, v27  }
0x200: {  	v30 =	vld.idx.msk [tilespmem:v30+s15+$0x0], $0xffff;
	v57 =	vmul.f32 v10, v10;
	v23 =	vadd.f32 v51, v23  }
0x201: {  	v3 =	vmul.f32 v26, v3;
	v0 =	vadd.f32 v0, v5;
	v32 =	vld.idx.msk [tilespmem:v54+s14+$0x0], $0xffff  }
0x202: {  	v53 =	vmul.f32 v35, v35;
	v23 =	vadd.f32 v57, v23;
	v57 =	vld [tilespmem:$0x1FA80]  }
0x203: {  	v0 =	vadd.f32 v3, v0;
	v3 =	vmul.f32 v34, v22;
	v26 =	vld.idx.msk [tilespmem:v54+s15+$0x0], $0xffff  }
0x204: {  	v56 =	vmul.f32 v14, v14;
	v19 =	vadd.f32 v53, v19;
	v54 =	vld [tilespmem:$0x1FB80]  }
0x205: {  	v0 =	vadd.f32 v3, v0;
	v3 =	vmul.f32 v6, v21;
	v13 =	vld.idx.msk [tilespmem:v61+s14+$0x0], $0xffff  }
0x206: {  	v44 =	vmul.f32 v30, v30;
	v48 =	vmul.f32 v12, v12;
	v19 =	vadd.f32 v56, v19;
	v2 =	vld.idx.msk [tilespmem:v47+s14+$0x0], $0xffff  }
0x207: {  	v53 =	vmul.f32 v11, v11;
	v0 =	vadd.f32 v3, v0;
	v3 =	vmul.f32 v7, v20;
	v31 =	vld.idx.msk [tilespmem:v61+s15+$0x0], $0xffff  }
0x208: {  	v51 =	vmul.f32 v28, v28;
	v19 =	vadd.f32 v44, v19;
	v23 =	vadd.f32 v48, v23;
	v48 =	vld [tilespmem:$0x1FB70]  }
0x209: {  	v27 =	vld.idx.msk [tilespmem:v47+s15+$0x0], $0xffff;
	v0 =	vadd.f32 v3, v0;
	v3 =	vmul.f32 v8, v16  }
0x20a: {  	v55 =	vmul.f32 v25, v25;
	v19 =	vadd.f32 v51, v19;
	v23 =	vadd.f32 v53, v23;
	v29 =	vld.idx.msk [tilespmem:v57+s14+$0x0], $0xffff  }
0x20b: {  	v0 =	vadd.f32 v3, v0;
	v3 =	vmul.f32 v17, v15;
	v56 =	vmul.f32 v13, v13;
	v24 =	vld.idx.msk [tilespmem:v57+s15+$0x0], $0xffff  }
0x20c: {  	v5 =	vadd.f32 v55, v19;
	v38 =	vmul.f32 v31, v31;
	v57 =	vld [tilespmem:$0x1FB50]  }
0x20d: {  	v33 =	vld.idx.msk [tilespmem:v37+s14+$0x0], $0xffff;
	v0 =	vadd.f32 v3, v0;
	v61 =	vmul.f32 v2, v2;
	v19 =	vadd.f32 v56, v23  }
0x20e: {  	v21 =	vld.idx.msk [tilespmem:v37+s15+$0x0], $0xffff;
	v3 =	vmul.f32 v9, v18;
	v44 =	vmul.f32 v27, v27;
	v5 =	vadd.f32 v38, v5  }
0x20f: {  	v47 =	vmul.f32 v32, v32;
	v22 =	vld.idx.msk [tilespmem:v54+s14+$0x0], $0xffff;
	v19 =	vadd.f32 v61, v19  }
0x210: {  	v51 =	vmul.f32 v26, v26;
	v0 =	vadd.f32 v3, v0;
	v23 =	vld.idx.msk [tilespmem:v48+s14+$0x0], $0xffff;
	v5 =	vadd.f32 v44, v5  }
0x211: {  	v3 =	vmul.f32 v35, v4;
	v20 =	vld.idx.msk [tilespmem:v48+s15+$0x0], $0xffff;
	v53 =	vadd.f32 v47, v19;
	v19 =	vmul.f32 v29, v29  }
0x212: {  	v1 =	vmul.f32 v14, v1;
	v16 =	vld.idx.msk [tilespmem:v54+s15+$0x0], $0xffff;
	v5 =	vadd.f32 v51, v5;
	v56 =	vmul.f32 v24, v24  }
0x213: {  	v55 =	vmul.f32 v33, v33;
	v54 =	vld [tilespmem:$0x1FB40];
	v0 =	vadd.f32 v3, v0;
	v6 =	vadd.f32 v19, v53  }
0x214: {  	v15 =	vmul.f32 v21, v21;
	v48 =	vmul.f32 v30, v10;
	v5 =	vadd.f32 v56, v5;
	v19 =	vld.idx.msk [tilespmem:v57+s14+$0x0], $0xffff  }
0x215: {  	v0 =	vadd.f32 v1, v0;
	v61 =	vmul.f32 v23, v23;
	v8 =	vld.idx.msk [tilespmem:v57+s15+$0x0], $0xffff;
	v6 =	vadd.f32 v55, v6  }
0x216: {  	v3 =	vld [tilespmem:$0x1FB30];
	v36 =	vmul.f32 v22, v22;
	v34 =	vmul.f32 v20, v20;
	v5 =	vadd.f32 v15, v5  }
0x217: {  	v51 =	vld [tilespmem:$0x1FB20];
	v0 =	vadd.f32 v48, v0;
	v56 =	vmul.f32 v28, v12;
	v6 =	vadd.f32 v61, v6  }
0x218: {  	v37 =	vmul.f32 v16, v16;
	v53 =	vld [tilespmem:$0x1FAA0];
	v5 =	vadd.f32 v34, v5  }
0x219: {  	v30 =	vmul.f32 v25, v11;
	v0 =	vadd.f32 v56, v0;
	v6 =	vadd.f32 v36, v6  }
0x21a: {  	v38 =	vmul.f32 v19, v19;
	v4 =	vadd.f32 v37, v5;
	v47 =	vmul.f32 v8, v8  }
0x21b: {  	v3 =	vand.u32 $0x78, v3;
	v0 =	vadd.f32 v30, v0;
	v36 =	vmul.f32 v31, v13  }
0x21c: {  	v3 =	vor.u32 v3, v51;
	v44 =	vadd.f32 v38, v6;
	v1 =	vadd.f32 v47, v4  }
0x21d: {  	v2 =	vmul.f32 v27, v2;
	v9 =	vadd.f32 v54, v53;
	v0 =	vadd.f32 v36, v0  }
0x21e: {  	v47 =	vmul.f32 v24, v29;
	v55 =	vmax.f32 v44, $1.000000020e-24;
	v1 =	vmax.f32 v1, $1.000000020e-24  }
0x21f: {  	v44 =	vmul.f32 v26, v32;
	v0 =	vadd.f32 v2, v0;
	v57 =	vshra.s32 v55, $0x1  }
0x220: {  	v4 =	vmul.f32 $5.000000000e-01, v55;
	v28 =	vshra.s32 v1, $0x1;
	v1 =	vmul.f32 $5.000000000e-01, v1  }
0x221: {  	[tilespmem:$0x1FAA0] =	vst v9;
	v37 =	vld.idx.msk [tilespmem:v3+s2+$0x0], $0xffff;
	v6 =	vsub.s32 $0x5F3759DF, v57;
	v9 =	vsub.s32 $0x5F3759DF, v28;
	v0 =	vadd.f32 v44, v0  }
0x222: {  	v12 =	vld.idx.msk [tilespmem:v3+s11+$0x0], $0xffff;
	v61 =	vmul.f32 v6, v4;
	v35 =	vmul.f32 v9, v1  }
0x223: {  	v51 =	vmul.f32 v21, v33;
	v0 =	vadd.f32 v47, v0  }
0x224: {  	v40 =	vimm.f32 $0.0e+00;
	v34 =	vmul.f32 v6, v61;
	v7 =	vmul.f32 v9, v35  }
0x225: {  	v53 =	vmul.f32 v20, v23;
	v55 =	vmul.f32 v16, v22;
	v0 =	vadd.f32 v51, v0  }
0x226: {  	v3 =	vld.idx.msk [tilespmem:v3+s12+$0x0], $0xffff;
	vm1 =	vlt.s32 v37, $0x186A0;
	v5 =	vsub.f32 $1.500000000e+00, v34;
	v38 =	vsub.f32 $1.500000000e+00, v7  }
0x227: {  	vm2 =	vlt.s32 v12, $0x186A0;
	vm3 =	vne.s32 v37, v12;
	v0 =	vadd.f32 v53, v0  }
0x228: {  	vm1 =	vmand vm1, vm2;
	v5 =	vmul.f32 v6, v5;
	v6 =	vmul.f32 v9, v38  }
0x229: {  	v56 =	vmul.f32 v8, v19;
	vm1 =	vmand vm1, vm3;
	v0 =	vadd.f32 v55, v0  }
0x22a: {  	v57 =	vsel vm1, $0x3F800000, v40;
	v2 =	vmul.f32 v5, v4;
	v48 =	vmul.f32 v6, v1  }
0x22b: {  	v3 =	vmul.f32 v57, v3;
	v0 =	vadd.f32 v56, v0  }
0x22c: {  	v2 =	vmul.f32 v2, v5;
	v7 =	vmul.f32 v48, v6  }
0x22d: {  	v0 =	vmul.f32 v3, v0;
	v3 =	vld [tilespmem:$0x1FD90]  }
0x22e: {  	v2 =	vsub.f32 $1.500000000e+00, v2;
	v54 =	vsub.f32 $1.500000000e+00, v7  }
0x22f: {  	v39 =	vlaneseq.u32  }
0x230: {  	v13 =	vor.u32 s22, v39;
	v2 =	vmul.f32 v2, v5;
	v5 =	vmul.f32 v54, v6  }
0x231: {  	v14 =	vshll.u32 v13, $0x6  }
0x232: {  	v1 =	vmul.f32 v5, v1;
	v3 =	vor.u32 v3, v14  }
0x233: {  	[tilespmem:$0x1FB60] =	vst v3;
	v3 =	vld [tilespmem:$0x1FDA0]  }
0x234: {  	v1 =	vmul.f32 v1, v5;
	_ =	sdelay $0x1  }
0x235: {  	v1 =	vsub.f32 $1.500000000e+00, v1;
	_ =	sdelay $0x1  }
0x236: {  	v3 =	vor.u32 v3, v14;
	v15 =	vmul.f32 v1, v5;
	v1 =	vld [tilespmem:$0x1FD30]  }
0x237: {  	[tilespmem:$0x1FB70] =	vst v3;
	v3 =	vld [tilespmem:$0x1FDB0];
	_ =	sdelay $0x1  }
0x238: {  	v52 =	vld [tilespmem:$0x1FF40]  }
0x239: {  	v49 =	vld [tilespmem:$0x1FF20]  }
0x23a: {  	v61 =	vld [tilespmem:$0x1FDC0];
	v4 =	vmul.f32 v2, v4;
	v1 =	vor.u32 v1, v14  }
0x23b: {  	v3 =	vor.u32 v3, v14;
	[tilespmem:$0x1FBA0] =	vst v1;
	v1 =	vld [tilespmem:$0x1FD60]  }
0x23c: {  	v4 =	vmul.f32 v4, v2;
	[tilespmem:$0x1FB80] =	vst v3;
	v3 =	vld [tilespmem:$0x1FD70]  }
0x23d: {  	p0 =	sne.s32 s22, $0x70;
	v50 =	vld [tilespmem:$0x1FF30]  }
.Ltmp0:
0x23e: {  	v42 =	vld [tilespmem:$0x1FEE0];
	[tilespmem:$0x1FB30] =	vst v13;
	v4 =	vsub.f32 $1.500000000e+00, v4;
	(pc) =	sbr.rel @p0 .LBB2_3-.Ltmp0, $4  }
0x23f: {  	v46 =	vld [tilespmem:$0x1FF10];
	[tilespmem:$0x1FB40] =	vst v57;
	v6 =	vor.u32 v61, v14  }
0x240: {  	v45 =	vld [tilespmem:$0x1FF00];
	[tilespmem:$0x1FB50] =	vst v6;
	v2 =	vmul.f32 v4, v2;
	v1 =	vor.u32 v1, v14  }
0x241: {  	v43 =	vld [tilespmem:$0x1FEF0];
	v3 =	vor.u32 v3, v14;
	[tilespmem:$0x1FBB0] =	vst v1  }
0x242: {  	v41 =	vld [tilespmem:$0x1FED0];
	s22 =	sadd.s32 $0x10, s22;
	v16 =	vmul.f32 v2, v0;
	v0 =	vor.u32 v39, v14;
	[tilespmem:$0x1FB90] =	vst v3  }
0x243: {  	_ =	sdelay $0x3  }
0x244: {  	v3 =	vld.idx.msk [tilespmem:v0+s15+$0x0], $0xffff  }
0x245: {  	v0 =	vld.idx.msk [tilespmem:v0+s14+$0x0], $0xffff  }
0x246: {  	v30 =	vld [tilespmem:$0x1FF50]  }
0x247: {  	v47 =	vld [tilespmem:$0x1FF60]  }
0x248: {  	v2 =	vor.u32 v42, v14;
	v48 =	vld [tilespmem:$0x1FF70]  }
0x249: {  	v51 =	vld [tilespmem:$0x1FF80]  }
0x24a: {  	v53 =	vld [tilespmem:$0x1FF90];
	v1 =	vor.u32 v41, v14  }
0x24b: {  	v54 =	vld [tilespmem:$0x1FFA0]  }
0x24c: {  	v55 =	vld [tilespmem:$0x1FFB0];
	v8 =	vor.u32 v46, v14  }
0x24d: {  	v7 =	vld.idx.msk [tilespmem:v2+s14+$0x0], $0xffff  }
0x24e: {  	v6 =	vor.u32 v45, v14;
	v2 =	vld.idx.msk [tilespmem:v2+s15+$0x0], $0xffff  }
0x24f: {  	v5 =	vld.idx.msk [tilespmem:v1+s14+$0x0], $0xffff  }
0x250: {  	v4 =	vor.u32 v43, v14;
	v1 =	vld.idx.msk [tilespmem:v1+s15+$0x0], $0xffff  }
0x251: {  	v20 =	vld.idx.msk [tilespmem:v8+s14+$0x0], $0xffff  }
0x252: {  	v28 =	vor.u32 v63, v14;
	v8 =	vld.idx.msk [tilespmem:v8+s15+$0x0], $0xffff  }
0x253: {  	v13 =	vld.idx.msk [tilespmem:v6+s14+$0x0], $0xffff  }
0x254: {  	v10 =	vor.u32 v49, v14;
	v11 =	vmul.f32 v0, v0;
	v17 =	vmul.f32 v3, v3;
	v6 =	vld.idx.msk [tilespmem:v6+s15+$0x0], $0xffff  }
0x255: {  	v9 =	vld.idx.msk [tilespmem:v4+s14+$0x0], $0xffff;
	v12 =	vmul.f32 v5, v5;
	v32 =	vmul.f32 v1, v1  }
0x256: {  	v18 =	vor.u32 v50, v14;
	v0 =	vmul.f32 v3, v0;
	v4 =	vld.idx.msk [tilespmem:v4+s15+$0x0], $0xffff  }
0x257: {  	v19 =	vmul.f32 v7, v7;
	v11 =	vadd.f32 v12, v11;
	v12 =	vadd.f32 v32, v17;
	v32 =	vld.idx.msk [tilespmem:v28+s14+$0x0], $0xffff  }
0x258: {  	v22 =	vor.u32 v52, v14;
	v0 =	vadd.f32 $0.0e+00, v0;
	v1 =	vmul.f32 v1, v5;
	v28 =	vld.idx.msk [tilespmem:v28+s15+$0x0], $0xffff  }
0x259: {  	v24 =	vor.u32 v60, v14;
	v21 =	vmul.f32 v2, v2;
	v11 =	vadd.f32 v19, v11;
	v19 =	vld.idx.msk [tilespmem:v10+s14+$0x0], $0xffff  }
0x25a: {  	v0 =	vadd.f32 v1, v0;
	v1 =	vmul.f32 v2, v7;
	v2 =	vor.u32 v55, v14;
	v10 =	vld.idx.msk [tilespmem:v10+s15+$0x0], $0xffff  }
0x25b: {  	v26 =	vor.u32 v62, v14;
	v23 =	vmul.f32 v4, v4;
	v12 =	vadd.f32 v21, v12;
	v21 =	vld.idx.msk [tilespmem:v18+s14+$0x0], $0xffff  }
0x25c: {  	v30 =	vor.u32 v30, v14;
	v44 =	vor.u32 v47, v14;
	v33 =	vmul.f32 v9, v9;
	v18 =	vld.idx.msk [tilespmem:v18+s15+$0x0], $0xffff  }
0x25d: {  	v4 =	vmul.f32 v4, v9;
	v0 =	vadd.f32 v1, v0;
	v12 =	vadd.f32 v23, v12;
	v23 =	vld.idx.msk [tilespmem:v22+s14+$0x0], $0xffff  }
0x25e: {  	v34 =	vmul.f32 v13, v13;
	v25 =	vmul.f32 v6, v6;
	v11 =	vadd.f32 v33, v11;
	v22 =	vld.idx.msk [tilespmem:v22+s15+$0x0], $0xffff  }
0x25f: {  	v35 =	vmul.f32 v20, v20;
	v6 =	vmul.f32 v6, v13;
	v0 =	vadd.f32 v4, v0;
	v13 =	vld.idx.msk [tilespmem:v2+s14+$0x0], $0xffff  }
0x260: {  	v27 =	vmul.f32 v8, v8;
	v2 =	vld.idx.msk [tilespmem:v2+s15+$0x0], $0xffff;
	v11 =	vadd.f32 v34, v11;
	v12 =	vadd.f32 v25, v12  }
0x261: {  	v25 =	vld.idx.msk [tilespmem:v24+s14+$0x0], $0xffff;
	v0 =	vadd.f32 v6, v0;
	v6 =	vmul.f32 v8, v20;
	v36 =	vmul.f32 v19, v19  }
0x262: {  	v24 =	vld.idx.msk [tilespmem:v24+s15+$0x0], $0xffff;
	v29 =	vmul.f32 v10, v10;
	v11 =	vadd.f32 v35, v11;
	v12 =	vadd.f32 v27, v12  }
0x263: {  	v34 =	vld.idx.msk [tilespmem:v30+s14+$0x0], $0xffff;
	v37 =	vmul.f32 v21, v21;
	v10 =	vmul.f32 v10, v19;
	v0 =	vadd.f32 v6, v0  }
0x264: {  	v30 =	vld.idx.msk [tilespmem:v30+s15+$0x0], $0xffff;
	v31 =	vmul.f32 v18, v18;
	v11 =	vadd.f32 v36, v11;
	v12 =	vadd.f32 v29, v12  }
0x265: {  	v18 =	vmul.f32 v18, v21;
	v27 =	vld.idx.msk [tilespmem:v26+s14+$0x0], $0xffff;
	v0 =	vadd.f32 v10, v0  }
0x266: {  	v26 =	vld.idx.msk [tilespmem:v26+s15+$0x0], $0xffff;
	v38 =	vmul.f32 v23, v23;
	v11 =	vadd.f32 v37, v11;
	v12 =	vadd.f32 v31, v12  }
0x267: {  	v29 =	vld.idx.msk [tilespmem:v44+s15+$0x0], $0xffff;
	v31 =	vor.u32 v48, v14;
	v0 =	vadd.f32 v18, v0;
	v18 =	vmul.f32 v22, v23  }
0x268: {  	v33 =	vmul.f32 v22, v22;
	v56 =	vmul.f32 v25, v25;
	v37 =	vld.idx.msk [tilespmem:v44+s14+$0x0], $0xffff;
	v11 =	vadd.f32 v38, v11  }
0x269: {  	v35 =	vmul.f32 v24, v24;
	v24 =	vmul.f32 v24, v25;
	v0 =	vadd.f32 v18, v0;
	v18 =	vld [tilespmem:$0x1FBD0]  }
0x26a: {  	v12 =	vadd.f32 v33, v12;
	v33 =	vor.u32 v51, v14;
	v11 =	vadd.f32 v56, v11;
	v56 =	vld [tilespmem:$0x1FFC0]  }
0x26b: {  	v0 =	vadd.f32 v24, v0;
	v24 =	vld [tilespmem:$0x1FBE0]  }
0x26c: {  	v36 =	vmul.f32 v26, v26;
	v26 =	vmul.f32 v26, v27;
	v38 =	vld.idx.msk [tilespmem:v31+s14+$0x0], $0xffff  }
0x26d: {  	v61 =	vmul.f32 v32, v32;
	v12 =	vadd.f32 v35, v12;
	v35 =	vor.u32 v53, v14;
	v31 =	vld.idx.msk [tilespmem:v31+s15+$0x0], $0xffff  }
0x26e: {  	v57 =	vmul.f32 v27, v27;
	v0 =	vadd.f32 v26, v0;
	v26 =	vmul.f32 v28, v32;
	v32 =	vld [tilespmem:$0x1FBF0]  }
0x26f: {  	v5 =	vld.idx.msk [tilespmem:v33+s14+$0x0], $0xffff  }
0x270: {  	v3 =	vmul.f32 v28, v28;
	v11 =	vadd.f32 v57, v11;
	v12 =	vadd.f32 v36, v12;
	v7 =	vld.idx.msk [tilespmem:v33+s15+$0x0], $0xffff  }
0x271: {  	v44 =	vmul.f32 v34, v34;
	v36 =	vor.u32 v54, v14;
	v0 =	vadd.f32 v26, v0;
	v26 =	vld [tilespmem:$0x1FC00]  }
0x272: {  	v57 =	vmul.f32 v30, v30;
	v11 =	vadd.f32 v61, v11;
	v3 =	vadd.f32 v3, v12;
	v12 =	vld.idx.msk [tilespmem:v35+s14+$0x0], $0xffff  }
0x273: {  	v30 =	vmul.f32 v30, v34;
	v61 =	vmul.f32 v37, v37;
	v35 =	vld.idx.msk [tilespmem:v35+s15+$0x0], $0xffff  }
0x274: {  	v11 =	vadd.f32 v44, v11;
	v44 =	vmul.f32 v29, v29;
	v3 =	vadd.f32 v57, v3;
	v57 =	vld [tilespmem:$0x1FFD0]  }
0x275: {  	v1 =	vor.u32 v56, v14;
	v0 =	vadd.f32 v30, v0;
	v30 =	vld [tilespmem:$0x1FC10];
	v29 =	vmul.f32 v29, v37  }
0x276: {  	v9 =	vld.idx.msk [tilespmem:v36+s14+$0x0], $0xffff;
	v11 =	vadd.f32 v61, v11;
	v61 =	vmul.f32 v38, v38;
	v3 =	vadd.f32 v44, v3  }
0x277: {  	v36 =	vld.idx.msk [tilespmem:v36+s15+$0x0], $0xffff;
	v44 =	vmul.f32 v31, v31;
	v0 =	vadd.f32 v29, v0;
	v29 =	vmul.f32 v31, v38  }
0x278: {  	v28 =	vor.u32 v32, v14;
	v38 =	vld [tilespmem:$0x1FC20];
	v11 =	vadd.f32 v61, v11;
	v61 =	vmul.f32 v5, v5  }
0x279: {  	v33 =	vmul.f32 v7, v7;
	v3 =	vadd.f32 v44, v3;
	v0 =	vadd.f32 v29, v0;
	v29 =	vld [tilespmem:$0x1FC30]  }
0x27a: {  	v11 =	vadd.f32 v61, v11;
	v61 =	vld [tilespmem:$0x1FFE0]  }
0x27b: {  	v3 =	vadd.f32 v33, v3;
	v33 =	vld.idx.msk [tilespmem:v1+s14+$0x0], $0xffff  }
0x27c: {  	v4 =	vor.u32 v57, v14;
	v1 =	vld.idx.msk [tilespmem:v1+s15+$0x0], $0xffff  }
0x27d: {  	v44 =	vmul.f32 v12, v12;
	v5 =	vmul.f32 v7, v5;
	v37 =	vld.idx.msk [tilespmem:v28+s14+$0x0], $0xffff  }
0x27e: {  	v20 =	vmul.f32 v35, v35;
	v30 =	vor.u32 v30, v14;
	v28 =	vld.idx.msk [tilespmem:v28+s15+$0x0], $0xffff  }
0x27f: {  	v0 =	vadd.f32 v5, v0;
	v5 =	vld [tilespmem:$0x1FC40];
	v11 =	vadd.f32 v44, v11;
	v44 =	vmul.f32 v9, v9  }
0x280: {  	v3 =	vadd.f32 v20, v3;
	v20 =	vmul.f32 v36, v36;
	v9 =	vmul.f32 v36, v9;
	v36 =	vld [tilespmem:$0x1FC50]  }
0x281: {  	v12 =	vmul.f32 v35, v12;
	v19 =	vld.idx.msk [tilespmem:v4+s14+$0x0], $0xffff  }
0x282: {  	v6 =	vor.u32 v59, v14;
	v4 =	vld.idx.msk [tilespmem:v4+s15+$0x0], $0xffff  }
0x283: {  	v0 =	vadd.f32 v12, v0;
	v7 =	vld.idx.msk [tilespmem:v30+s14+$0x0], $0xffff  }
0x284: {  	v31 =	vor.u32 v38, v14;
	v11 =	vadd.f32 v44, v11;
	v44 =	vmul.f32 v13, v13;
	v30 =	vld.idx.msk [tilespmem:v30+s15+$0x0], $0xffff  }
0x285: {  	v3 =	vadd.f32 v20, v3;
	v20 =	vmul.f32 v2, v2;
	v0 =	vadd.f32 v9, v0;
	v9 =	vld [tilespmem:$0x1FC60]  }
0x286: {  	v11 =	vadd.f32 v44, v11;
	v44 =	vld [tilespmem:$0x1FFF0]  }
0x287: {  	v10 =	vor.u32 v58, v14;
	v3 =	vadd.f32 v20, v3;
	v20 =	vld.idx.msk [tilespmem:v6+s14+$0x0], $0xffff  }
0x288: {  	v6 =	vld.idx.msk [tilespmem:v6+s15+$0x0], $0xffff  }
0x289: {  	v2 =	vmul.f32 v2, v13;
	v35 =	vld.idx.msk [tilespmem:v31+s14+$0x0], $0xffff  }
0x28a: {  	v8 =	vor.u32 v61, v14;
	v23 =	vmul.f32 v1, v1;
	v31 =	vld.idx.msk [tilespmem:v31+s15+$0x0], $0xffff  }
0x28b: {  	v17 =	vmul.f32 v33, v33;
	v0 =	vadd.f32 v2, v0;
	v2 =	vld [tilespmem:$0x1FC70]  }
0x28c: {  	v5 =	vor.u32 v5, v14;
	v1 =	vmul.f32 v1, v33;
	v3 =	vadd.f32 v23, v3;
	v23 =	vld.idx.msk [tilespmem:v10+s14+$0x0], $0xffff  }
0x28d: {  	v11 =	vadd.f32 v17, v11;
	v10 =	vld.idx.msk [tilespmem:v10+s15+$0x0], $0xffff  }
0x28e: {  	v0 =	vadd.f32 v1, v0;
	v17 =	vmul.f32 v19, v19;
	v1 =	vmul.f32 v4, v19;
	v19 =	vld [tilespmem:$0x1FC80]  }
0x28f: {  	v12 =	vor.u32 v36, v14;
	v21 =	vld.idx.msk [tilespmem:v8+s14+$0x0], $0xffff  }
0x290: {  	v8 =	vld.idx.msk [tilespmem:v8+s15+$0x0], $0xffff  }
0x291: {  	v13 =	vld.idx.msk [tilespmem:v5+s14+$0x0], $0xffff;
	v22 =	vor.u32 v44, v14  }
0x292: {  	v5 =	vld.idx.msk [tilespmem:v5+s15+$0x0], $0xffff  }
0x293: {  	v18 =	vor.u32 v18, v14;
	v0 =	vadd.f32 v1, v0;
	v1 =	vld [tilespmem:$0x1FC90]  }
0x294: {  	v25 =	vmul.f32 v4, v4;
	v33 =	vld.idx.msk [tilespmem:v12+s14+$0x0], $0xffff  }
0x295: {  	v12 =	vld.idx.msk [tilespmem:v12+s15+$0x0], $0xffff  }
0x296: {  	v24 =	vor.u32 v24, v14;
	v3 =	vadd.f32 v25, v3;
	v25 =	vmul.f32 v8, v8;
	v27 =	vld.idx.msk [tilespmem:v22+s14+$0x0], $0xffff  }
0x297: {  	v11 =	vadd.f32 v17, v11;
	v17 =	vmul.f32 v21, v21;
	v22 =	vld.idx.msk [tilespmem:v22+s15+$0x0], $0xffff  }
0x298: {  	v32 =	vmul.f32 v6, v6;
	v8 =	vmul.f32 v8, v21;
	v3 =	vadd.f32 v25, v3;
	v25 =	vld.idx.msk [tilespmem:v18+s14+$0x0], $0xffff  }
0x299: {  	v4 =	vor.u32 v19, v14;
	v11 =	vadd.f32 v17, v11;
	v17 =	vmul.f32 v20, v20;
	v18 =	vld.idx.msk [tilespmem:v18+s15+$0x0], $0xffff  }
0x29a: {  	v26 =	vor.u32 v26, v14;
	v6 =	vmul.f32 v6, v20;
	v0 =	vadd.f32 v8, v0;
	v8 =	vld [tilespmem:$0x1FE20]  }
0x29b: {  	v11 =	vadd.f32 v17, v11;
	v17 =	vmul.f32 v23, v23;
	v3 =	vadd.f32 v32, v3;
	v32 =	vld.idx.msk [tilespmem:v24+s14+$0x0], $0xffff  }
0x29c: {  	v34 =	vmul.f32 v10, v10;
	v24 =	vld.idx.msk [tilespmem:v24+s15+$0x0], $0xffff;
	v0 =	vadd.f32 v6, v0;
	v6 =	vmul.f32 v10, v23  }
0x29d: {  	v29 =	vor.u32 v29, v14;
	v23 =	vld [tilespmem:$0x1FE30];
	v11 =	vadd.f32 v17, v11;
	v17 =	vmul.f32 v27, v27  }
0x29e: {  	v20 =	vld.idx.msk [tilespmem:v4+s14+$0x0], $0xffff;
	v3 =	vadd.f32 v34, v3;
	v34 =	vmul.f32 v22, v22;
	v0 =	vadd.f32 v6, v0  }
0x29f: {  	v4 =	vld.idx.msk [tilespmem:v4+s15+$0x0], $0xffff;
	v22 =	vmul.f32 v22, v27;
	v11 =	vadd.f32 v17, v11;
	v17 =	vmul.f32 v25, v25  }
0x2a0: {  	v6 =	vld [tilespmem:$0x1FE40];
	v38 =	vmul.f32 v18, v18;
	v18 =	vmul.f32 v18, v25;
	v3 =	vadd.f32 v34, v3  }
0x2a1: {  	v34 =	vld.idx.msk [tilespmem:v26+s14+$0x0], $0xffff;
	v0 =	vadd.f32 v22, v0;
	v11 =	vadd.f32 v17, v11;
	v17 =	vmul.f32 v32, v32  }
0x2a2: {  	v26 =	vld.idx.msk [tilespmem:v26+s15+$0x0], $0xffff;
	v10 =	vor.u32 v23, v14;
	v3 =	vadd.f32 v38, v3;
	v38 =	vmul.f32 v24, v24  }
0x2a3: {  	v22 =	vld [tilespmem:$0x1FE50];
	v0 =	vadd.f32 v18, v0;
	v18 =	vmul.f32 v24, v32;
	v11 =	vadd.f32 v17, v11  }
0x2a4: {  	v32 =	vld [tilespmem:$0x1FE60];
	v17 =	vmul.f32 v37, v37;
	v3 =	vadd.f32 v38, v3;
	v38 =	vmul.f32 v28, v28  }
0x2a5: {  	v9 =	vor.u32 v9, v14;
	v0 =	vadd.f32 v18, v0;
	v18 =	vld [tilespmem:$0x1FE70];
	v28 =	vmul.f32 v28, v37  }
0x2a6: {  	v11 =	vadd.f32 v17, v11;
	v17 =	vmul.f32 v34, v34;
	v3 =	vadd.f32 v38, v3;
	v38 =	vld.idx.msk [tilespmem:v29+s14+$0x0], $0xffff  }
0x2a7: {  	v2 =	vor.u32 v2, v14;
	v36 =	vmul.f32 v26, v26;
	v26 =	vmul.f32 v26, v34;
	v29 =	vld.idx.msk [tilespmem:v29+s15+$0x0], $0xffff  }
0x2a8: {  	v25 =	vld.idx.msk [tilespmem:v10+s14+$0x0], $0xffff;
	v0 =	vadd.f32 v28, v0;
	v11 =	vadd.f32 v17, v11;
	v17 =	vmul.f32 v7, v7  }
0x2a9: {  	v10 =	vld.idx.msk [tilespmem:v10+s15+$0x0], $0xffff;
	v24 =	vor.u32 v32, v14;
	v3 =	vadd.f32 v36, v3;
	v36 =	vmul.f32 v30, v30  }
0x2aa: {  	v28 =	vld [tilespmem:$0x1FE80];
	v0 =	vadd.f32 v26, v0;
	v7 =	vmul.f32 v30, v7;
	v11 =	vadd.f32 v17, v11  }
0x2ab: {  	v30 =	vld [tilespmem:$0x1FE90];
	v17 =	vmul.f32 v35, v35;
	v3 =	vadd.f32 v36, v3;
	v36 =	vmul.f32 v31, v31  }
0x2ac: {  	v0 =	vadd.f32 v7, v0;
	v7 =	vld [tilespmem:$0x1FEA0]  }
0x2ad: {  	v11 =	vadd.f32 v17, v11;
	v17 =	vmul.f32 v38, v38;
	v3 =	vadd.f32 v36, v3;
	v36 =	vld.idx.msk [tilespmem:v9+s14+$0x0], $0xffff  }
0x2ae: {  	v19 =	vmul.f32 v29, v29;
	v9 =	vld.idx.msk [tilespmem:v9+s15+$0x0], $0xffff  }
0x2af: {  	v1 =	vor.u32 v1, v14;
	v34 =	vld.idx.msk [tilespmem:v24+s14+$0x0], $0xffff;
	v11 =	vadd.f32 v17, v11;
	v17 =	vmul.f32 v13, v13  }
0x2b0: {  	v21 =	vmul.f32 v5, v5;
	v8 =	vor.u32 v8, v14;
	v3 =	vadd.f32 v19, v3;
	v19 =	vld.idx.msk [tilespmem:v2+s14+$0x0], $0xffff  }
0x2b1: {  	v31 =	vmul.f32 v31, v35;
	v2 =	vld.idx.msk [tilespmem:v2+s15+$0x0], $0xffff;
	v11 =	vadd.f32 v17, v11;
	v17 =	vmul.f32 v33, v33  }
0x2b2: {  	v5 =	vmul.f32 v5, v13;
	v24 =	vld.idx.msk [tilespmem:v24+s15+$0x0], $0xffff;
	v3 =	vadd.f32 v21, v3;
	v21 =	vmul.f32 v12, v12  }
0x2b3: {  	v0 =	vadd.f32 v31, v0;
	v31 =	vld [tilespmem:$0x1FEB0];
	v11 =	vadd.f32 v17, v11;
	v17 =	vmul.f32 v36, v36  }
0x2b4: {  	v6 =	vor.u32 v6, v14;
	v23 =	vmul.f32 v9, v9;
	v3 =	vadd.f32 v21, v3;
	v21 =	vld.idx.msk [tilespmem:v1+s14+$0x0], $0xffff  }
0x2b5: {  	v22 =	vor.u32 v22, v14;
	v1 =	vld.idx.msk [tilespmem:v1+s15+$0x0], $0xffff;
	v11 =	vadd.f32 v17, v11;
	v17 =	vmul.f32 v19, v19  }
0x2b6: {  	v29 =	vmul.f32 v29, v38;
	v27 =	vmul.f32 v2, v2;
	v3 =	vadd.f32 v23, v3;
	v23 =	vld.idx.msk [tilespmem:v8+s14+$0x0], $0xffff  }
0x2b7: {  	v18 =	vor.u32 v18, v14;
	v8 =	vld.idx.msk [tilespmem:v8+s15+$0x0], $0xffff;
	v11 =	vadd.f32 v17, v11;
	v17 =	vmul.f32 v20, v20  }
0x2b8: {  	v0 =	vadd.f32 v29, v0;
	v29 =	vld [tilespmem:$0x1FEC0];
	v3 =	vadd.f32 v27, v3;
	v27 =	vmul.f32 v4, v4  }
0x2b9: {  	v9 =	vmul.f32 v9, v36;
	v36 =	vld [tilespmem:$0x1FCF0];
	v11 =	vadd.f32 v17, v11;
	v17 =	vmul.f32 v21, v21  }
0x2ba: {  	v28 =	vor.u32 v28, v14;
	v32 =	vmul.f32 v1, v1;
	v3 =	vadd.f32 v27, v3;
	v27 =	vld.idx.msk [tilespmem:v6+s14+$0x0], $0xffff  }
0x2bb: {  	v0 =	vadd.f32 v5, v0;
	v6 =	vld.idx.msk [tilespmem:v6+s15+$0x0], $0xffff;
	v11 =	vadd.f32 v17, v11;
	v17 =	vmul.f32 v23, v23  }
0x2bc: {  	v12 =	vmul.f32 v12, v33;
	v37 =	vmul.f32 v8, v8;
	v3 =	vadd.f32 v32, v3;
	v32 =	vld.idx.msk [tilespmem:v22+s14+$0x0], $0xffff  }
0x2bd: {  	v26 =	vor.u32 v30, v14;
	v22 =	vld.idx.msk [tilespmem:v22+s15+$0x0], $0xffff;
	v11 =	vadd.f32 v17, v11;
	v17 =	vmul.f32 v25, v25  }
0x2be: {  	v5 =	vld [tilespmem:$0x1FCE0];
	v0 =	vadd.f32 v12, v0;
	v3 =	vadd.f32 v37, v3;
	v37 =	vmul.f32 v10, v10  }
0x2bf: {  	v12 =	vor.u32 v36, v14;
	v36 =	vld [tilespmem:$0x1FAB0];
	v11 =	vadd.f32 v17, v11;
	v17 =	vmul.f32 v27, v27  }
0x2c0: {  	v7 =	vor.u32 v7, v14;
	v30 =	vmul.f32 v6, v6;
	v3 =	vadd.f32 v37, v3;
	v37 =	vld.idx.msk [tilespmem:v18+s14+$0x0], $0xffff  }
0x2c1: {  	v31 =	vor.u32 v31, v14;
	v18 =	vld.idx.msk [tilespmem:v18+s15+$0x0], $0xffff;
	v11 =	vadd.f32 v17, v11;
	v17 =	vmul.f32 v32, v32  }
0x2c2: {  	v13 =	vor.u32 v29, v14;
	v35 =	vmul.f32 v22, v22;
	v3 =	vadd.f32 v30, v3;
	v30 =	vld.idx.msk [tilespmem:v28+s14+$0x0], $0xffff  }
0x2c3: {  	v2 =	vmul.f32 v2, v19;
	v28 =	vld.idx.msk [tilespmem:v28+s15+$0x0], $0xffff;
	v11 =	vadd.f32 v17, v11;
	v17 =	vmul.f32 v34, v34  }
0x2c4: {  	v38 =	vld.idx.msk [tilespmem:v26+s14+$0x0], $0xffff;
	v0 =	vadd.f32 v9, v0;
	v5 =	vor.u32 v5, v14;
	v3 =	vadd.f32 v35, v3  }
0x2c5: {  	v26 =	vld.idx.msk [tilespmem:v26+s15+$0x0], $0xffff;
	v35 =	vmul.f32 v24, v24;
	v11 =	vadd.f32 v17, v11;
	v17 =	vmul.f32 v37, v37  }
0x2c6: {  	v0 =	vadd.f32 v2, v0;
	v1 =	vmul.f32 v1, v21;
	v21 =	vld [tilespmem:$0x1FAC0];
	v29 =	vmul.f32 v18, v18  }
0x2c7: {  	v3 =	vadd.f32 v35, v3;
	v35 =	vld.idx.msk [tilespmem:v7+s14+$0x0], $0xffff;
	v11 =	vadd.f32 v17, v11;
	v17 =	vmul.f32 v30, v30  }
0x2c8: {  	v4 =	vmul.f32 v4, v20;
	v36 =	vor.u32 v36, v14;
	v7 =	vld.idx.msk [tilespmem:v7+s15+$0x0], $0xffff;
	v33 =	vmul.f32 v28, v28  }
0x2c9: {  	v3 =	vadd.f32 v29, v3;
	v29 =	vld.idx.msk [tilespmem:v31+s14+$0x0], $0xffff;
	v11 =	vadd.f32 v17, v11;
	v17 =	vmul.f32 v38, v38  }
0x2ca: {  	v0 =	vadd.f32 v4, v0;
	v31 =	vld.idx.msk [tilespmem:v31+s15+$0x0], $0xffff  }
0x2cb: {  	v3 =	vadd.f32 v33, v3;
	v11 =	vadd.f32 v17, v11;
	v17 =	vmul.f32 v26, v26  }
0x2cc: {  	v2 =	vld.idx.msk [tilespmem:v5+s15+$0x0], $0xffff;
	v0 =	vadd.f32 v1, v0  }
0x2cd: {  	v1 =	vmul.f32 v8, v23;
	v23 =	vld [tilespmem:$0x1FAE0];
	v19 =	vmul.f32 v7, v7;
	v3 =	vadd.f32 v17, v3  }
0x2ce: {  	v4 =	vor.u32 v21, v14;
	v21 =	vld.idx.msk [tilespmem:v36+s15+$0x0], $0xffff  }
0x2cf: {  	v33 =	vld.idx.msk [tilespmem:v13+s14+$0x0], $0xffff;
	v3 =	vadd.f32 v19, v3;
	v19 =	vmul.f32 v31, v31  }
0x2d0: {  	v13 =	vld.idx.msk [tilespmem:v13+s15+$0x0], $0xffff  }
0x2d1: {  	v3 =	vadd.f32 v19, v3;
	v19 =	vld.idx.msk [tilespmem:v36+s14+$0x0], $0xffff  }
0x2d2: {  	v9 =	vmul.f32 v35, v35;
	v36 =	vld [tilespmem:$0x1FBA0]  }
0x2d3: {  	v17 =	vld.idx.msk [tilespmem:v5+s14+$0x0], $0xffff  }
0x2d4: {  	v9 =	vadd.f32 v9, v11;
	v11 =	vmul.f32 v29, v29;
	v5 =	vld.idx.msk [tilespmem:v12+s14+$0x0], $0xffff  }
0x2d5: {  	v20 =	vld [tilespmem:$0x1FAD0]  }
0x2d6: {  	v12 =	vld.idx.msk [tilespmem:v12+s15+$0x0], $0xffff;
	v9 =	vadd.f32 v11, v9;
	v11 =	vmul.f32 v33, v33  }
0x2d7: {  	v6 =	vmul.f32 v6, v27;
	v23 =	vor.u32 v23, v14  }
0x2d8: {  	v27 =	vld [tilespmem:$0x1FAF0];
	v9 =	vadd.f32 v11, v9;
	v11 =	vmul.f32 v13, v13;
	v8 =	vmul.f32 v17, v17  }
0x2d9: {  	v0 =	vadd.f32 v1, v0;
	v10 =	vmul.f32 v10, v25;
	v1 =	vmul.f32 v5, v5  }
0x2da: {  	v3 =	vadd.f32 v11, v3;
	v11 =	vmul.f32 v2, v2;
	v8 =	vadd.f32 v8, v9;
	v9 =	vld.idx.msk [tilespmem:v36+s14+$0x0], $0xffff  }
0x2db: {  	v20 =	vor.u32 v20, v14;
	v0 =	vadd.f32 v10, v0;
	v25 =	vmul.f32 v12, v12;
	v36 =	vld.idx.msk [tilespmem:v36+s15+$0x0], $0xffff  }
0x2dc: {  	v3 =	vadd.f32 v11, v3;
	v1 =	vadd.f32 v1, v8;
	v8 =	vmul.f32 v19, v19  }
0x2dd: {  	v22 =	vmul.f32 v22, v32;
	v0 =	vadd.f32 v6, v0;
	v10 =	vor.u32 v27, v14;
	v27 =	vld.idx.msk [tilespmem:v23+s14+$0x0], $0xffff  }
0x2de: {  	v11 =	vld.idx.msk [tilespmem:v4+s14+$0x0], $0xffff;
	v3 =	vadd.f32 v25, v3;
	v1 =	vadd.f32 v8, v1;
	v8 =	vmul.f32 v21, v21  }
0x2df: {  	v0 =	vadd.f32 v22, v0;
	v4 =	vld.idx.msk [tilespmem:v4+s15+$0x0], $0xffff  }
0x2e0: {  	v22 =	vmul.f32 v24, v34;
	v25 =	vld.idx.msk [tilespmem:v20+s14+$0x0], $0xffff;
	v3 =	vadd.f32 v8, v3;
	v32 =	vmul.f32 v36, v36  }
0x2e1: {  	v18 =	vmul.f32 v18, v37;
	v20 =	vld.idx.msk [tilespmem:v20+s15+$0x0], $0xffff  }
0x2e2: {  	v0 =	vadd.f32 v22, v0;
	v6 =	vmul.f32 v9, v9;
	v3 =	vadd.f32 v32, v3;
	v32 =	vld [tilespmem:$0x1FB00]  }
0x2e3: {  	v37 =	vmul.f32 v28, v30;
	v26 =	vmul.f32 v26, v38;
	v38 =	vld [tilespmem:$0x1FB60]  }
0x2e4: {  	v0 =	vadd.f32 v18, v0;
	v1 =	vadd.f32 v6, v1;
	v6 =	vmul.f32 v11, v11  }
0x2e5: {  	v23 =	vld.idx.msk [tilespmem:v23+s15+$0x0], $0xffff;
	v34 =	vmul.f32 v4, v4  }
0x2e6: {  	v0 =	vadd.f32 v37, v0;
	v1 =	vadd.f32 v6, v1;
	v6 =	vmul.f32 v25, v25  }
0x2e7: {  	v3 =	vadd.f32 v34, v3;
	v34 =	vmul.f32 v20, v20;
	v14 =	vor.u32 v32, v14;
	v32 =	vld [tilespmem:$0x1FBB0]  }
0x2e8: {  	v24 =	vld.idx.msk [tilespmem:v10+s14+$0x0], $0xffff;
	v1 =	vadd.f32 v6, v1;
	v6 =	vmul.f32 v27, v27  }
0x2e9: {  	v7 =	vmul.f32 v7, v35;
	v0 =	vadd.f32 v26, v0;
	v3 =	vadd.f32 v34, v3;
	v34 =	vld [tilespmem:$0x1FB90]  }
0x2ea: {  	v10 =	vld.idx.msk [tilespmem:v10+s15+$0x0], $0xffff;
	v1 =	vadd.f32 v6, v1;
	v6 =	vmul.f32 v23, v23  }
0x2eb: {  	v0 =	vadd.f32 v7, v0;
	v7 =	vld.idx.msk [tilespmem:v38+s15+$0x0], $0xffff  }
0x2ec: {  	v3 =	vadd.f32 v6, v3;
	v6 =	vld.idx.msk [tilespmem:v38+s14+$0x0], $0xffff  }
0x2ed: {  	v38 =	vld [tilespmem:$0x1FB70];
	_ =	sdelay $0x1  }
0x2ee: {  	v28 =	vld.idx.msk [tilespmem:v32+s15+$0x0], $0xffff;
	_ =	sdelay $0x1  }
0x2ef: {  	v22 =	vld.idx.msk [tilespmem:v34+s14+$0x0], $0xffff  }
0x2f0: {  	v30 =	vld.idx.msk [tilespmem:v34+s15+$0x0], $0xffff;
	v34 =	vmul.f32 v10, v10  }
0x2f1: {  	v29 =	vmul.f32 v31, v29  }
0x2f2: {  	v3 =	vadd.f32 v34, v3;
	v26 =	vmul.f32 v28, v28  }
0x2f3: {  	v0 =	vadd.f32 v29, v0;
	v29 =	vld.idx.msk [tilespmem:v38+s15+$0x0], $0xffff  }
0x2f4: {  	v3 =	vadd.f32 v26, v3;
	v26 =	vld.idx.msk [tilespmem:v38+s14+$0x0], $0xffff  }
0x2f5: {  	v38 =	vld [tilespmem:$0x1FB80];
	_ =	sdelay $0x5  }
0x2f6: {  	v8 =	vld.idx.msk [tilespmem:v32+s14+$0x0], $0xffff  }
0x2f7: {  	v32 =	vld.idx.msk [tilespmem:v14+s14+$0x0], $0xffff  }
0x2f8: {  	v31 =	vld.idx.msk [tilespmem:v38+s14+$0x0], $0xffff  }
0x2f9: {  	v37 =	vmul.f32 v24, v24;
	v13 =	vmul.f32 v13, v33;
	v33 =	vld.idx.msk [tilespmem:v38+s15+$0x0], $0xffff  }
0x2fa: {  	v38 =	vld [tilespmem:$0x1FB50]  }
0x2fb: {  	v1 =	vadd.f32 v37, v1;
	v37 =	vmul.f32 v8, v8;
	_ =	sdelay $0x1  }
0x2fc: {  	v14 =	vld.idx.msk [tilespmem:v14+s15+$0x0], $0xffff;
	v1 =	vadd.f32 v37, v1;
	v37 =	vmul.f32 v22, v22;
	_ =	sdelay $0x1  }
0x2fd: {  	v1 =	vadd.f32 v37, v1;
	v37 =	vmul.f32 v32, v32  }
0x2fe: {  	v0 =	vadd.f32 v13, v0;
	v35 =	vmul.f32 v30, v30  }
0x2ff: {  	v2 =	vmul.f32 v2, v17;
	v13 =	vmul.f32 v6, v6;
	v1 =	vadd.f32 v37, v1  }
0x300: {  	v3 =	vadd.f32 v35, v3;
	v37 =	vmul.f32 v14, v14;
	v17 =	vld.idx.msk [tilespmem:v38+s14+$0x0], $0xffff  }
0x301: {  	v0 =	vadd.f32 v2, v0;
	v2 =	vmul.f32 v26, v26;
	v1 =	vadd.f32 v13, v1  }
0x302: {  	v5 =	vmul.f32 v12, v5;
	v3 =	vadd.f32 v37, v3;
	v37 =	vmul.f32 v7, v7  }
0x303: {  	v1 =	vadd.f32 v2, v1;
	v2 =	vmul.f32 v31, v31  }
0x304: {  	v18 =	vmul.f32 v21, v19;
	v0 =	vadd.f32 v5, v0;
	v3 =	vadd.f32 v37, v3  }
0x305: {  	v1 =	vadd.f32 v2, v1;
	v12 =	vld.idx.msk [tilespmem:v38+s15+$0x0], $0xffff;
	v38 =	vmul.f32 v29, v29;
	v2 =	vmul.f32 v17, v17  }
0x306: {  	v0 =	vadd.f32 v18, v0;
	v21 =	vmul.f32 v36, v9  }
0x307: {  	v19 =	vmul.f32 v33, v33;
	v3 =	vadd.f32 v38, v3;
	v1 =	vadd.f32 v2, v1  }
0x308: {  	v4 =	vmul.f32 v4, v11  }
0x309: {  	v0 =	vadd.f32 v21, v0;
	v13 =	vld [tilespmem:$0x1FB30];
	v3 =	vadd.f32 v19, v3;
	v1 =	vmax.f32 v1, $1.000000020e-24  }
0x30a: {  	v18 =	vld [tilespmem:$0x1FB20];
	v2 =	vmul.f32 v12, v12;
	v34 =	vshra.s32 v1, $0x1;
	v1 =	vmul.f32 $5.000000000e-01, v1  }
0x30b: {  	v0 =	vadd.f32 v4, v0;
	v35 =	vsub.s32 $0x5F3759DF, v34  }
0x30c: {  	v2 =	vadd.f32 v2, v3;
	v3 =	vmul.f32 v20, v25;
	v5 =	vmul.f32 v35, v1  }
0x30d: {  	v37 =	vmul.f32 v23, v27  }
0x30e: {  	v11 =	vand.u32 $0x78, v13;
	v0 =	vadd.f32 v3, v0;
	v3 =	vmul.f32 v35, v5  }
0x30f: {  	v11 =	vor.u32 v11, v18  }
0x310: {  	v10 =	vmul.f32 v10, v24;
	v0 =	vadd.f32 v37, v0;
	v3 =	vsub.f32 $1.500000000e+00, v3  }
0x311: {  	v8 =	vmul.f32 v28, v8  }
0x312: {  	v2 =	vmax.f32 v2, $1.000000020e-24;
	v0 =	vadd.f32 v10, v0;
	v3 =	vmul.f32 v35, v3  }
0x313: {  	v20 =	vmul.f32 v30, v22;
	v36 =	vshra.s32 v2, $0x1;
	v2 =	vmul.f32 $5.000000000e-01, v2  }
0x314: {  	v24 =	vld.idx.msk [tilespmem:v11+s11+$0x0], $0xffff;
	v9 =	vsub.s32 $0x5F3759DF, v36;
	v0 =	vadd.f32 v8, v0;
	v21 =	vmul.f32 v3, v1  }
0x315: {  	v38 =	vmul.f32 v9, v2  }
0x316: {  	v23 =	vmul.f32 v14, v32;
	v22 =	vld.idx.msk [tilespmem:v11+s2+$0x0], $0xffff;
	v0 =	vadd.f32 v20, v0;
	v8 =	vmul.f32 v21, v3  }
0x317: {  	v5 =	vmul.f32 v9, v38  }
0x318: {  	v6 =	vmul.f32 v7, v6;
	v0 =	vadd.f32 v23, v0;
	v27 =	vsub.f32 $1.500000000e+00, v8  }
0x319: {  	v33 =	vmul.f32 v33, v31;
	vm3 =	vlt.s32 v24, $0x186A0;
	v19 =	vsub.f32 $1.500000000e+00, v5  }
0x31a: {  	v30 =	vmul.f32 v29, v26;
	v0 =	vadd.f32 v6, v0;
	v3 =	vmul.f32 v27, v3  }
0x31b: {  	v34 =	vld.idx.msk [tilespmem:v11+s12+$0x0], $0xffff;
	vm1 =	vlt.s32 v22, $0x186A0;
	vm2 =	vne.s32 v22, v24;
	v4 =	vmul.f32 v9, v19  }
0x31c: {  	vm1 =	vmand vm1, vm3;
	v0 =	vadd.f32 v30, v0;
	v1 =	vmul.f32 v3, v1  }
0x31d: {  	vm1 =	vmand vm1, vm2;
	v25 =	vmul.f32 v4, v2  }
0x31e: {  	v35 =	vmul.f32 v12, v17;
	v0 =	vadd.f32 v33, v0;
	v1 =	vmul.f32 v1, v3  }
0x31f: {  	v36 =	vsel vm1, $0x3F800000, v40;
	v28 =	vmul.f32 v25, v4  }
0x320: {  	v37 =	vmul.f32 v36, v34;
	v0 =	vadd.f32 v35, v0;
	v1 =	vsub.f32 $1.500000000e+00, v1  }
0x321: {  	v32 =	vsub.f32 $1.500000000e+00, v28  }
0x322: {  	v0 =	vmul.f32 v37, v0;
	v1 =	vmul.f32 v1, v3  }
0x323: {  	v4 =	vmul.f32 v32, v4  }
0x324: {  	v0 =	vmul.f32 v1, v0;
	v1 =	vld [tilespmem:$0x1FA90]  }
0x325: {  	v2 =	vmul.f32 v4, v2;
	_ =	sdelay $0x1  }
0x326: {  	v2 =	vmul.f32 v2, v4;
	v3 =	vmul.f32 v15, v16  }
0x327: {  	v38 =	vld [tilespmem:$0x1FB40]  }
0x328: {  	v2 =	vsub.f32 $1.500000000e+00, v2;
	v1 =	vadd.f32 v3, v1;
	v3 =	vld [tilespmem:$0x1FAA0]  }
0x329: {  	s21 =	sadd.s32 $0x1, s21  }
0x32a: {  	p0 =	sne.s32 s21, $0xC;
	v2 =	vmul.f32 v2, v4  }
.Ltmp1:
0x32b: {  	_ = 	snop;
	(pc) =	sbr.rel @p0 .LBB2_2-.Ltmp1, $4  }
0x32c: {  	v0 =	vmul.f32 v2, v0  }
0x32d: {  	v3 =	vadd.f32 v38, v3  }
0x32e: {  	v2 =	vadd.f32 v0, v1  }
0x32f: {  	v34 =	vld [tilespmem:$0x1FF50];
	v35 =	vmovc v47;
	v37 =	vmov v51;
	v1 =	vadd.f32 v36, v3;
	v36 =	vmov v48  }
0x330: {  	[tilespmem:$0x6580] =	vst v2  }
0x331: {  	[tilespmem:$0x6590] =	vst v1  }
0x332: {  	[hbm4b:s7+s2] =	stream.linear.scatter [tilespmem:s18], [sflag:$0x3], $0x10, $0x38;
	[tilespmem:$0x65A0] =	vst v63  }
0x333: {  	s20 =	sadd.s32 $0x1, s20;
	_ =	swait.ge [sflag:s10], $0x10  }
0x334: {  	p0 =	sne.s32 s20, s9;
	[sflag:s10] =	ssyncset.done $0x0  }
.Ltmp2:
0x335: {  	[sflag:s10] =	ssyncadd.s32 $0xFFFFFFF0;
	(pc) =	sbr.rel @p0 .LBB2_1-.Ltmp2, $4  }
0x336: {  	[hbm4b:s8+s2] =	stream.linear.scatter [tilespmem:s19], [sflag:$0x3], $0x10, $0x38;
	[tilespmem:$0x65A0] =	vst v63  }
0x337: {  	_ =	swait.ge [sflag:s10], $0x10  }
0x338: {  	[sflag:s10] =	ssyncset.done $0x0  }
0x339: {  	[sflag:s10] =	ssyncadd.s32 $0xFFFFFFF0  }
0x33a: {  	_ =	sfence.sel $0x180000  }
0x33b: {  	[bflag:$0x0] =	sbarrier.arrive $0xFFFF  }
0x33c: {  	p0 =	sne.s32 s0, $0x0;
	_ =	strace $0x90000047  }
0x33d: {  	s0 =	sadd.s32 @!p0 $0x100000, s1;
	[bflag:$0x2] =	sbarrier.arrive $0xFFFF  }
0x33e: {  	[sflag:s0] =	ssyncadd.tile.s32 @!p0 $0x1;
	_ =	shalt  }
.Lfunc_end2:
_tile_overlayer_lowered:
.L_overlay_start_2:
0x33f: {  	(tag) =	ssettag $0x2  }
0x340: {  	s0 =	rddreg [dreg:$0x0];
	s2 =	stileid.u32  }
0x341: {  	s1 =	rddreg [dreg:$0x1];
	p0 =	sne.s32 s2, $0x0  }
0x342: {  	s3 =	rddreg [dreg:$0x2];
	[bflag:$0x3] =	sbarrier.arrive $0xFFFF;
	s2 =	simm.s32 @!p0 $0x1C03  }
0x343: {  	[timem:s3], [sflag:s2] =	dma.local @!p0 [hbm:s0], s1  }
0x344: {  	s0 =	simm.s32 @!p0 $0x3  }
0x345: {  	_ =	swait.ge @!p0 [sflag:s0], s1  }
0x346: {  	s1 =	ssub.s32 @!p0 $0x0, s1;
	[sflag:s0] =	ssyncset.done @!p0 $0x0  }
0x347: {  	[sflag:s0] =	ssyncadd.s32 @!p0 s1  }
0x348: {  	[bflag:$0x3] =	sbarrier.arrive $0xFFFF  }
0x349: {  	_ =	shalt  }

</sc_bundles>
